<compile_context>
chip_gen: v7x
topology: tpu7x:2x2x1
jax: 0.10.2.dev20260603
libtpu: 0.0.44.dev20260713+nightly
codegen_flags: <defaults>
</compile_context>

<pallas_src>
import functools

import jax
import jax.numpy as jnp
from jax import lax
from jax.experimental import pallas as pl
from jax.experimental.pallas import tpu as pltpu
from jax.experimental.pallas import tpu_sc as plsc

N_NODES = 10000
D = 128
ROWS_PAD = 10240
PAD_IDX = N_NODES
NC, NS, L = 2, 16, 16
NW = NC * NS
CHUNK = 128
ROWS_PER_TILE = ROWS_PAD // NS

SLAB = 128
SLABP = 128
E_ADJ = 320000
DS = -(-E_ADJ // (NW * SLAB))
MS = -(-E_ADJ // (NS * SLAB))
E_PAIR = 200000
PS = -(-E_PAIR // (NW * SLABP))
DH = D // 2



@functools.cache
def _sc_kernels():
    mesh = plsc.VectorSubcoreMesh(core_axis_name="c", subcore_axis_name="s")

    params = pltpu.CompilerParams(use_tc_tiling_on_sc=False)

    deg = functools.partial(
        pl.kernel, mesh=mesh, compiler_params=params,
        out_type=jax.ShapeDtypeStruct((NC, ROWS_PAD, 16), jnp.float32),
        scratch_types=[
            pltpu.VMEM((DS, SLAB), jnp.int32),
            pltpu.VMEM((SLAB, 16), jnp.float32),
            pltpu.VMEM((ROWS_PER_TILE, 16), jnp.float32),
            pltpu.VMEM_SHARED((ROWS_PAD, 16), jnp.float32),
        ])(_deg_body)

    msg = functools.partial(
        pl.kernel, mesh=mesh, compiler_params=params,
        out_type=jax.ShapeDtypeStruct((NC, ROWS_PAD, DH), jnp.float32),
        scratch_types=[
            pltpu.VMEM((MS, SLAB), jnp.int32),
            pltpu.VMEM((MS, SLAB), jnp.int32),
            pltpu.VMEM((SLAB, DH), jnp.float32),
            pltpu.VMEM((CHUNK, DH), jnp.float32),
            pltpu.VMEM_SHARED((ROWS_PAD, DH), jnp.float32),
            pltpu.SemaphoreType.DMA,
        ])(_msg_body)

    pair = functools.partial(
        pl.kernel, mesh=mesh, compiler_params=params,
        out_type=[jax.ShapeDtypeStruct((NW * PS * SLABP, D), jnp.float32),
                  jax.ShapeDtypeStruct((NW * PS * SLABP, D), jnp.float32)],
        scratch_types=[
            pltpu.VMEM((PS, SLABP), jnp.int32),
            pltpu.VMEM((PS, SLABP), jnp.int32),
            pltpu.VMEM((SLABP, D), jnp.float32),
            pltpu.VMEM((SLABP, D), jnp.float32),
            pltpu.SemaphoreType.DMA,
            pltpu.SemaphoreType.DMA,
        ])(_pair_body)

    return deg, msg, pair


def _deg_body(dst_hbm, out_hbm, dst_v, ones_v, z_v, acc):
    c = lax.axis_index("c")
    s = lax.axis_index("s")
    w = s * NC + c

    def fill_ones(i, carry):
        ones_v[i, :] = jnp.ones((L,), jnp.float32)
        return carry
    lax.fori_loop(0, SLAB, fill_ones, 0)

    def fill_zero(i, carry):
        z_v[i, :] = jnp.zeros((L,), jnp.float32)
        return carry
    lax.fori_loop(0, ROWS_PER_TILE, fill_zero, 0)

    pltpu.sync_copy(z_v, acc.at[pl.ds(s * ROWS_PER_TILE, ROWS_PER_TILE)])
    pltpu.sync_copy(dst_hbm.at[w], dst_v)
    plsc.subcore_barrier()

    def body(j, carry):
        pltpu.sync_copy(ones_v, acc.at[dst_v.at[j]], add=True)
        return carry
    lax.fori_loop(0, DS, body, 0)

    plsc.subcore_barrier()
    sl = pl.ds(s * ROWS_PER_TILE, ROWS_PER_TILE)
    pltpu.sync_copy(acc.at[sl], out_hbm.at[c, sl])


def _msg_body(g2_hbm, src2_hbm, dst_hbm, out_hbm, src_v, dst_v, rows_v, z_v,
              acc, sem):
    c = lax.axis_index("c")
    s = lax.axis_index("s")

    def fill_zero(i, carry):
        for col in range(DH // L):
            z_v[i, pl.ds(col * L, L)] = jnp.zeros((L,), jnp.float32)
        return carry
    lax.fori_loop(0, CHUNK, fill_zero, 0)

    for r in range(ROWS_PER_TILE // CHUNK):
        pltpu.sync_copy(z_v, acc.at[pl.ds(s * ROWS_PER_TILE + r * CHUNK, CHUNK)])
    pltpu.sync_copy(src2_hbm.at[c, s], src_v)
    pltpu.sync_copy(dst_hbm.at[s], dst_v)
    plsc.subcore_barrier()

    def body(j, carry):
        pltpu.async_copy(g2_hbm.at[src_v.at[j]], rows_v, sem).wait()
        pltpu.sync_copy(rows_v, acc.at[dst_v.at[j]], add=True)
        return carry
    lax.fori_loop(0, MS, body, 0)

    plsc.subcore_barrier()
    sl = pl.ds(s * ROWS_PER_TILE, ROWS_PER_TILE)
    pltpu.sync_copy(acc.at[sl], out_hbm.at[c, sl])


def _pair_body(p_hbm, q_hbm, a_hbm, b_hbm, za_hbm, zb_hbm,
               a_v, b_v, bufa, bufb, sga, sgb):
    c = lax.axis_index("c")
    s = lax.axis_index("s")
    w = s * NC + c
    base = w * PS * SLABP

    pltpu.sync_copy(a_hbm.at[w], a_v)
    pltpu.sync_copy(b_hbm.at[w], b_v)

    def body(j, carry):
        cpa = pltpu.async_copy(p_hbm.at[a_v.at[j]], bufa, sga)
        cpb = pltpu.async_copy(q_hbm.at[b_v.at[j]], bufb, sgb)
        sl = pl.ds(base + j * SLABP, SLABP)
        cpa.wait()
        cpb.wait()
        pltpu.sync_copy(bufa, za_hbm.at[sl])
        pltpu.sync_copy(bufb, zb_hbm.at[sl])
        return carry
    lax.fori_loop(0, PS, body, 0)



_BLK = 1024


def _first_layer_body(degp_ref, x_ref, w_ref, dinv_ref, g_ref):
    i = pl.program_id(0)
    deg = degp_ref[0, :, 0:1] + degp_ref[1, :, 0:1] + 1.0
    row = i * _BLK + lax.broadcasted_iota(jnp.int32, (_BLK, 1), 0)
    dinv = jnp.where(row < N_NODES, lax.rsqrt(deg), 0.0)
    dinv_b = jnp.broadcast_to(dinv, (_BLK, D))
    dinv_ref[...] = dinv_b
    g_ref[...] = dinv_b * jnp.dot(x_ref[...], w_ref[...],
                                  preferred_element_type=jnp.float32)


def _first_layer(degp, x_pad, w0):
    return pl.pallas_call(
        _first_layer_body,
        grid=(ROWS_PAD // _BLK,),
        in_specs=[
            pl.BlockSpec((NC, _BLK, 16), lambda i: (0, i, 0)),
            pl.BlockSpec((_BLK, D), lambda i: (i, 0)),
            pl.BlockSpec((D, D), lambda i: (0, 0)),
        ],
        out_specs=[
            pl.BlockSpec((_BLK, D), lambda i: (i, 0)),
            pl.BlockSpec((_BLK, D), lambda i: (i, 0)),
        ],
        out_shape=[
            jax.ShapeDtypeStruct((ROWS_PAD, D), jnp.float32),
            jax.ShapeDtypeStruct((ROWS_PAD, D), jnp.float32),
        ],
    )(degp, x_pad, w0)


def _mid_layer_body(g_ref, p_ref, b_ref, dinv_ref, w_ref, out_ref):
    agg = g_ref[...] + jnp.concatenate([p_ref[0], p_ref[1]], axis=-1)
    h = jnp.maximum(dinv_ref[...] * agg + b_ref[...], 0.0)
    out_ref[...] = dinv_ref[...] * jnp.dot(h, w_ref[...],
                                           preferred_element_type=jnp.float32)


def _mid_layer(g, part, bias, dinv_b, w_next):
    return pl.pallas_call(
        _mid_layer_body,
        grid=(ROWS_PAD // _BLK,),
        in_specs=[
            pl.BlockSpec((_BLK, D), lambda i: (i, 0)),
            pl.BlockSpec((NC, _BLK, DH), lambda i: (0, i, 0)),
            pl.BlockSpec((1, D), lambda i: (0, 0)),
            pl.BlockSpec((_BLK, D), lambda i: (i, 0)),
            pl.BlockSpec((D, D), lambda i: (0, 0)),
        ],
        out_specs=pl.BlockSpec((_BLK, D), lambda i: (i, 0)),
        out_shape=jax.ShapeDtypeStruct((ROWS_PAD, D), jnp.float32),
    )(g, part, bias.reshape(1, D), dinv_b, w_next)


def _last_layer_body(g_ref, p_ref, b_ref, dinv_ref, wa_ref, wb_ref, bl_ref,
                     p_out, q_out):
    agg = g_ref[...] + jnp.concatenate([p_ref[0], p_ref[1]], axis=-1)
    h = dinv_ref[...] * agg + b_ref[...]
    p_out[...] = jnp.dot(h, wa_ref[...], preferred_element_type=jnp.float32)
    q_out[...] = jnp.dot(h, wb_ref[...],
                         preferred_element_type=jnp.float32) + bl_ref[...]


def _last_layer(g, part, bias, dinv_b, wa, wb, bl1):
    return pl.pallas_call(
        _last_layer_body,
        grid=(ROWS_PAD // _BLK,),
        in_specs=[
            pl.BlockSpec((_BLK, D), lambda i: (i, 0)),
            pl.BlockSpec((NC, _BLK, DH), lambda i: (0, i, 0)),
            pl.BlockSpec((1, D), lambda i: (0, 0)),
            pl.BlockSpec((_BLK, D), lambda i: (i, 0)),
            pl.BlockSpec((D, D), lambda i: (0, 0)),
            pl.BlockSpec((D, D), lambda i: (0, 0)),
            pl.BlockSpec((1, D), lambda i: (0, 0)),
        ],
        out_specs=[
            pl.BlockSpec((_BLK, D), lambda i: (i, 0)),
            pl.BlockSpec((_BLK, D), lambda i: (i, 0)),
        ],
        out_shape=[
            jax.ShapeDtypeStruct((ROWS_PAD, D), jnp.float32),
            jax.ShapeDtypeStruct((ROWS_PAD, D), jnp.float32),
        ],
    )(g, part, bias.reshape(1, D), dinv_b, wa, wb, bl1.reshape(1, D))


def _head_body(za_ref, zb_ref, w_ref, b_ref, out_ref):
    u = jnp.maximum(za_ref[...] + zb_ref[...], 0.0)
    logits = jnp.dot(u, w_ref[...],
                     preferred_element_type=jnp.float32) + b_ref[...]
    m = jnp.max(logits, axis=-1, keepdims=True)
    lse = m + jnp.log(jnp.sum(jnp.exp(logits - m), axis=-1, keepdims=True))
    out_ref[...] = logits - lse


def _head(za, zb, wl2, bl2):
    f_pad = za.shape[0]
    return pl.pallas_call(
        _head_body,
        grid=(f_pad // _BLK,),
        in_specs=[
            pl.BlockSpec((_BLK, D), lambda i: (i, 0)),
            pl.BlockSpec((_BLK, D), lambda i: (i, 0)),
            pl.BlockSpec((D, 2), lambda i: (0, 0)),
            pl.BlockSpec((1, 2), lambda i: (0, 0)),
        ],
        out_specs=pl.BlockSpec((_BLK, 2), lambda i: (i, 0)),
        out_shape=jax.ShapeDtypeStruct((f_pad, 2), jnp.float32),
    )(za, zb, wl2, bl2.reshape(1, 2))



def _prep_idx(idx, n_workers, n_slabs, slab):
    total = n_workers * n_slabs * slab
    idx = idx.astype(jnp.int32)
    idx = jnp.pad(idx, (0, total - idx.shape[0]), constant_values=PAD_IDX)
    return idx.reshape(n_workers, n_slabs, slab)


def kernel(x, edge_index, pos_edges_train, neg_edges_train, pos_edges_test,
           neg_edges_test, W0, b0, W1, b1, W2, b2, W3, b3, Wl1, bl1, Wl2, bl2):
    dst32 = _prep_idx(edge_index[1], NW, DS, SLAB)
    src_m = _prep_idx(edge_index[0], NS, MS, SLAB)
    src2 = jnp.stack([2 * src_m, 2 * src_m + 1])
    dst_m = _prep_idx(edge_index[1], NS, MS, SLAB)
    a_idx = _prep_idx(jnp.concatenate([
        pos_edges_train[0], neg_edges_train[0],
        pos_edges_test[0], neg_edges_test[0]]), NW, PS, SLABP)
    b_idx = _prep_idx(jnp.concatenate([
        pos_edges_train[1], neg_edges_train[1],
        pos_edges_test[1], neg_edges_test[1]]), NW, PS, SLABP)

    x_pad = jnp.pad(x, ((0, ROWS_PAD - N_NODES), (0, 0)))

    deg_k, msg_k, pair_k = _sc_kernels()

    degp = deg_k(dst32)
    dinv_b, g = _first_layer(degp, x_pad, W0)

    def g2(arr):
        return arr.reshape(2 * ROWS_PAD, DH)

    part = msg_k(g2(g), src2, dst_m)
    g = _mid_layer(g, part, b0, dinv_b, W1)
    part = msg_k(g2(g), src2, dst_m)
    g = _mid_layer(g, part, b1, dinv_b, W2)
    part = msg_k(g2(g), src2, dst_m)
    g = _mid_layer(g, part, b2, dinv_b, W3)
    part = msg_k(g2(g), src2, dst_m)
    p_tab, q_tab = _last_layer(g, part, b3, dinv_b, Wl1[:D], Wl1[D:], bl1)

    za, zb = pair_k(p_tab, q_tab, a_idx, b_idx)
    z = _head(za, zb, Wl2, bl2)

    n_train = 2 * pos_edges_train.shape[1]
    n_total = n_train + 2 * pos_edges_test.shape[1]
    return (z[:n_train], z[n_train:n_total])

# --- scband reference (transcript-rebuilt; emitter-appended) ---
"""Pipeline reference for scband-ba-shapes-gcn-edge-multiclass-26371099198065 (READ-ONLY COPY).

The authoritative reference and input builder live on the scoring server;
editing this copy changes nothing except your own understanding.
"""

import jax, jax.numpy as jnp
import numpy as np

N_NODES = 10000
D_IN = 128
D_HID = 128
N_CLASSES = 2


def gcn_conv(x, W, b, edge_index):
    num_nodes = x.shape[0]
    loop = jnp.arange(num_nodes, dtype=edge_index.dtype)
    src = jnp.concatenate([edge_index[0], loop])
    dst = jnp.concatenate([edge_index[1], loop])
    deg = jnp.zeros((num_nodes,), dtype=x.dtype).at[dst].add(1.0)
    dinv = jnp.where(deg > 0, jax.lax.rsqrt(jnp.maximum(deg, 1e-12)), 0.0)
    norm = dinv[src] * dinv[dst]
    h = x @ W
    msg = h[src] * norm[:, None]
    out = jnp.zeros((num_nodes, W.shape[1]), dtype=x.dtype).at[dst].add(msg)
    return out + b


def setup_inputs(seed: int = 0) -> dict:
    key = jax.random.key(seed)
    ks = jax.random.split(key, 20)
    inp = {}
    inp["x"] = jax.random.normal(ks[0], (N_NODES, D_IN), dtype=jnp.float32)
    inp["edge_index"] = jax.random.randint(ks[1], (2, 320000), 0, N_NODES, dtype=jnp.int64)
    inp["pos_edges_train"] = jax.random.randint(ks[2], (2, 80000), 0, N_NODES, dtype=jnp.int64)
    inp["neg_edges_train"] = jax.random.randint(ks[3], (2, 80000), 0, N_NODES, dtype=jnp.int64)
    inp["pos_edges_test"] = jax.random.randint(ks[4], (2, 20000), 0, N_NODES, dtype=jnp.int64)
    inp["neg_edges_test"] = jax.random.randint(ks[5], (2, 20000), 0, N_NODES, dtype=jnp.int64)
    sc = 0.1
    inp["W0"] = jax.random.normal(ks[6], (D_IN, D_HID), dtype=jnp.float32) * sc
    inp["b0"] = jnp.zeros((D_HID,), dtype=jnp.float32)
    inp["W1"] = jax.random.normal(ks[7], (D_HID, D_HID), dtype=jnp.float32) * sc
    inp["b1"] = jnp.zeros((D_HID,), dtype=jnp.float32)
    inp["W2"] = jax.random.normal(ks[8], (D_HID, D_HID), dtype=jnp.float32) * sc
    inp["b2"] = jnp.zeros((D_HID,), dtype=jnp.float32)
    inp["W3"] = jax.random.normal(ks[9], (D_HID, D_HID), dtype=jnp.float32) * sc
    inp["b3"] = jnp.zeros((D_HID,), dtype=jnp.float32)
    inp["Wl1"] = jax.random.normal(ks[10], (2 * D_HID, D_HID), dtype=jnp.float32) * sc
    inp["bl1"] = jnp.zeros((D_HID,), dtype=jnp.float32)
    inp["Wl2"] = jax.random.normal(ks[11], (D_HID, N_CLASSES), dtype=jnp.float32) * sc
    inp["bl2"] = jnp.zeros((N_CLASSES,), dtype=jnp.float32)
    return inp


def reference(x, edge_index, pos_edges_train, neg_edges_train, pos_edges_test, neg_edges_test,
              W0, b0, W1, b1, W2, b2, W3, b3, Wl1, bl1, Wl2, bl2):
    h = jax.nn.relu(gcn_conv(x, W0, b0, edge_index))
    h = jax.nn.relu(gcn_conv(h, W1, b1, edge_index))
    h = jax.nn.relu(gcn_conv(h, W2, b2, edge_index))
    h = gcn_conv(h, W3, b3, edge_index)
    x1 = jnp.concatenate([h[pos_edges_train[0]], h[pos_edges_train[1]]], axis=1)
    x2 = jnp.concatenate([h[neg_edges_train[0]], h[neg_edges_train[1]]], axis=1)
    x3 = jnp.concatenate([h[pos_edges_test[0]], h[pos_edges_test[1]]], axis=1)
    x4 = jnp.concatenate([h[neg_edges_test[0]], h[neg_edges_test[1]]], axis=1)
    x_train = jnp.concatenate([x1, x2], axis=0)
    n_train = x_train.shape[0]
    x_test = jnp.concatenate([x3, x4], axis=0)
    z = jnp.concatenate([x_train, x_test], axis=0)
    z = jax.nn.relu(z @ Wl1 + bl1)
    z = z @ Wl2 + bl2
    z = jax.nn.log_softmax(z, axis=-1)
    return (z[:n_train], z[n_train:])

if __name__ == "__main__":
    import jax
    _d = setup_inputs()
    print(jax.jit(kernel)(*tuple(_d.values())))

</pallas_src>

<mosaic_0001>
#map = affine_map<(d0, d1) -> (0, 0)>
#map1 = affine_map<(d0, d1) -> (0, 0, 0, 0)>
#map2 = affine_map<(d0, d1) -> (0, 0, 0)>
module attributes {stable_mosaic.version = 14 : i64} {
  func.func @_msg_body(%arg0: i32, %arg1: i32, %arg2: memref<20480x64xf32, #tpu.memory_space<hbm>>, %arg3: memref<2x16x157x128xi32, #tpu.memory_space<hbm>>, %arg4: memref<16x157x128xi32, #tpu.memory_space<hbm>>, %arg5: memref<2x10240x64xf32, #tpu.memory_space<hbm>>, %arg6: memref<157x128xi32, #tpu.memory_space<vmem>>, %arg7: memref<157x128xi32, #tpu.memory_space<vmem>>, %arg8: memref<128x64xf32, #tpu.memory_space<vmem>>, %arg9: memref<128x64xf32, #tpu.memory_space<vmem>>, %arg10: memref<10240x64xf32, #tpu.memory_space<vmem_shared>>, %arg11: memref<!tpu.dma_semaphore, #tpu.memory_space<semaphore_mem>>) attributes {dimension_semantics = [#tpu.dimension_semantics<core_parallel>, #tpu.dimension_semantics<subcore_parallel>], iteration_bounds = array<i64: 2, 16>, scalar_prefetch = 0 : i64, scratch_operands = 6 : i64, tpu.core_type = #tpu.core_type<sc_vector_subcore>, window_params = [{transform_indices = #map}, {transform_indices = #map1}, {transform_indices = #map2}, {transform_indices = #map2}]} {
    %scan3A = arith.constant 0 : i32
    %scan3A_0 = arith.constant 0 : i32
    %scan3A_1 = arith.constant 128 : i32
    %scan3A_2 = arith.addi %scan3A_0, %scan3A_1 : i32
    %scan3A_3 = arith.constant 1 : i32
    scf.for %scan3A_32 = %scan3A_0 to %scan3A_2 step %scan3A_3  : i32 {
      %broadcast_in_dim3A = arith.constant 0.000000e+00 : f32
      %broadcast_in_dim3A_33 = vector.broadcast %broadcast_in_dim3A : f32 to vector<16xf32>
      %swap3A = arith.index_cast %scan3A_32 : i32 to index
      %swap3A_34 = arith.constant 0 : index
      %swap3A_35 = tpu.vector_load %arg9[%swap3A, %swap3A_34] {strides = array<i32>} : memref<128x64xf32, #tpu.memory_space<vmem>>, vector<1x16xf32>,
      %swap3A_36 = vector.shape_cast %swap3A_35 : vector<1x16xf32> to vector<16xf32>
      %swap3A_37 = vector.shape_cast %broadcast_in_dim3A_33 : vector<16xf32> to vector<1x16xf32>
      tpu.vector_store %arg9[%swap3A, %swap3A_34], %swap3A_37 {strides = array<i32>} : memref<128x64xf32, #tpu.memory_space<vmem>>, vector<1x16xf32>,
      %broadcast_in_dim3A_38 = arith.constant 0.000000e+00 : f32
      %broadcast_in_dim3A_39 = vector.broadcast %broadcast_in_dim3A_38 : f32 to vector<16xf32>
      %swap3A_40 = arith.index_cast %scan3A_32 : i32 to index
      %swap3A_41 = arith.constant 16 : index
      %swap3A_42 = tpu.vector_load %arg9[%swap3A_40, %swap3A_41] {strides = array<i32>} : memref<128x64xf32, #tpu.memory_space<vmem>>, vector<1x16xf32>,
      %swap3A_43 = vector.shape_cast %swap3A_42 : vector<1x16xf32> to vector<16xf32>
      %swap3A_44 = vector.shape_cast %broadcast_in_dim3A_39 : vector<16xf32> to vector<1x16xf32>
      tpu.vector_store %arg9[%swap3A_40, %swap3A_41], %swap3A_44 {strides = array<i32>} : memref<128x64xf32, #tpu.memory_space<vmem>>, vector<1x16xf32>,
      %broadcast_in_dim3A_45 = arith.constant 0.000000e+00 : f32
      %broadcast_in_dim3A_46 = vector.broadcast %broadcast_in_dim3A_45 : f32 to vector<16xf32>
      %swap3A_47 = arith.index_cast %scan3A_32 : i32 to index
      %swap3A_48 = arith.constant 32 : index
      %swap3A_49 = tpu.vector_load %arg9[%swap3A_47, %swap3A_48] {strides = array<i32>} : memref<128x64xf32, #tpu.memory_space<vmem>>, vector<1x16xf32>,
      %swap3A_50 = vector.shape_cast %swap3A_49 : vector<1x16xf32> to vector<16xf32>
      %swap3A_51 = vector.shape_cast %broadcast_in_dim3A_46 : vector<16xf32> to vector<1x16xf32>
      tpu.vector_store %arg9[%swap3A_47, %swap3A_48], %swap3A_51 {strides = array<i32>} : memref<128x64xf32, #tpu.memory_space<vmem>>, vector<1x16xf32>,
      %broadcast_in_dim3A_52 = arith.constant 0.000000e+00 : f32
      %broadcast_in_dim3A_53 = vector.broadcast %broadcast_in_dim3A_52 : f32 to vector<16xf32>
      %swap3A_54 = arith.index_cast %scan3A_32 : i32 to index
      %swap3A_55 = arith.constant 48 : index
      %swap3A_56 = tpu.vector_load %arg9[%swap3A_54, %swap3A_55] {strides = array<i32>} : memref<128x64xf32, #tpu.memory_space<vmem>>, vector<1x16xf32>,
      %swap3A_57 = vector.shape_cast %swap3A_56 : vector<1x16xf32> to vector<16xf32>
      %swap3A_58 = vector.shape_cast %broadcast_in_dim3A_53 : vector<16xf32> to vector<1x16xf32>
      tpu.vector_store %arg9[%swap3A_54, %swap3A_55], %swap3A_58 {strides = array<i32>} : memref<128x64xf32, #tpu.memory_space<vmem>>, vector<1x16xf32>,
    }
    %scan3A_4 = arith.constant 128 : i32
    %mul3A = arith.constant 640 : i32
    %mul3A_5 = arith.muli %arg1, %mul3A : i32
    %add3A = arith.constant 0 : i32
    %add3A_6 = arith.addi %mul3A_5, %add3A : i32
    "tpu.region"() ({
      %run_scoped3A = tpu.sem_alloc : memref<!tpu.dma_semaphore, #tpu.memory_space<semaphore_mem>>
      %dma_start3A = arith.constant 0 : i32
      %dma_start3A_32 = tpu.memref_slice %arg10[%add3A_6, %dma_start3A] : memref<10240x64xf32, #tpu.memory_space<vmem_shared>> -> memref<128x64xf32, #tpu.memory_space<vmem_shared>>
      %dma_start3A_33 = arith.constant 0 : i32
      %dma_start3A_34 = tpu.memref_slice %arg10[%add3A_6, %dma_start3A_33] : memref<10240x64xf32, #tpu.memory_space<vmem_shared>> -> memref<128x64xf32, #tpu.memory_space<vmem_shared>>
      tpu.enqueue_dma source(%arg9 : memref<128x64xf32, #tpu.memory_space<vmem>>) target(%dma_start3A_34 : memref<128x64xf32, #tpu.memory_space<vmem_shared>>) target_semaphore(%run_scoped3A : memref<!tpu.dma_semaphore, #tpu.memory_space<semaphore_mem>>)
      %dma_wait3A = arith.constant 0 : i32
      %dma_wait3A_35 = tpu.memref_slice %arg10[%add3A_6, %dma_wait3A] : memref<10240x64xf32, #tpu.memory_space<vmem_shared>> -> memref<128x64xf32, #tpu.memory_space<vmem_shared>>
      %dma_wait3A_36 = arith.constant 0 : i32
      %dma_wait3A_37 = tpu.memref_slice %arg10[%add3A_6, %dma_wait3A_36] : memref<10240x64xf32, #tpu.memory_space<vmem_shared>> -> memref<128x64xf32, #tpu.memory_space<vmem_shared>>
      tpu.wait_dma2 semaphore(%run_scoped3A : memref<!tpu.dma_semaphore, #tpu.memory_space<semaphore_mem>>) src(%arg9 : memref<128x64xf32, #tpu.memory_space<vmem>>) dst(%dma_wait3A_37 : memref<128x64xf32, #tpu.memory_space<vmem_shared>>)
      tpu.yield
    }) : () -> ()
    %mul3A_7 = arith.constant 640 : i32
    %mul3A_8 = arith.muli %arg1, %mul3A_7 : i32
    %add3A_9 = arith.constant 128 : i32
    %add3A_10 = arith.addi %mul3A_8, %add3A_9 : i32
    "tpu.region"() ({
      %run_scoped3A = tpu.sem_alloc : memref<!tpu.dma_semaphore, #tpu.memory_space<semaphore_mem>>
      %dma_start3A = arith.constant 0 : i32
      %dma_start3A_32 = tpu.memref_slice %arg10[%add3A_10, %dma_start3A] : memref<10240x64xf32, #tpu.memory_space<vmem_shared>> -> memref<128x64xf32, #tpu.memory_space<vmem_shared>>
      %dma_start3A_33 = arith.constant 0 : i32
      %dma_start3A_34 = tpu.memref_slice %arg10[%add3A_10, %dma_start3A_33] : memref<10240x64xf32, #tpu.memory_space<vmem_shared>> -> memref<128x64xf32, #tpu.memory_space<vmem_shared>>
      tpu.enqueue_dma source(%arg9 : memref<128x64xf32, #tpu.memory_space<vmem>>) target(%dma_start3A_34 : memref<128x64xf32, #tpu.memory_space<vmem_shared>>) target_semaphore(%run_scoped3A : memref<!tpu.dma_semaphore, #tpu.memory_space<semaphore_mem>>)
      %dma_wait3A = arith.constant 0 : i32
      %dma_wait3A_35 = tpu.memref_slice %arg10[%add3A_10, %dma_wait3A] : memref<10240x64xf32, #tpu.memory_space<vmem_shared>> -> memref<128x64xf32, #tpu.memory_space<vmem_shared>>
      %dma_wait3A_36 = arith.constant 0 : i32
      %dma_wait3A_37 = tpu.memref_slice %arg10[%add3A_10, %dma_wait3A_36] : memref<10240x64xf32, #tpu.memory_space<vmem_shared>> -> memref<128x64xf32, #tpu.memory_space<vmem_shared>>
      tpu.wait_dma2 semaphore(%run_scoped3A : memref<!tpu.dma_semaphore, #tpu.memory_space<semaphore_mem>>) src(%arg9 : memref<128x64xf32, #tpu.memory_space<vmem>>) dst(%dma_wait3A_37 : memref<128x64xf32, #tpu.memory_space<vmem_shared>>)
      tpu.yield
    }) : () -> ()
    %mul3A_11 = arith.constant 640 : i32
    %mul3A_12 = arith.muli %arg1, %mul3A_11 : i32
    %add3A_13 = arith.constant 256 : i32
    %add3A_14 = arith.addi %mul3A_12, %add3A_13 : i32
    "tpu.region"() ({
      %run_scoped3A = tpu.sem_alloc : memref<!tpu.dma_semaphore, #tpu.memory_space<semaphore_mem>>
      %dma_start3A = arith.constant 0 : i32
      %dma_start3A_32 = tpu.memref_slice %arg10[%add3A_14, %dma_start3A] : memref<10240x64xf32, #tpu.memory_space<vmem_shared>> -> memref<128x64xf32, #tpu.memory_space<vmem_shared>>
      %dma_start3A_33 = arith.constant 0 : i32
      %dma_start3A_34 = tpu.memref_slice %arg10[%add3A_14, %dma_start3A_33] : memref<10240x64xf32, #tpu.memory_space<vmem_shared>> -> memref<128x64xf32, #tpu.memory_space<vmem_shared>>
      tpu.enqueue_dma source(%arg9 : memref<128x64xf32, #tpu.memory_space<vmem>>) target(%dma_start3A_34 : memref<128x64xf32, #tpu.memory_space<vmem_shared>>) target_semaphore(%run_scoped3A : memref<!tpu.dma_semaphore, #tpu.memory_space<semaphore_mem>>)
      %dma_wait3A = arith.constant 0 : i32
      %dma_wait3A_35 = tpu.memref_slice %arg10[%add3A_14, %dma_wait3A] : memref<10240x64xf32, #tpu.memory_space<vmem_shared>> -> memref<128x64xf32, #tpu.memory_space<vmem_shared>>
      %dma_wait3A_36 = arith.constant 0 : i32
      %dma_wait3A_37 = tpu.memref_slice %arg10[%add3A_14, %dma_wait3A_36] : memref<10240x64xf32, #tpu.memory_space<vmem_shared>> -> memref<128x64xf32, #tpu.memory_space<vmem_shared>>
      tpu.wait_dma2 semaphore(%run_scoped3A : memref<!tpu.dma_semaphore, #tpu.memory_space<semaphore_mem>>) src(%arg9 : memref<128x64xf32, #tpu.memory_space<vmem>>) dst(%dma_wait3A_37 : memref<128x64xf32, #tpu.memory_space<vmem_shared>>)
      tpu.yield
    }) : () -> ()
    %mul3A_15 = arith.constant 640 : i32
    %mul3A_16 = arith.muli %arg1, %mul3A_15 : i32
    %add3A_17 = arith.constant 384 : i32
    %add3A_18 = arith.addi %mul3A_16, %add3A_17 : i32
    "tpu.region"() ({
      %run_scoped3A = tpu.sem_alloc : memref<!tpu.dma_semaphore, #tpu.memory_space<semaphore_mem>>
      %dma_start3A = arith.constant 0 : i32
      %dma_start3A_32 = tpu.memref_slice %arg10[%add3A_18, %dma_start3A] : memref<10240x64xf32, #tpu.memory_space<vmem_shared>> -> memref<128x64xf32, #tpu.memory_space<vmem_shared>>
      %dma_start3A_33 = arith.constant 0 : i32
      %dma_start3A_34 = tpu.memref_slice %arg10[%add3A_18, %dma_start3A_33] : memref<10240x64xf32, #tpu.memory_space<vmem_shared>> -> memref<128x64xf32, #tpu.memory_space<vmem_shared>>
      tpu.enqueue_dma source(%arg9 : memref<128x64xf32, #tpu.memory_space<vmem>>) target(%dma_start3A_34 : memref<128x64xf32, #tpu.memory_space<vmem_shared>>) target_semaphore(%run_scoped3A : memref<!tpu.dma_semaphore, #tpu.memory_space<semaphore_mem>>)
      %dma_wait3A = arith.constant 0 : i32
      %dma_wait3A_35 = tpu.memref_slice %arg10[%add3A_18, %dma_wait3A] : memref<10240x64xf32, #tpu.memory_space<vmem_shared>> -> memref<128x64xf32, #tpu.memory_space<vmem_shared>>
      %dma_wait3A_36 = arith.constant 0 : i32
      %dma_wait3A_37 = tpu.memref_slice %arg10[%add3A_18, %dma_wait3A_36] : memref<10240x64xf32, #tpu.memory_space<vmem_shared>> -> memref<128x64xf32, #tpu.memory_space<vmem_shared>>
      tpu.wait_dma2 semaphore(%run_scoped3A : memref<!tpu.dma_semaphore, #tpu.memory_space<semaphore_mem>>) src(%arg9 : memref<128x64xf32, #tpu.memory_space<vmem>>) dst(%dma_wait3A_37 : memref<128x64xf32, #tpu.memory_space<vmem_shared>>)
      tpu.yield
    }) : () -> ()
    %mul3A_19 = arith.constant 640 : i32
    %mul3A_20 = arith.muli %arg1, %mul3A_19 : i32
    %add3A_21 = arith.constant 512 : i32
    %add3A_22 = arith.addi %mul3A_20, %add3A_21 : i32
    "tpu.region"() ({
      %run_scoped3A = tpu.sem_alloc : memref<!tpu.dma_semaphore, #tpu.memory_space<semaphore_mem>>
      %dma_start3A = arith.constant 0 : i32
      %dma_start3A_32 = tpu.memref_slice %arg10[%add3A_22, %dma_start3A] : memref<10240x64xf32, #tpu.memory_space<vmem_shared>> -> memref<128x64xf32, #tpu.memory_space<vmem_shared>>
      %dma_start3A_33 = arith.constant 0 : i32
      %dma_start3A_34 = tpu.memref_slice %arg10[%add3A_22, %dma_start3A_33] : memref<10240x64xf32, #tpu.memory_space<vmem_shared>> -> memref<128x64xf32, #tpu.memory_space<vmem_shared>>
      tpu.enqueue_dma source(%arg9 : memref<128x64xf32, #tpu.memory_space<vmem>>) target(%dma_start3A_34 : memref<128x64xf32, #tpu.memory_space<vmem_shared>>) target_semaphore(%run_scoped3A : memref<!tpu.dma_semaphore, #tpu.memory_space<semaphore_mem>>)
      %dma_wait3A = arith.constant 0 : i32
      %dma_wait3A_35 = tpu.memref_slice %arg10[%add3A_22, %dma_wait3A] : memref<10240x64xf32, #tpu.memory_space<vmem_shared>> -> memref<128x64xf32, #tpu.memory_space<vmem_shared>>
      %dma_wait3A_36 = arith.constant 0 : i32
      %dma_wait3A_37 = tpu.memref_slice %arg10[%add3A_22, %dma_wait3A_36] : memref<10240x64xf32, #tpu.memory_space<vmem_shared>> -> memref<128x64xf32, #tpu.memory_space<vmem_shared>>
      tpu.wait_dma2 semaphore(%run_scoped3A : memref<!tpu.dma_semaphore, #tpu.memory_space<semaphore_mem>>) src(%arg9 : memref<128x64xf32, #tpu.memory_space<vmem>>) dst(%dma_wait3A_37 : memref<128x64xf32, #tpu.memory_space<vmem_shared>>)
      tpu.yield
    }) : () -> ()
    "tpu.region"() ({
      %run_scoped3A = tpu.sem_alloc : memref<!tpu.dma_semaphore, #tpu.memory_space<semaphore_mem>>
      %dma_start3A = arith.constant 0 : i32
      %dma_start3A_32 = arith.constant 0 : i32
      %dma_start3A_33 = tpu.memref_slice %arg3[%arg0, %arg1, %dma_start3A, %dma_start3A_32] : memref<2x16x157x128xi32, #tpu.memory_space<hbm>> -> memref<1x1x157x128xi32, #tpu.memory_space<hbm>>
      %dma_start3A_34 = tpu.memref_squeeze %dma_start3A_33 : memref<1x1x157x128xi32, #tpu.memory_space<hbm>> -> memref<157x128xi32, #tpu.memory_space<hbm>>
      %dma_start3A_35 = arith.constant 0 : i32
      %dma_start3A_36 = arith.constant 0 : i32
      %dma_start3A_37 = tpu.memref_slice %arg3[%arg0, %arg1, %dma_start3A_35, %dma_start3A_36] : memref<2x16x157x128xi32, #tpu.memory_space<hbm>> -> memref<1x1x157x128xi32, #tpu.memory_space<hbm>>
      %dma_start3A_38 = tpu.memref_squeeze %dma_start3A_37 : memref<1x1x157x128xi32, #tpu.memory_space<hbm>> -> memref<157x128xi32, #tpu.memory_space<hbm>>
      tpu.enqueue_dma source(%dma_start3A_38 : memref<157x128xi32, #tpu.memory_space<hbm>>) target(%arg6 : memref<157x128xi32, #tpu.memory_space<vmem>>) target_semaphore(%run_scoped3A : memref<!tpu.dma_semaphore, #tpu.memory_space<semaphore_mem>>)
      %dma_wait3A = arith.constant 0 : i32
      %dma_wait3A_39 = arith.constant 0 : i32
      %dma_wait3A_40 = tpu.memref_slice %arg3[%arg0, %arg1, %dma_wait3A, %dma_wait3A_39] : memref<2x16x157x128xi32, #tpu.memory_space<hbm>> -> memref<1x1x157x128xi32, #tpu.memory_space<hbm>>
      %dma_wait3A_41 = tpu.memref_squeeze %dma_wait3A_40 : memref<1x1x157x128xi32, #tpu.memory_space<hbm>> -> memref<157x128xi32, #tpu.memory_space<hbm>>
      %dma_wait3A_42 = arith.constant 0 : i32
      %dma_wait3A_43 = arith.constant 0 : i32
      %dma_wait3A_44 = tpu.memref_slice %arg3[%arg0, %arg1, %dma_wait3A_42, %dma_wait3A_43] : memref<2x16x157x128xi32, #tpu.memory_space<hbm>> -> memref<1x1x157x128xi32, #tpu.memory_space<hbm>>
      %dma_wait3A_45 = tpu.memref_squeeze %dma_wait3A_44 : memref<1x1x157x128xi32, #tpu.memory_space<hbm>> -> memref<157x128xi32, #tpu.memory_space<hbm>>
      tpu.wait_dma2 semaphore(%run_scoped3A : memref<!tpu.dma_semaphore, #tpu.memory_space<semaphore_mem>>) src(%dma_wait3A_45 : memref<157x128xi32, #tpu.memory_space<hbm>>) dst(%arg6 : memref<157x128xi32, #tpu.memory_space<vmem>>)
      tpu.yield
    }) : () -> ()
    "tpu.region"() ({
      %run_scoped3A = tpu.sem_alloc : memref<!tpu.dma_semaphore, #tpu.memory_space<semaphore_mem>>
      %dma_start3A = arith.constant 0 : i32
      %dma_start3A_32 = arith.constant 0 : i32
      %dma_start3A_33 = tpu.memref_slice %arg4[%arg1, %dma_start3A, %dma_start3A_32] : memref<16x157x128xi32, #tpu.memory_space<hbm>> -> memref<1x157x128xi32, #tpu.memory_space<hbm>>
      %dma_start3A_34 = tpu.memref_squeeze %dma_start3A_33 : memref<1x157x128xi32, #tpu.memory_space<hbm>> -> memref<157x128xi32, #tpu.memory_space<hbm>>
      %dma_start3A_35 = arith.constant 0 : i32
      %dma_start3A_36 = arith.constant 0 : i32
      %dma_start3A_37 = tpu.memref_slice %arg4[%arg1, %dma_start3A_35, %dma_start3A_36] : memref<16x157x128xi32, #tpu.memory_space<hbm>> -> memref<1x157x128xi32, #tpu.memory_space<hbm>>
      %dma_start3A_38 = tpu.memref_squeeze %dma_start3A_37 : memref<1x157x128xi32, #tpu.memory_space<hbm>> -> memref<157x128xi32, #tpu.memory_space<hbm>>
      tpu.enqueue_dma source(%dma_start3A_38 : memref<157x128xi32, #tpu.memory_space<hbm>>) target(%arg7 : memref<157x128xi32, #tpu.memory_space<vmem>>) target_semaphore(%run_scoped3A : memref<!tpu.dma_semaphore, #tpu.memory_space<semaphore_mem>>)
      %dma_wait3A = arith.constant 0 : i32
      %dma_wait3A_39 = arith.constant 0 : i32
      %dma_wait3A_40 = tpu.memref_slice %arg4[%arg1, %dma_wait3A, %dma_wait3A_39] : memref<16x157x128xi32, #tpu.memory_space<hbm>> -> memref<1x157x128xi32, #tpu.memory_space<hbm>>
      %dma_wait3A_41 = tpu.memref_squeeze %dma_wait3A_40 : memref<1x157x128xi32, #tpu.memory_space<hbm>> -> memref<157x128xi32, #tpu.memory_space<hbm>>
      %dma_wait3A_42 = arith.constant 0 : i32
      %dma_wait3A_43 = arith.constant 0 : i32
      %dma_wait3A_44 = tpu.memref_slice %arg4[%arg1, %dma_wait3A_42, %dma_wait3A_43] : memref<16x157x128xi32, #tpu.memory_space<hbm>> -> memref<1x157x128xi32, #tpu.memory_space<hbm>>
      %dma_wait3A_45 = tpu.memref_squeeze %dma_wait3A_44 : memref<1x157x128xi32, #tpu.memory_space<hbm>> -> memref<157x128xi32, #tpu.memory_space<hbm>>
      tpu.wait_dma2 semaphore(%run_scoped3A : memref<!tpu.dma_semaphore, #tpu.memory_space<semaphore_mem>>) src(%dma_wait3A_45 : memref<157x128xi32, #tpu.memory_space<hbm>>) dst(%arg7 : memref<157x128xi32, #tpu.memory_space<vmem>>)
      tpu.yield
    }) : () -> ()
    %barrier3A = arith.constant 0 : index
    tpu.barrier barrier_id(%barrier3A)
    %scan3A_23 = arith.constant 0 : i32
    %scan3A_24 = arith.constant 0 : i32
    %scan3A_25 = arith.constant 157 : i32
    %scan3A_26 = arith.addi %scan3A_24, %scan3A_25 : i32
    %scan3A_27 = arith.constant 1 : i32
    scf.for %scan3A_32 = %scan3A_24 to %scan3A_26 step %scan3A_27  : i32 {
      %dma_start3A = arith.constant 0 : i32
      %dma_start3A_33 = tpu.memref_slice %arg6[%scan3A_32, %dma_start3A] : memref<157x128xi32, #tpu.memory_space<vmem>> -> memref<1x128xi32, #tpu.memory_space<vmem>>
      %dma_start3A_34 = tpu.memref_squeeze %dma_start3A_33 : memref<1x128xi32, #tpu.memory_space<vmem>> -> memref<128xi32, #tpu.memory_space<vmem>>
      %dma_start3A_35 = arith.constant 0 : i32
      %dma_start3A_36 = arith.constant 0 : i32
      %dma_start3A_37 = tpu.memref_slice %arg2[%dma_start3A_35, %dma_start3A_36] : memref<20480x64xf32, #tpu.memory_space<hbm>> -> memref<20480x64xf32, #tpu.memory_space<hbm>>
      tpu.enqueue_indirect_dma source(%dma_start3A_37 : memref<20480x64xf32, #tpu.memory_space<hbm>>) target(%arg8 : memref<128x64xf32, #tpu.memory_space<vmem>>) offsets(%dma_start3A_34 : memref<128xi32, #tpu.memory_space<vmem>>) semaphore(%arg11 : memref<!tpu.dma_semaphore, #tpu.memory_space<semaphore_mem>>)
      %dma_wait3A = arith.constant 0 : i32
      %dma_wait3A_38 = tpu.memref_slice %arg6[%scan3A_32, %dma_wait3A] : memref<157x128xi32, #tpu.memory_space<vmem>> -> memref<1x128xi32, #tpu.memory_space<vmem>>
      %dma_wait3A_39 = tpu.memref_squeeze %dma_wait3A_38 : memref<1x128xi32, #tpu.memory_space<vmem>> -> memref<128xi32, #tpu.memory_space<vmem>>
      %dma_wait3A_40 = arith.constant 0 : i32
      %dma_wait3A_41 = arith.constant 0 : i32
      %dma_wait3A_42 = tpu.memref_slice %arg2[%dma_wait3A_40, %dma_wait3A_41] : memref<20480x64xf32, #tpu.memory_space<hbm>> -> memref<20480x64xf32, #tpu.memory_space<hbm>>
      tpu.wait_indirect_dma semaphore(%arg11 : memref<!tpu.dma_semaphore, #tpu.memory_space<semaphore_mem>>) src(%dma_wait3A_42 : memref<20480x64xf32, #tpu.memory_space<hbm>>) dst(%arg8 : memref<128x64xf32, #tpu.memory_space<vmem>>)
      "tpu.region"() ({
        %run_scoped3A = tpu.sem_alloc : memref<!tpu.dma_semaphore, #tpu.memory_space<semaphore_mem>>
        %dma_start3A_43 = arith.constant 0 : i32
        %dma_start3A_44 = tpu.memref_slice %arg7[%scan3A_32, %dma_start3A_43] : memref<157x128xi32, #tpu.memory_space<vmem>> -> memref<1x128xi32, #tpu.memory_space<vmem>>
        %dma_start3A_45 = tpu.memref_squeeze %dma_start3A_44 : memref<1x128xi32, #tpu.memory_space<vmem>> -> memref<128xi32, #tpu.memory_space<vmem>>
        %dma_start3A_46 = arith.constant 0 : i32
        %dma_start3A_47 = arith.constant 0 : i32
        %dma_start3A_48 = tpu.memref_slice %arg10[%dma_start3A_46, %dma_start3A_47] : memref<10240x64xf32, #tpu.memory_space<vmem_shared>> -> memref<10240x64xf32, #tpu.memory_space<vmem_shared>>
        tpu.enqueue_indirect_dma source(%arg8 : memref<128x64xf32, #tpu.memory_space<vmem>>) target(%dma_start3A_48 : memref<10240x64xf32, #tpu.memory_space<vmem_shared>>) offsets(%dma_start3A_45 : memref<128xi32, #tpu.memory_space<vmem>>) semaphore(%run_scoped3A : memref<!tpu.dma_semaphore, #tpu.memory_space<semaphore_mem>>) {add = true}
        %dma_wait3A_49 = arith.constant 0 : i32
        %dma_wait3A_50 = tpu.memref_slice %arg7[%scan3A_32, %dma_wait3A_49] : memref<157x128xi32, #tpu.memory_space<vmem>> -> memref<1x128xi32, #tpu.memory_space<vmem>>
        %dma_wait3A_51 = tpu.memref_squeeze %dma_wait3A_50 : memref<1x128xi32, #tpu.memory_space<vmem>> -> memref<128xi32, #tpu.memory_space<vmem>>
        %dma_wait3A_52 = arith.constant 0 : i32
        %dma_wait3A_53 = arith.constant 0 : i32
        %dma_wait3A_54 = tpu.memref_slice %arg10[%dma_wait3A_52, %dma_wait3A_53] : memref<10240x64xf32, #tpu.memory_space<vmem_shared>> -> memref<10240x64xf32, #tpu.memory_space<vmem_shared>>
        tpu.wait_indirect_dma semaphore(%run_scoped3A : memref<!tpu.dma_semaphore, #tpu.memory_space<semaphore_mem>>) src(%arg8 : memref<128x64xf32, #tpu.memory_space<vmem>>) dst(%dma_wait3A_54 : memref<10240x64xf32, #tpu.memory_space<vmem_shared>>)
        tpu.yield
      }) : () -> ()
    }
    %scan3A_28 = arith.constant 157 : i32
    %barrier3A_29 = arith.constant 0 : index
    tpu.barrier barrier_id(%barrier3A_29)
    %mul3A_30 = arith.constant 640 : i32
    %mul3A_31 = arith.muli %arg1, %mul3A_30 : i32
    "tpu.region"() ({
      %run_scoped3A = tpu.sem_alloc : memref<!tpu.dma_semaphore, #tpu.memory_space<semaphore_mem>>
      %dma_start3A = arith.constant 0 : i32
      %dma_start3A_32 = tpu.memref_slice %arg5[%arg0, %mul3A_31, %dma_start3A] : memref<2x10240x64xf32, #tpu.memory_space<hbm>> -> memref<1x640x64xf32, #tpu.memory_space<hbm>>
      %dma_start3A_33 = tpu.memref_squeeze %dma_start3A_32 : memref<1x640x64xf32, #tpu.memory_space<hbm>> -> memref<640x64xf32, #tpu.memory_space<hbm>>
      %dma_start3A_34 = arith.constant 0 : i32
      %dma_start3A_35 = tpu.memref_slice %arg10[%mul3A_31, %dma_start3A_34] : memref<10240x64xf32, #tpu.memory_space<vmem_shared>> -> memref<640x64xf32, #tpu.memory_space<vmem_shared>>
      tpu.enqueue_dma source(%dma_start3A_35 : memref<640x64xf32, #tpu.memory_space<vmem_shared>>) target(%dma_start3A_33 : memref<640x64xf32, #tpu.memory_space<hbm>>) target_semaphore(%run_scoped3A : memref<!tpu.dma_semaphore, #tpu.memory_space<semaphore_mem>>)
      %dma_wait3A = arith.constant 0 : i32
      %dma_wait3A_36 = tpu.memref_slice %arg5[%arg0, %mul3A_31, %dma_wait3A] : memref<2x10240x64xf32, #tpu.memory_space<hbm>> -> memref<1x640x64xf32, #tpu.memory_space<hbm>>
      %dma_wait3A_37 = tpu.memref_squeeze %dma_wait3A_36 : memref<1x640x64xf32, #tpu.memory_space<hbm>> -> memref<640x64xf32, #tpu.memory_space<hbm>>
      %dma_wait3A_38 = arith.constant 0 : i32
      %dma_wait3A_39 = tpu.memref_slice %arg10[%mul3A_31, %dma_wait3A_38] : memref<10240x64xf32, #tpu.memory_space<vmem_shared>> -> memref<640x64xf32, #tpu.memory_space<vmem_shared>>
      tpu.wait_dma2 semaphore(%run_scoped3A : memref<!tpu.dma_semaphore, #tpu.memory_space<semaphore_mem>>) src(%dma_wait3A_39 : memref<640x64xf32, #tpu.memory_space<vmem_shared>>) dst(%dma_wait3A_37 : memref<640x64xf32, #tpu.memory_space<hbm>>)
      tpu.yield
    }) : () -> ()
    return
  }
}

#map = affine_map<(d0, d1) -> (0, 0, 0)>
module attributes {stable_mosaic.version = 14 : i64} {
  func.func @_deg_body(%arg0: i32, %arg1: i32, %arg2: memref<32x79x128xi32, #tpu.memory_space<hbm>>, %arg3: memref<2x10240x16xf32, #tpu.memory_space<hbm>>, %arg4: memref<79x128xi32, #tpu.memory_space<vmem>>, %arg5: memref<128x16xf32, #tpu.memory_space<vmem>>, %arg6: memref<640x16xf32, #tpu.memory_space<vmem>>, %arg7: memref<10240x16xf32, #tpu.memory_space<vmem_shared>>) attributes {dimension_semantics = [#tpu.dimension_semantics<core_parallel>, #tpu.dimension_semantics<subcore_parallel>], iteration_bounds = array<i64: 2, 16>, scalar_prefetch = 0 : i64, scratch_operands = 4 : i64, tpu.core_type = #tpu.core_type<sc_vector_subcore>, window_params = [{transform_indices = #map}, {transform_indices = #map}]} {
    %mul3A = arith.constant 2 : i32
    %mul3A_0 = arith.muli %arg1, %mul3A : i32
    %add3A = arith.addi %mul3A_0, %arg0 : i32
    %scan3A = arith.constant 0 : i32
    %scan3A_1 = arith.constant 0 : i32
    %scan3A_2 = arith.constant 128 : i32
    %scan3A_3 = arith.addi %scan3A_1, %scan3A_2 : i32
    %scan3A_4 = arith.constant 1 : i32
    scf.for %scan3A_23 = %scan3A_1 to %scan3A_3 step %scan3A_4  : i32 {
      %broadcast_in_dim3A = arith.constant 1.000000e+00 : f32
      %broadcast_in_dim3A_24 = vector.broadcast %broadcast_in_dim3A : f32 to vector<16xf32>
      %swap3A = arith.index_cast %scan3A_23 : i32 to index
      %swap3A_25 = arith.constant 0 : index
      %swap3A_26 = tpu.vector_load %arg5[%swap3A, %swap3A_25] {strides = array<i32>} : memref<128x16xf32, #tpu.memory_space<vmem>>, vector<1x16xf32>,
      %swap3A_27 = vector.shape_cast %swap3A_26 : vector<1x16xf32> to vector<16xf32>
      %swap3A_28 = vector.shape_cast %broadcast_in_dim3A_24 : vector<16xf32> to vector<1x16xf32>
      tpu.vector_store %arg5[%swap3A, %swap3A_25], %swap3A_28 {strides = array<i32>} : memref<128x16xf32, #tpu.memory_space<vmem>>, vector<1x16xf32>,
    }
    %scan3A_5 = arith.constant 128 : i32
    %scan3A_6 = arith.constant 0 : i32
    %scan3A_7 = arith.constant 0 : i32
    %scan3A_8 = arith.constant 640 : i32
    %scan3A_9 = arith.addi %scan3A_7, %scan3A_8 : i32
    %scan3A_10 = arith.constant 1 : i32
    scf.for %scan3A_23 = %scan3A_7 to %scan3A_9 step %scan3A_10  : i32 {
      %broadcast_in_dim3A = arith.constant 0.000000e+00 : f32
      %broadcast_in_dim3A_24 = vector.broadcast %broadcast_in_dim3A : f32 to vector<16xf32>
      %swap3A = arith.index_cast %scan3A_23 : i32 to index
      %swap3A_25 = arith.constant 0 : index
      %swap3A_26 = tpu.vector_load %arg6[%swap3A, %swap3A_25] {strides = array<i32>} : memref<640x16xf32, #tpu.memory_space<vmem>>, vector<1x16xf32>,
      %swap3A_27 = vector.shape_cast %swap3A_26 : vector<1x16xf32> to vector<16xf32>
      %swap3A_28 = vector.shape_cast %broadcast_in_dim3A_24 : vector<16xf32> to vector<1x16xf32>
      tpu.vector_store %arg6[%swap3A, %swap3A_25], %swap3A_28 {strides = array<i32>} : memref<640x16xf32, #tpu.memory_space<vmem>>, vector<1x16xf32>,
    }
    %scan3A_11 = arith.constant 640 : i32
    %mul3A_12 = arith.constant 640 : i32
    %mul3A_13 = arith.muli %arg1, %mul3A_12 : i32
    "tpu.region"() ({
      %run_scoped3A = tpu.sem_alloc : memref<!tpu.dma_semaphore, #tpu.memory_space<semaphore_mem>>
      %dma_start3A = arith.constant 0 : i32
      %dma_start3A_23 = tpu.memref_slice %arg7[%mul3A_13, %dma_start3A] : memref<10240x16xf32, #tpu.memory_space<vmem_shared>> -> memref<640x16xf32, #tpu.memory_space<vmem_shared>>
      %dma_start3A_24 = arith.constant 0 : i32
      %dma_start3A_25 = tpu.memref_slice %arg7[%mul3A_13, %dma_start3A_24] : memref<10240x16xf32, #tpu.memory_space<vmem_shared>> -> memref<640x16xf32, #tpu.memory_space<vmem_shared>>
      tpu.enqueue_dma source(%arg6 : memref<640x16xf32, #tpu.memory_space<vmem>>) target(%dma_start3A_25 : memref<640x16xf32, #tpu.memory_space<vmem_shared>>) target_semaphore(%run_scoped3A : memref<!tpu.dma_semaphore, #tpu.memory_space<semaphore_mem>>)
      %dma_wait3A = arith.constant 0 : i32
      %dma_wait3A_26 = tpu.memref_slice %arg7[%mul3A_13, %dma_wait3A] : memref<10240x16xf32, #tpu.memory_space<vmem_shared>> -> memref<640x16xf32, #tpu.memory_space<vmem_shared>>
      %dma_wait3A_27 = arith.constant 0 : i32
      %dma_wait3A_28 = tpu.memref_slice %arg7[%mul3A_13, %dma_wait3A_27] : memref<10240x16xf32, #tpu.memory_space<vmem_shared>> -> memref<640x16xf32, #tpu.memory_space<vmem_shared>>
      tpu.wait_dma2 semaphore(%run_scoped3A : memref<!tpu.dma_semaphore, #tpu.memory_space<semaphore_mem>>) src(%arg6 : memref<640x16xf32, #tpu.memory_space<vmem>>) dst(%dma_wait3A_28 : memref<640x16xf32, #tpu.memory_space<vmem_shared>>)
      tpu.yield
    }) : () -> ()
    "tpu.region"() ({
      %run_scoped3A = tpu.sem_alloc : memref<!tpu.dma_semaphore, #tpu.memory_space<semaphore_mem>>
      %dma_start3A = arith.constant 0 : i32
      %dma_start3A_23 = arith.constant 0 : i32
      %dma_start3A_24 = tpu.memref_slice %arg2[%add3A, %dma_start3A, %dma_start3A_23] : memref<32x79x128xi32, #tpu.memory_space<hbm>> -> memref<1x79x128xi32, #tpu.memory_space<hbm>>
      %dma_start3A_25 = tpu.memref_squeeze %dma_start3A_24 : memref<1x79x128xi32, #tpu.memory_space<hbm>> -> memref<79x128xi32, #tpu.memory_space<hbm>>
      %dma_start3A_26 = arith.constant 0 : i32
      %dma_start3A_27 = arith.constant 0 : i32
      %dma_start3A_28 = tpu.memref_slice %arg2[%add3A, %dma_start3A_26, %dma_start3A_27] : memref<32x79x128xi32, #tpu.memory_space<hbm>> -> memref<1x79x128xi32, #tpu.memory_space<hbm>>
      %dma_start3A_29 = tpu.memref_squeeze %dma_start3A_28 : memref<1x79x128xi32, #tpu.memory_space<hbm>> -> memref<79x128xi32, #tpu.memory_space<hbm>>
      tpu.enqueue_dma source(%dma_start3A_29 : memref<79x128xi32, #tpu.memory_space<hbm>>) target(%arg4 : memref<79x128xi32, #tpu.memory_space<vmem>>) target_semaphore(%run_scoped3A : memref<!tpu.dma_semaphore, #tpu.memory_space<semaphore_mem>>)
      %dma_wait3A = arith.constant 0 : i32
      %dma_wait3A_30 = arith.constant 0 : i32
      %dma_wait3A_31 = tpu.memref_slice %arg2[%add3A, %dma_wait3A, %dma_wait3A_30] : memref<32x79x128xi32, #tpu.memory_space<hbm>> -> memref<1x79x128xi32, #tpu.memory_space<hbm>>
      %dma_wait3A_32 = tpu.memref_squeeze %dma_wait3A_31 : memref<1x79x128xi32, #tpu.memory_space<hbm>> -> memref<79x128xi32, #tpu.memory_space<hbm>>
      %dma_wait3A_33 = arith.constant 0 : i32
      %dma_wait3A_34 = arith.constant 0 : i32
      %dma_wait3A_35 = tpu.memref_slice %arg2[%add3A, %dma_wait3A_33, %dma_wait3A_34] : memref<32x79x128xi32, #tpu.memory_space<hbm>> -> memref<1x79x128xi32, #tpu.memory_space<hbm>>
      %dma_wait3A_36 = tpu.memref_squeeze %dma_wait3A_35 : memref<1x79x128xi32, #tpu.memory_space<hbm>> -> memref<79x128xi32, #tpu.memory_space<hbm>>
      tpu.wait_dma2 semaphore(%run_scoped3A : memref<!tpu.dma_semaphore, #tpu.memory_space<semaphore_mem>>) src(%dma_wait3A_36 : memref<79x128xi32, #tpu.memory_space<hbm>>) dst(%arg4 : memref<79x128xi32, #tpu.memory_space<vmem>>)
      tpu.yield
    }) : () -> ()
    %barrier3A = arith.constant 0 : index
    tpu.barrier barrier_id(%barrier3A)
    %scan3A_14 = arith.constant 0 : i32
    %scan3A_15 = arith.constant 0 : i32
    %scan3A_16 = arith.constant 79 : i32
    %scan3A_17 = arith.addi %scan3A_15, %scan3A_16 : i32
    %scan3A_18 = arith.constant 1 : i32
    scf.for %scan3A_23 = %scan3A_15 to %scan3A_17 step %scan3A_18  : i32 {
      "tpu.region"() ({
        %run_scoped3A = tpu.sem_alloc : memref<!tpu.dma_semaphore, #tpu.memory_space<semaphore_mem>>
        %dma_start3A = arith.constant 0 : i32
        %dma_start3A_24 = tpu.memref_slice %arg4[%scan3A_23, %dma_start3A] : memref<79x128xi32, #tpu.memory_space<vmem>> -> memref<1x128xi32, #tpu.memory_space<vmem>>
        %dma_start3A_25 = tpu.memref_squeeze %dma_start3A_24 : memref<1x128xi32, #tpu.memory_space<vmem>> -> memref<128xi32, #tpu.memory_space<vmem>>
        %dma_start3A_26 = arith.constant 0 : i32
        %dma_start3A_27 = arith.constant 0 : i32
        %dma_start3A_28 = tpu.memref_slice %arg7[%dma_start3A_26, %dma_start3A_27] : memref<10240x16xf32, #tpu.memory_space<vmem_shared>> -> memref<10240x16xf32, #tpu.memory_space<vmem_shared>>
        tpu.enqueue_indirect_dma source(%arg5 : memref<128x16xf32, #tpu.memory_space<vmem>>) target(%dma_start3A_28 : memref<10240x16xf32, #tpu.memory_space<vmem_shared>>) offsets(%dma_start3A_25 : memref<128xi32, #tpu.memory_space<vmem>>) semaphore(%run_scoped3A : memref<!tpu.dma_semaphore, #tpu.memory_space<semaphore_mem>>) {add = true}
        %dma_wait3A = arith.constant 0 : i32
        %dma_wait3A_29 = tpu.memref_slice %arg4[%scan3A_23, %dma_wait3A] : memref<79x128xi32, #tpu.memory_space<vmem>> -> memref<1x128xi32, #tpu.memory_space<vmem>>
        %dma_wait3A_30 = tpu.memref_squeeze %dma_wait3A_29 : memref<1x128xi32, #tpu.memory_space<vmem>> -> memref<128xi32, #tpu.memory_space<vmem>>
        %dma_wait3A_31 = arith.constant 0 : i32
        %dma_wait3A_32 = arith.constant 0 : i32
        %dma_wait3A_33 = tpu.memref_slice %arg7[%dma_wait3A_31, %dma_wait3A_32] : memref<10240x16xf32, #tpu.memory_space<vmem_shared>> -> memref<10240x16xf32, #tpu.memory_space<vmem_shared>>
        tpu.wait_indirect_dma semaphore(%run_scoped3A : memref<!tpu.dma_semaphore, #tpu.memory_space<semaphore_mem>>) src(%arg5 : memref<128x16xf32, #tpu.memory_space<vmem>>) dst(%dma_wait3A_33 : memref<10240x16xf32, #tpu.memory_space<vmem_shared>>)
        tpu.yield
      }) : () -> ()
    }
    %scan3A_19 = arith.constant 79 : i32
    %barrier3A_20 = arith.constant 0 : index
    tpu.barrier barrier_id(%barrier3A_20)
    %mul3A_21 = arith.constant 640 : i32
    %mul3A_22 = arith.muli %arg1, %mul3A_21 : i32
    "tpu.region"() ({
      %run_scoped3A = tpu.sem_alloc : memref<!tpu.dma_semaphore, #tpu.memory_space<semaphore_mem>>
      %dma_start3A = arith.constant 0 : i32
      %dma_start3A_23 = tpu.memref_slice %arg3[%arg0, %mul3A_22, %dma_start3A] : memref<2x10240x16xf32, #tpu.memory_space<hbm>> -> memref<1x640x16xf32, #tpu.memory_space<hbm>>
      %dma_start3A_24 = tpu.memref_squeeze %dma_start3A_23 : memref<1x640x16xf32, #tpu.memory_space<hbm>> -> memref<640x16xf32, #tpu.memory_space<hbm>>
      %dma_start3A_25 = arith.constant 0 : i32
      %dma_start3A_26 = tpu.memref_slice %arg7[%mul3A_22, %dma_start3A_25] : memref<10240x16xf32, #tpu.memory_space<vmem_shared>> -> memref<640x16xf32, #tpu.memory_space<vmem_shared>>
      tpu.enqueue_dma source(%dma_start3A_26 : memref<640x16xf32, #tpu.memory_space<vmem_shared>>) target(%dma_start3A_24 : memref<640x16xf32, #tpu.memory_space<hbm>>) target_semaphore(%run_scoped3A : memref<!tpu.dma_semaphore, #tpu.memory_space<semaphore_mem>>)
      %dma_wait3A = arith.constant 0 : i32
      %dma_wait3A_27 = tpu.memref_slice %arg3[%arg0, %mul3A_22, %dma_wait3A] : memref<2x10240x16xf32, #tpu.memory_space<hbm>> -> memref<1x640x16xf32, #tpu.memory_space<hbm>>
      %dma_wait3A_28 = tpu.memref_squeeze %dma_wait3A_27 : memref<1x640x16xf32, #tpu.memory_space<hbm>> -> memref<640x16xf32, #tpu.memory_space<hbm>>
      %dma_wait3A_29 = arith.constant 0 : i32
      %dma_wait3A_30 = tpu.memref_slice %arg7[%mul3A_22, %dma_wait3A_29] : memref<10240x16xf32, #tpu.memory_space<vmem_shared>> -> memref<640x16xf32, #tpu.memory_space<vmem_shared>>
      tpu.wait_dma2 semaphore(%run_scoped3A : memref<!tpu.dma_semaphore, #tpu.memory_space<semaphore_mem>>) src(%dma_wait3A_30 : memref<640x16xf32, #tpu.memory_space<vmem_shared>>) dst(%dma_wait3A_28 : memref<640x16xf32, #tpu.memory_space<hbm>>)
      tpu.yield
    }) : () -> ()
    return
  }
}

#map = affine_map<(d0, d1) -> (0, 0)>
#map1 = affine_map<(d0, d1) -> (0, 0, 0, 0)>
#map2 = affine_map<(d0, d1) -> (0, 0, 0)>
module attributes {stable_mosaic.version = 14 : i64} {
  func.func @_msg_body(%arg0: i32, %arg1: i32, %arg2: memref<20480x64xf32, #tpu.memory_space<hbm>>, %arg3: memref<2x16x157x128xi32, #tpu.memory_space<hbm>>, %arg4: memref<16x157x128xi32, #tpu.memory_space<hbm>>, %arg5: memref<2x10240x64xf32, #tpu.memory_space<hbm>>, %arg6: memref<157x128xi32, #tpu.memory_space<vmem>>, %arg7: memref<157x128xi32, #tpu.memory_space<vmem>>, %arg8: memref<128x64xf32, #tpu.memory_space<vmem>>, %arg9: memref<128x64xf32, #tpu.memory_space<vmem>>, %arg10: memref<10240x64xf32, #tpu.memory_space<vmem_shared>>, %arg11: memref<!tpu.dma_semaphore, #tpu.memory_space<semaphore_mem>>) attributes {dimension_semantics = [#tpu.dimension_semantics<core_parallel>, #tpu.dimension_semantics<subcore_parallel>], iteration_bounds = array<i64: 2, 16>, scalar_prefetch = 0 : i64, scratch_operands = 6 : i64, tpu.core_type = #tpu.core_type<sc_vector_subcore>, window_params = [{transform_indices = #map}, {transform_indices = #map1}, {transform_indices = #map2}, {transform_indices = #map2}]} {
    %scan3A = arith.constant 0 : i32
    %scan3A_0 = arith.constant 0 : i32
    %scan3A_1 = arith.constant 128 : i32
    %scan3A_2 = arith.addi %scan3A_0, %scan3A_1 : i32
    %scan3A_3 = arith.constant 1 : i32
    scf.for %scan3A_32 = %scan3A_0 to %scan3A_2 step %scan3A_3  : i32 {
      %broadcast_in_dim3A = arith.constant 0.000000e+00 : f32
      %broadcast_in_dim3A_33 = vector.broadcast %broadcast_in_dim3A : f32 to vector<16xf32>
      %swap3A = arith.index_cast %scan3A_32 : i32 to index
      %swap3A_34 = arith.constant 0 : index
      %swap3A_35 = tpu.vector_load %arg9[%swap3A, %swap3A_34] {strides = array<i32>} : memref<128x64xf32, #tpu.memory_space<vmem>>, vector<1x16xf32>,
      %swap3A_36 = vector.shape_cast %swap3A_35 : vector<1x16xf32> to vector<16xf32>
      %swap3A_37 = vector.shape_cast %broadcast_in_dim3A_33 : vector<16xf32> to vector<1x16xf32>
      tpu.vector_store %arg9[%swap3A, %swap3A_34], %swap3A_37 {strides = array<i32>} : memref<128x64xf32, #tpu.memory_space<vmem>>, vector<1x16xf32>,
      %broadcast_in_dim3A_38 = arith.constant 0.000000e+00 : f32
      %broadcast_in_dim3A_39 = vector.broadcast %broadcast_in_dim3A_38 : f32 to vector<16xf32>
      %swap3A_40 = arith.index_cast %scan3A_32 : i32 to index
      %swap3A_41 = arith.constant 16 : index
      %swap3A_42 = tpu.vector_load %arg9[%swap3A_40, %swap3A_41] {strides = array<i32>} : memref<128x64xf32, #tpu.memory_space<vmem>>, vector<1x16xf32>,
      %swap3A_43 = vector.shape_cast %swap3A_42 : vector<1x16xf32> to vector<16xf32>
      %swap3A_44 = vector.shape_cast %broadcast_in_dim3A_39 : vector<16xf32> to vector<1x16xf32>
      tpu.vector_store %arg9[%swap3A_40, %swap3A_41], %swap3A_44 {strides = array<i32>} : memref<128x64xf32, #tpu.memory_space<vmem>>, vector<1x16xf32>,
      %broadcast_in_dim3A_45 = arith.constant 0.000000e+00 : f32
      %broadcast_in_dim3A_46 = vector.broadcast %broadcast_in_dim3A_45 : f32 to vector<16xf32>
      %swap3A_47 = arith.index_cast %scan3A_32 : i32 to index
      %swap3A_48 = arith.constant 32 : index
      %swap3A_49 = tpu.vector_load %arg9[%swap3A_47, %swap3A_48] {strides = array<i32>} : memref<128x64xf32, #tpu.memory_space<vmem>>, vector<1x16xf32>,
      %swap3A_50 = vector.shape_cast %swap3A_49 : vector<1x16xf32> to vector<16xf32>
      %swap3A_51 = vector.shape_cast %broadcast_in_dim3A_46 : vector<16xf32> to vector<1x16xf32>
      tpu.vector_store %arg9[%swap3A_47, %swap3A_48], %swap3A_51 {strides = array<i32>} : memref<128x64xf32, #tpu.memory_space<vmem>>, vector<1x16xf32>,
      %broadcast_in_dim3A_52 = arith.constant 0.000000e+00 : f32
      %broadcast_in_dim3A_53 = vector.broadcast %broadcast_in_dim3A_52 : f32 to vector<16xf32>
      %swap3A_54 = arith.index_cast %scan3A_32 : i32 to index
      %swap3A_55 = arith.constant 48 : index
      %swap3A_56 = tpu.vector_load %arg9[%swap3A_54, %swap3A_55] {strides = array<i32>} : memref<128x64xf32, #tpu.memory_space<vmem>>, vector<1x16xf32>,
      %swap3A_57 = vector.shape_cast %swap3A_56 : vector<1x16xf32> to vector<16xf32>
      %swap3A_58 = vector.shape_cast %broadcast_in_dim3A_53 : vector<16xf32> to vector<1x16xf32>
      tpu.vector_store %arg9[%swap3A_54, %swap3A_55], %swap3A_58 {strides = array<i32>} : memref<128x64xf32, #tpu.memory_space<vmem>>, vector<1x16xf32>,
    }
    %scan3A_4 = arith.constant 128 : i32
    %mul3A = arith.constant 640 : i32
    %mul3A_5 = arith.muli %arg1, %mul3A : i32
    %add3A = arith.constant 0 : i32
    %add3A_6 = arith.addi %mul3A_5, %add3A : i32
    "tpu.region"() ({
      %run_scoped3A = tpu.sem_alloc : memref<!tpu.dma_semaphore, #tpu.memory_space<semaphore_mem>>
      %dma_start3A = arith.constant 0 : i32
      %dma_start3A_32 = tpu.memref_slice %arg10[%add3A_6, %dma_start3A] : memref<10240x64xf32, #tpu.memory_space<vmem_shared>> -> memref<128x64xf32, #tpu.memory_space<vmem_shared>>
      %dma_start3A_33 = arith.constant 0 : i32
      %dma_start3A_34 = tpu.memref_slice %arg10[%add3A_6, %dma_start3A_33] : memref<10240x64xf32, #tpu.memory_space<vmem_shared>> -> memref<128x64xf32, #tpu.memory_space<vmem_shared>>
      tpu.enqueue_dma source(%arg9 : memref<128x64xf32, #tpu.memory_space<vmem>>) target(%dma_start3A_34 : memref<128x64xf32, #tpu.memory_space<vmem_shared>>) target_semaphore(%run_scoped3A : memref<!tpu.dma_semaphore, #tpu.memory_space<semaphore_mem>>)
      %dma_wait3A = arith.constant 0 : i32
      %dma_wait3A_35 = tpu.memref_slice %arg10[%add3A_6, %dma_wait3A] : memref<10240x64xf32, #tpu.memory_space<vmem_shared>> -> memref<128x64xf32, #tpu.memory_space<vmem_shared>>
      %dma_wait3A_36 = arith.constant 0 : i32
      %dma_wait3A_37 = tpu.memref_slice %arg10[%add3A_6, %dma_wait3A_36] : memref<10240x64xf32, #tpu.memory_space<vmem_shared>> -> memref<128x64xf32, #tpu.memory_space<vmem_shared>>
      tpu.wait_dma2 semaphore(%run_scoped3A : memref<!tpu.dma_semaphore, #tpu.memory_space<semaphore_mem>>) src(%arg9 : memref<128x64xf32, #tpu.memory_space<vmem>>) dst(%dma_wait3A_37 : memref<128x64xf32, #tpu.memory_space<vmem_shared>>)
      tpu.yield
    }) : () -> ()
    %mul3A_7 = arith.constant 640 : i32
    %mul3A_8 = arith.muli %arg1, %mul3A_7 : i32
    %add3A_9 = arith.constant 128 : i32
    %add3A_10 = arith.addi %mul3A_8, %add3A_9 : i32
    "tpu.region"() ({
      %run_scoped3A = tpu.sem_alloc : memref<!tpu.dma_semaphore, #tpu.memory_space<semaphore_mem>>
      %dma_start3A = arith.constant 0 : i32
      %dma_start3A_32 = tpu.memref_slice %arg10[%add3A_10, %dma_start3A] : memref<10240x64xf32, #tpu.memory_space<vmem_shared>> -> memref<128x64xf32, #tpu.memory_space<vmem_shared>>
      %dma_start3A_33 = arith.constant 0 : i32
      %dma_start3A_34 = tpu.memref_slice %arg10[%add3A_10, %dma_start3A_33] : memref<10240x64xf32, #tpu.memory_space<vmem_shared>> -> memref<128x64xf32, #tpu.memory_space<vmem_shared>>
      tpu.enqueue_dma source(%arg9 : memref<128x64xf32, #tpu.memory_space<vmem>>) target(%dma_start3A_34 : memref<128x64xf32, #tpu.memory_space<vmem_shared>>) target_semaphore(%run_scoped3A : memref<!tpu.dma_semaphore, #tpu.memory_space<semaphore_mem>>)
      %dma_wait3A = arith.constant 0 : i32
      %dma_wait3A_35 = tpu.memref_slice %arg10[%add3A_10, %dma_wait3A] : memref<10240x64xf32, #tpu.memory_space<vmem_shared>> -> memref<128x64xf32, #tpu.memory_space<vmem_shared>>
      %dma_wait3A_36 = arith.constant 0 : i32
      %dma_wait3A_37 = tpu.memref_slice %arg10[%add3A_10, %dma_wait3A_36] : memref<10240x64xf32, #tpu.memory_space<vmem_shared>> -> memref<128x64xf32, #tpu.memory_space<vmem_shared>>
      tpu.wait_dma2 semaphore(%run_scoped3A : memref<!tpu.dma_semaphore, #tpu.memory_space<semaphore_mem>>) src(%arg9 : memref<128x64xf32, #tpu.memory_space<vmem>>) dst(%dma_wait3A_37 : memref<128x64xf32, #tpu.memory_space<vmem_shared>>)
      tpu.yield
    }) : () -> ()
    %mul3A_11 = arith.constant 640 : i32
    %mul3A_12 = arith.muli %arg1, %mul3A_11 : i32
    %add3A_13 = arith.constant 256 : i32
    %add3A_14 = arith.addi %mul3A_12, %add3A_13 : i32
    "tpu.region"() ({
      %run_scoped3A = tpu.sem_alloc : memref<!tpu.dma_semaphore, #tpu.memory_space<semaphore_mem>>
      %dma_start3A = arith.constant 0 : i32
      %dma_start3A_32 = tpu.memref_slice %arg10[%add3A_14, %dma_start3A] : memref<10240x64xf32, #tpu.memory_space<vmem_shared>> -> memref<128x64xf32, #tpu.memory_space<vmem_shared>>
      %dma_start3A_33 = arith.constant 0 : i32
      %dma_start3A_34 = tpu.memref_slice %arg10[%add3A_14, %dma_start3A_33] : memref<10240x64xf32, #tpu.memory_space<vmem_shared>> -> memref<128x64xf32, #tpu.memory_space<vmem_shared>>
      tpu.enqueue_dma source(%arg9 : memref<128x64xf32, #tpu.memory_space<vmem>>) target(%dma_start3A_34 : memref<128x64xf32, #tpu.memory_space<vmem_shared>>) target_semaphore(%run_scoped3A : memref<!tpu.dma_semaphore, #tpu.memory_space<semaphore_mem>>)
      %dma_wait3A = arith.constant 0 : i32
      %dma_wait3A_35 = tpu.memref_slice %arg10[%add3A_14, %dma_wait3A] : memref<10240x64xf32, #tpu.memory_space<vmem_shared>> -> memref<128x64xf32, #tpu.memory_space<vmem_shared>>
      %dma_wait3A_36 = arith.constant 0 : i32
      %dma_wait3A_37 = tpu.memref_slice %arg10[%add3A_14, %dma_wait3A_36] : memref<10240x64xf32, #tpu.memory_space<vmem_shared>> -> memref<128x64xf32, #tpu.memory_space<vmem_shared>>
      tpu.wait_dma2 semaphore(%run_scoped3A : memref<!tpu.dma_semaphore, #tpu.memory_space<semaphore_mem>>) src(%arg9 : memref<128x64xf32, #tpu.memory_space<vmem>>) dst(%dma_wait3A_37 : memref<128x64xf32, #tpu.memory_space<vmem_shared>>)
      tpu.yield
    }) : () -> ()
    %mul3A_15 = arith.constant 640 : i32
    %mul3A_16 = arith.muli %arg1, %mul3A_15 : i32
    %add3A_17 = arith.constant 384 : i32
    %add3A_18 = arith.addi %mul3A_16, %add3A_17 : i32
    "tpu.region"() ({
      %run_scoped3A = tpu.sem_alloc : memref<!tpu.dma_semaphore, #tpu.memory_space<semaphore_mem>>
      %dma_start3A = arith.constant 0 : i32
      %dma_start3A_32 = tpu.memref_slice %arg10[%add3A_18, %dma_start3A] : memref<10240x64xf32, #tpu.memory_space<vmem_shared>> -> memref<128x64xf32, #tpu.memory_space<vmem_shared>>
      %dma_start3A_33 = arith.constant 0 : i32
      %dma_start3A_34 = tpu.memref_slice %arg10[%add3A_18, %dma_start3A_33] : memref<10240x64xf32, #tpu.memory_space<vmem_shared>> -> memref<128x64xf32, #tpu.memory_space<vmem_shared>>
      tpu.enqueue_dma source(%arg9 : memref<128x64xf32, #tpu.memory_space<vmem>>) target(%dma_start3A_34 : memref<128x64xf32, #tpu.memory_space<vmem_shared>>) target_semaphore(%run_scoped3A : memref<!tpu.dma_semaphore, #tpu.memory_space<semaphore_mem>>)
      %dma_wait3A = arith.constant 0 : i32
      %dma_wait3A_35 = tpu.memref_slice %arg10[%add3A_18, %dma_wait3A] : memref<10240x64xf32, #tpu.memory_space<vmem_shared>> -> memref<128x64xf32, #tpu.memory_space<vmem_shared>>
      %dma_wait3A_36 = arith.constant 0 : i32
      %dma_wait3A_37 = tpu.memref_slice %arg10[%add3A_18, %dma_wait3A_36] : memref<10240x64xf32, #tpu.memory_space<vmem_shared>> -> memref<128x64xf32, #tpu.memory_space<vmem_shared>>
      tpu.wait_dma2 semaphore(%run_scoped3A : memref<!tpu.dma_semaphore, #tpu.memory_space<semaphore_mem>>) src(%arg9 : memref<128x64xf32, #tpu.memory_space<vmem>>) dst(%dma_wait3A_37 : memref<128x64xf32, #tpu.memory_space<vmem_shared>>)
      tpu.yield
    }) : () -> ()
    %mul3A_19 = arith.constant 640 : i32
    %mul3A_20 = arith.muli %arg1, %mul3A_19 : i32
    %add3A_21 = arith.constant 512 : i32
    %add3A_22 = arith.addi %mul3A_20, %add3A_21 : i32
    "tpu.region"() ({
      %run_scoped3A = tpu.sem_alloc : memref<!tpu.dma_semaphore, #tpu.memory_space<semaphore_mem>>
      %dma_start3A = arith.constant 0 : i32
      %dma_start3A_32 = tpu.memref_slice %arg10[%add3A_22, %dma_start3A] : memref<10240x64xf32, #tpu.memory_space<vmem_shared>> -> memref<128x64xf32, #tpu.memory_space<vmem_shared>>
      %dma_start3A_33 = arith.constant 0 : i32
      %dma_start3A_34 = tpu.memref_slice %arg10[%add3A_22, %dma_start3A_33] : memref<10240x64xf32, #tpu.memory_space<vmem_shared>> -> memref<128x64xf32, #tpu.memory_space<vmem_shared>>
      tpu.enqueue_dma source(%arg9 : memref<128x64xf32, #tpu.memory_space<vmem>>) target(%dma_start3A_34 : memref<128x64xf32, #tpu.memory_space<vmem_shared>>) target_semaphore(%run_scoped3A : memref<!tpu.dma_semaphore, #tpu.memory_space<semaphore_mem>>)
      %dma_wait3A = arith.constant 0 : i32
      %dma_wait3A_35 = tpu.memref_slice %arg10[%add3A_22, %dma_wait3A] : memref<10240x64xf32, #tpu.memory_space<vmem_shared>> -> memref<128x64xf32, #tpu.memory_space<vmem_shared>>
      %dma_wait3A_36 = arith.constant 0 : i32
      %dma_wait3A_37 = tpu.memref_slice %arg10[%add3A_22, %dma_wait3A_36] : memref<10240x64xf32, #tpu.memory_space<vmem_shared>> -> memref<128x64xf32, #tpu.memory_space<vmem_shared>>
      tpu.wait_dma2 semaphore(%run_scoped3A : memref<!tpu.dma_semaphore, #tpu.memory_space<semaphore_mem>>) src(%arg9 : memref<128x64xf32, #tpu.memory_space<vmem>>) dst(%dma_wait3A_37 : memref<128x64xf32, #tpu.memory_space<vmem_shared>>)
      tpu.yield
    }) : () -> ()
    "tpu.region"() ({
      %run_scoped3A = tpu.sem_alloc : memref<!tpu.dma_semaphore, #tpu.memory_space<semaphore_mem>>
      %dma_start3A = arith.constant 0 : i32
      %dma_start3A_32 = arith.constant 0 : i32
      %dma_start3A_33 = tpu.memref_slice %arg3[%arg0, %arg1, %dma_start3A, %dma_start3A_32] : memref<2x16x157x128xi32, #tpu.memory_space<hbm>> -> memref<1x1x157x128xi32, #tpu.memory_space<hbm>>
      %dma_start3A_34 = tpu.memref_squeeze %dma_start3A_33 : memref<1x1x157x128xi32, #tpu.memory_space<hbm>> -> memref<157x128xi32, #tpu.memory_space<hbm>>
      %dma_start3A_35 = arith.constant 0 : i32
      %dma_start3A_36 = arith.constant 0 : i32
      %dma_start3A_37 = tpu.memref_slice %arg3[%arg0, %arg1, %dma_start3A_35, %dma_start3A_36] : memref<2x16x157x128xi32, #tpu.memory_space<hbm>> -> memref<1x1x157x128xi32, #tpu.memory_space<hbm>>
      %dma_start3A_38 = tpu.memref_squeeze %dma_start3A_37 : memref<1x1x157x128xi32, #tpu.memory_space<hbm>> -> memref<157x128xi32, #tpu.memory_space<hbm>>
      tpu.enqueue_dma source(%dma_start3A_38 : memref<157x128xi32, #tpu.memory_space<hbm>>) target(%arg6 : memref<157x128xi32, #tpu.memory_space<vmem>>) target_semaphore(%run_scoped3A : memref<!tpu.dma_semaphore, #tpu.memory_space<semaphore_mem>>)
      %dma_wait3A = arith.constant 0 : i32
      %dma_wait3A_39 = arith.constant 0 : i32
      %dma_wait3A_40 = tpu.memref_slice %arg3[%arg0, %arg1, %dma_wait3A, %dma_wait3A_39] : memref<2x16x157x128xi32, #tpu.memory_space<hbm>> -> memref<1x1x157x128xi32, #tpu.memory_space<hbm>>
      %dma_wait3A_41 = tpu.memref_squeeze %dma_wait3A_40 : memref<1x1x157x128xi32, #tpu.memory_space<hbm>> -> memref<157x128xi32, #tpu.memory_space<hbm>>
      %dma_wait3A_42 = arith.constant 0 : i32
      %dma_wait3A_43 = arith.constant 0 : i32
      %dma_wait3A_44 = tpu.memref_slice %arg3[%arg0, %arg1, %dma_wait3A_42, %dma_wait3A_43] : memref<2x16x157x128xi32, #tpu.memory_space<hbm>> -> memref<1x1x157x128xi32, #tpu.memory_space<hbm>>
      %dma_wait3A_45 = tpu.memref_squeeze %dma_wait3A_44 : memref<1x1x157x128xi32, #tpu.memory_space<hbm>> -> memref<157x128xi32, #tpu.memory_space<hbm>>
      tpu.wait_dma2 semaphore(%run_scoped3A : memref<!tpu.dma_semaphore, #tpu.memory_space<semaphore_mem>>) src(%dma_wait3A_45 : memref<157x128xi32, #tpu.memory_space<hbm>>) dst(%arg6 : memref<157x128xi32, #tpu.memory_space<vmem>>)
      tpu.yield
    }) : () -> ()
    "tpu.region"() ({
      %run_scoped3A = tpu.sem_alloc : memref<!tpu.dma_semaphore, #tpu.memory_space<semaphore_mem>>
      %dma_start3A = arith.constant 0 : i32
      %dma_start3A_32 = arith.constant 0 : i32
      %dma_start3A_33 = tpu.memref_slice %arg4[%arg1, %dma_start3A, %dma_start3A_32] : memref<16x157x128xi32, #tpu.memory_space<hbm>> -> memref<1x157x128xi32, #tpu.memory_space<hbm>>
      %dma_start3A_34 = tpu.memref_squeeze %dma_start3A_33 : memref<1x157x128xi32, #tpu.memory_space<hbm>> -> memref<157x128xi32, #tpu.memory_space<hbm>>
      %dma_start3A_35 = arith.constant 0 : i32
      %dma_start3A_36 = arith.constant 0 : i32
      %dma_start3A_37 = tpu.memref_slice %arg4[%arg1, %dma_start3A_35, %dma_start3A_36] : memref<16x157x128xi32, #tpu.memory_space<hbm>> -> memref<1x157x128xi32, #tpu.memory_space<hbm>>
      %dma_start3A_38 = tpu.memref_squeeze %dma_start3A_37 : memref<1x157x128xi32, #tpu.memory_space<hbm>> -> memref<157x128xi32, #tpu.memory_space<hbm>>
      tpu.enqueue_dma source(%dma_start3A_38 : memref<157x128xi32, #tpu.memory_space<hbm>>) target(%arg7 : memref<157x128xi32, #tpu.memory_space<vmem>>) target_semaphore(%run_scoped3A : memref<!tpu.dma_semaphore, #tpu.memory_space<semaphore_mem>>)
      %dma_wait3A = arith.constant 0 : i32
      %dma_wait3A_39 = arith.constant 0 : i32
      %dma_wait3A_40 = tpu.memref_slice %arg4[%arg1, %dma_wait3A, %dma_wait3A_39] : memref<16x157x128xi32, #tpu.memory_space<hbm>> -> memref<1x157x128xi32, #tpu.memory_space<hbm>>
      %dma_wait3A_41 = tpu.memref_squeeze %dma_wait3A_40 : memref<1x157x128xi32, #tpu.memory_space<hbm>> -> memref<157x128xi32, #tpu.memory_space<hbm>>
      %dma_wait3A_42 = arith.constant 0 : i32
      %dma_wait3A_43 = arith.constant 0 : i32
      %dma_wait3A_44 = tpu.memref_slice %arg4[%arg1, %dma_wait3A_42, %dma_wait3A_43] : memref<16x157x128xi32, #tpu.memory_space<hbm>> -> memref<1x157x128xi32, #tpu.memory_space<hbm>>
      %dma_wait3A_45 = tpu.memref_squeeze %dma_wait3A_44 : memref<1x157x128xi32, #tpu.memory_space<hbm>> -> memref<157x128xi32, #tpu.memory_space<hbm>>
      tpu.wait_dma2 semaphore(%run_scoped3A : memref<!tpu.dma_semaphore, #tpu.memory_space<semaphore_mem>>) src(%dma_wait3A_45 : memref<157x128xi32, #tpu.memory_space<hbm>>) dst(%arg7 : memref<157x128xi32, #tpu.memory_space<vmem>>)
      tpu.yield
    }) : () -> ()
    %barrier3A = arith.constant 0 : index
    tpu.barrier barrier_id(%barrier3A)
    %scan3A_23 = arith.constant 0 : i32
    %scan3A_24 = arith.constant 0 : i32
    %scan3A_25 = arith.constant 157 : i32
    %scan3A_26 = arith.addi %scan3A_24, %scan3A_25 : i32
    %scan3A_27 = arith.constant 1 : i32
    scf.for %scan3A_32 = %scan3A_24 to %scan3A_26 step %scan3A_27  : i32 {
      %dma_start3A = arith.constant 0 : i32
      %dma_start3A_33 = tpu.memref_slice %arg6[%scan3A_32, %dma_start3A] : memref<157x128xi32, #tpu.memory_space<vmem>> -> memref<1x128xi32, #tpu.memory_space<vmem>>
      %dma_start3A_34 = tpu.memref_squeeze %dma_start3A_33 : memref<1x128xi32, #tpu.memory_space<vmem>> -> memref<128xi32, #tpu.memory_space<vmem>>
      %dma_start3A_35 = arith.constant 0 : i32
      %dma_start3A_36 = arith.constant 0 : i32
      %dma_start3A_37 = tpu.memref_slice %arg2[%dma_start3A_35, %dma_start3A_36] : memref<20480x64xf32, #tpu.memory_space<hbm>> -> memref<20480x64xf32, #tpu.memory_space<hbm>>
      tpu.enqueue_indirect_dma source(%dma_start3A_37 : memref<20480x64xf32, #tpu.memory_space<hbm>>) target(%arg8 : memref<128x64xf32, #tpu.memory_space<vmem>>) offsets(%dma_start3A_34 : memref<128xi32, #tpu.memory_space<vmem>>) semaphore(%arg11 : memref<!tpu.dma_semaphore, #tpu.memory_space<semaphore_mem>>)
      %dma_wait3A = arith.constant 0 : i32
      %dma_wait3A_38 = tpu.memref_slice %arg6[%scan3A_32, %dma_wait3A] : memref<157x128xi32, #tpu.memory_space<vmem>> -> memref<1x128xi32, #tpu.memory_space<vmem>>
      %dma_wait3A_39 = tpu.memref_squeeze %dma_wait3A_38 : memref<1x128xi32, #tpu.memory_space<vmem>> -> memref<128xi32, #tpu.memory_space<vmem>>
      %dma_wait3A_40 = arith.constant 0 : i32
      %dma_wait3A_41 = arith.constant 0 : i32
      %dma_wait3A_42 = tpu.memref_slice %arg2[%dma_wait3A_40, %dma_wait3A_41] : memref<20480x64xf32, #tpu.memory_space<hbm>> -> memref<20480x64xf32, #tpu.memory_space<hbm>>
      tpu.wait_indirect_dma semaphore(%arg11 : memref<!tpu.dma_semaphore, #tpu.memory_space<semaphore_mem>>) src(%dma_wait3A_42 : memref<20480x64xf32, #tpu.memory_space<hbm>>) dst(%arg8 : memref<128x64xf32, #tpu.memory_space<vmem>>)
      "tpu.region"() ({
        %run_scoped3A = tpu.sem_alloc : memref<!tpu.dma_semaphore, #tpu.memory_space<semaphore_mem>>
        %dma_start3A_43 = arith.constant 0 : i32
        %dma_start3A_44 = tpu.memref_slice %arg7[%scan3A_32, %dma_start3A_43] : memref<157x128xi32, #tpu.memory_space<vmem>> -> memref<1x128xi32, #tpu.memory_space<vmem>>
        %dma_start3A_45 = tpu.memref_squeeze %dma_start3A_44 : memref<1x128xi32, #tpu.memory_space<vmem>> -> memref<128xi32, #tpu.memory_space<vmem>>
        %dma_start3A_46 = arith.constant 0 : i32
        %dma_start3A_47 = arith.constant 0 : i32
        %dma_start3A_48 = tpu.memref_slice %arg10[%dma_start3A_46, %dma_start3A_47] : memref<10240x64xf32, #tpu.memory_space<vmem_shared>> -> memref<10240x64xf32, #tpu.memory_space<vmem_shared>>
        tpu.enqueue_indirect_dma source(%arg8 : memref<128x64xf32, #tpu.memory_space<vmem>>) target(%dma_start3A_48 : memref<10240x64xf32, #tpu.memory_space<vmem_shared>>) offsets(%dma_start3A_45 : memref<128xi32, #tpu.memory_space<vmem>>) semaphore(%run_scoped3A : memref<!tpu.dma_semaphore, #tpu.memory_space<semaphore_mem>>) {add = true}
        %dma_wait3A_49 = arith.constant 0 : i32
        %dma_wait3A_50 = tpu.memref_slice %arg7[%scan3A_32, %dma_wait3A_49] : memref<157x128xi32, #tpu.memory_space<vmem>> -> memref<1x128xi32, #tpu.memory_space<vmem>>
        %dma_wait3A_51 = tpu.memref_squeeze %dma_wait3A_50 : memref<1x128xi32, #tpu.memory_space<vmem>> -> memref<128xi32, #tpu.memory_space<vmem>>
        %dma_wait3A_52 = arith.constant 0 : i32
        %dma_wait3A_53 = arith.constant 0 : i32
        %dma_wait3A_54 = tpu.memref_slice %arg10[%dma_wait3A_52, %dma_wait3A_53] : memref<10240x64xf32, #tpu.memory_space<vmem_shared>> -> memref<10240x64xf32, #tpu.memory_space<vmem_shared>>
        tpu.wait_indirect_dma semaphore(%run_scoped3A : memref<!tpu.dma_semaphore, #tpu.memory_space<semaphore_mem>>) src(%arg8 : memref<128x64xf32, #tpu.memory_space<vmem>>) dst(%dma_wait3A_54 : memref<10240x64xf32, #tpu.memory_space<vmem_shared>>)
        tpu.yield
      }) : () -> ()
    }
    %scan3A_28 = arith.constant 157 : i32
    %barrier3A_29 = arith.constant 0 : index
    tpu.barrier barrier_id(%barrier3A_29)
    %mul3A_30 = arith.constant 640 : i32
    %mul3A_31 = arith.muli %arg1, %mul3A_30 : i32
    "tpu.region"() ({
      %run_scoped3A = tpu.sem_alloc : memref<!tpu.dma_semaphore, #tpu.memory_space<semaphore_mem>>
      %dma_start3A = arith.constant 0 : i32
      %dma_start3A_32 = tpu.memref_slice %arg5[%arg0, %mul3A_31, %dma_start3A] : memref<2x10240x64xf32, #tpu.memory_space<hbm>> -> memref<1x640x64xf32, #tpu.memory_space<hbm>>
      %dma_start3A_33 = tpu.memref_squeeze %dma_start3A_32 : memref<1x640x64xf32, #tpu.memory_space<hbm>> -> memref<640x64xf32, #tpu.memory_space<hbm>>
      %dma_start3A_34 = arith.constant 0 : i32
      %dma_start3A_35 = tpu.memref_slice %arg10[%mul3A_31, %dma_start3A_34] : memref<10240x64xf32, #tpu.memory_space<vmem_shared>> -> memref<640x64xf32, #tpu.memory_space<vmem_shared>>
      tpu.enqueue_dma source(%dma_start3A_35 : memref<640x64xf32, #tpu.memory_space<vmem_shared>>) target(%dma_start3A_33 : memref<640x64xf32, #tpu.memory_space<hbm>>) target_semaphore(%run_scoped3A : memref<!tpu.dma_semaphore, #tpu.memory_space<semaphore_mem>>)
      %dma_wait3A = arith.constant 0 : i32
      %dma_wait3A_36 = tpu.memref_slice %arg5[%arg0, %mul3A_31, %dma_wait3A] : memref<2x10240x64xf32, #tpu.memory_space<hbm>> -> memref<1x640x64xf32, #tpu.memory_space<hbm>>
      %dma_wait3A_37 = tpu.memref_squeeze %dma_wait3A_36 : memref<1x640x64xf32, #tpu.memory_space<hbm>> -> memref<640x64xf32, #tpu.memory_space<hbm>>
      %dma_wait3A_38 = arith.constant 0 : i32
      %dma_wait3A_39 = tpu.memref_slice %arg10[%mul3A_31, %dma_wait3A_38] : memref<10240x64xf32, #tpu.memory_space<vmem_shared>> -> memref<640x64xf32, #tpu.memory_space<vmem_shared>>
      tpu.wait_dma2 semaphore(%run_scoped3A : memref<!tpu.dma_semaphore, #tpu.memory_space<semaphore_mem>>) src(%dma_wait3A_39 : memref<640x64xf32, #tpu.memory_space<vmem_shared>>) dst(%dma_wait3A_37 : memref<640x64xf32, #tpu.memory_space<hbm>>)
      tpu.yield
    }) : () -> ()
    return
  }
}

#map = affine_map<(d0, d1) -> (0, 0)>
#map1 = affine_map<(d0, d1) -> (0, 0, 0, 0)>
#map2 = affine_map<(d0, d1) -> (0, 0, 0)>
module attributes {stable_mosaic.version = 14 : i64} {
  func.func @_msg_body(%arg0: i32, %arg1: i32, %arg2: memref<20480x64xf32, #tpu.memory_space<hbm>>, %arg3: memref<2x16x157x128xi32, #tpu.memory_space<hbm>>, %arg4: memref<16x157x128xi32, #tpu.memory_space<hbm>>, %arg5: memref<2x10240x64xf32, #tpu.memory_space<hbm>>, %arg6: memref<157x128xi32, #tpu.memory_space<vmem>>, %arg7: memref<157x128xi32, #tpu.memory_space<vmem>>, %arg8: memref<128x64xf32, #tpu.memory_space<vmem>>, %arg9: memref<128x64xf32, #tpu.memory_space<vmem>>, %arg10: memref<10240x64xf32, #tpu.memory_space<vmem_shared>>, %arg11: memref<!tpu.dma_semaphore, #tpu.memory_space<semaphore_mem>>) attributes {dimension_semantics = [#tpu.dimension_semantics<core_parallel>, #tpu.dimension_semantics<subcore_parallel>], iteration_bounds = array<i64: 2, 16>, scalar_prefetch = 0 : i64, scratch_operands = 6 : i64, tpu.core_type = #tpu.core_type<sc_vector_subcore>, window_params = [{transform_indices = #map}, {transform_indices = #map1}, {transform_indices = #map2}, {transform_indices = #map2}]} {
    %scan3A = arith.constant 0 : i32
    %scan3A_0 = arith.constant 0 : i32
    %scan3A_1 = arith.constant 128 : i32
    %scan3A_2 = arith.addi %scan3A_0, %scan3A_1 : i32
    %scan3A_3 = arith.constant 1 : i32
    scf.for %scan3A_32 = %scan3A_0 to %scan3A_2 step %scan3A_3  : i32 {
      %broadcast_in_dim3A = arith.constant 0.000000e+00 : f32
      %broadcast_in_dim3A_33 = vector.broadcast %broadcast_in_dim3A : f32 to vector<16xf32>
      %swap3A = arith.index_cast %scan3A_32 : i32 to index
      %swap3A_34 = arith.constant 0 : index
      %swap3A_35 = tpu.vector_load %arg9[%swap3A, %swap3A_34] {strides = array<i32>} : memref<128x64xf32, #tpu.memory_space<vmem>>, vector<1x16xf32>,
      %swap3A_36 = vector.shape_cast %swap3A_35 : vector<1x16xf32> to vector<16xf32>
      %swap3A_37 = vector.shape_cast %broadcast_in_dim3A_33 : vector<16xf32> to vector<1x16xf32>
      tpu.vector_store %arg9[%swap3A, %swap3A_34], %swap3A_37 {strides = array<i32>} : memref<128x64xf32, #tpu.memory_space<vmem>>, vector<1x16xf32>,
      %broadcast_in_dim3A_38 = arith.constant 0.000000e+00 : f32
      %broadcast_in_dim3A_39 = vector.broadcast %broadcast_in_dim3A_38 : f32 to vector<16xf32>
      %swap3A_40 = arith.index_cast %scan3A_32 : i32 to index
      %swap3A_41 = arith.constant 16 : index
      %swap3A_42 = tpu.vector_load %arg9[%swap3A_40, %swap3A_41] {strides = array<i32>} : memref<128x64xf32, #tpu.memory_space<vmem>>, vector<1x16xf32>,
      %swap3A_43 = vector.shape_cast %swap3A_42 : vector<1x16xf32> to vector<16xf32>
      %swap3A_44 = vector.shape_cast %broadcast_in_dim3A_39 : vector<16xf32> to vector<1x16xf32>
      tpu.vector_store %arg9[%swap3A_40, %swap3A_41], %swap3A_44 {strides = array<i32>} : memref<128x64xf32, #tpu.memory_space<vmem>>, vector<1x16xf32>,
      %broadcast_in_dim3A_45 = arith.constant 0.000000e+00 : f32
      %broadcast_in_dim3A_46 = vector.broadcast %broadcast_in_dim3A_45 : f32 to vector<16xf32>
      %swap3A_47 = arith.index_cast %scan3A_32 : i32 to index
      %swap3A_48 = arith.constant 32 : index
      %swap3A_49 = tpu.vector_load %arg9[%swap3A_47, %swap3A_48] {strides = array<i32>} : memref<128x64xf32, #tpu.memory_space<vmem>>, vector<1x16xf32>,
      %swap3A_50 = vector.shape_cast %swap3A_49 : vector<1x16xf32> to vector<16xf32>
      %swap3A_51 = vector.shape_cast %broadcast_in_dim3A_46 : vector<16xf32> to vector<1x16xf32>
      tpu.vector_store %arg9[%swap3A_47, %swap3A_48], %swap3A_51 {strides = array<i32>} : memref<128x64xf32, #tpu.memory_space<vmem>>, vector<1x16xf32>,
      %broadcast_in_dim3A_52 = arith.constant 0.000000e+00 : f32
      %broadcast_in_dim3A_53 = vector.broadcast %broadcast_in_dim3A_52 : f32 to vector<16xf32>
      %swap3A_54 = arith.index_cast %scan3A_32 : i32 to index
      %swap3A_55 = arith.constant 48 : index
      %swap3A_56 = tpu.vector_load %arg9[%swap3A_54, %swap3A_55] {strides = array<i32>} : memref<128x64xf32, #tpu.memory_space<vmem>>, vector<1x16xf32>,
      %swap3A_57 = vector.shape_cast %swap3A_56 : vector<1x16xf32> to vector<16xf32>
      %swap3A_58 = vector.shape_cast %broadcast_in_dim3A_53 : vector<16xf32> to vector<1x16xf32>
      tpu.vector_store %arg9[%swap3A_54, %swap3A_55], %swap3A_58 {strides = array<i32>} : memref<128x64xf32, #tpu.memory_space<vmem>>, vector<1x16xf32>,
    }
    %scan3A_4 = arith.constant 128 : i32
    %mul3A = arith.constant 640 : i32
    %mul3A_5 = arith.muli %arg1, %mul3A : i32
    %add3A = arith.constant 0 : i32
    %add3A_6 = arith.addi %mul3A_5, %add3A : i32
    "tpu.region"() ({
      %run_scoped3A = tpu.sem_alloc : memref<!tpu.dma_semaphore, #tpu.memory_space<semaphore_mem>>
      %dma_start3A = arith.constant 0 : i32
      %dma_start3A_32 = tpu.memref_slice %arg10[%add3A_6, %dma_start3A] : memref<10240x64xf32, #tpu.memory_space<vmem_shared>> -> memref<128x64xf32, #tpu.memory_space<vmem_shared>>
      %dma_start3A_33 = arith.constant 0 : i32
      %dma_start3A_34 = tpu.memref_slice %arg10[%add3A_6, %dma_start3A_33] : memref<10240x64xf32, #tpu.memory_space<vmem_shared>> -> memref<128x64xf32, #tpu.memory_space<vmem_shared>>
      tpu.enqueue_dma source(%arg9 : memref<128x64xf32, #tpu.memory_space<vmem>>) target(%dma_start3A_34 : memref<128x64xf32, #tpu.memory_space<vmem_shared>>) target_semaphore(%run_scoped3A : memref<!tpu.dma_semaphore, #tpu.memory_space<semaphore_mem>>)
      %dma_wait3A = arith.constant 0 : i32
      %dma_wait3A_35 = tpu.memref_slice %arg10[%add3A_6, %dma_wait3A] : memref<10240x64xf32, #tpu.memory_space<vmem_shared>> -> memref<128x64xf32, #tpu.memory_space<vmem_shared>>
      %dma_wait3A_36 = arith.constant 0 : i32
      %dma_wait3A_37 = tpu.memref_slice %arg10[%add3A_6, %dma_wait3A_36] : memref<10240x64xf32, #tpu.memory_space<vmem_shared>> -> memref<128x64xf32, #tpu.memory_space<vmem_shared>>
      tpu.wait_dma2 semaphore(%run_scoped3A : memref<!tpu.dma_semaphore, #tpu.memory_space<semaphore_mem>>) src(%arg9 : memref<128x64xf32, #tpu.memory_space<vmem>>) dst(%dma_wait3A_37 : memref<128x64xf32, #tpu.memory_space<vmem_shared>>)
      tpu.yield
    }) : () -> ()
    %mul3A_7 = arith.constant 640 : i32
    %mul3A_8 = arith.muli %arg1, %mul3A_7 : i32
    %add3A_9 = arith.constant 128 : i32
    %add3A_10 = arith.addi %mul3A_8, %add3A_9 : i32
    "tpu.region"() ({
      %run_scoped3A = tpu.sem_alloc : memref<!tpu.dma_semaphore, #tpu.memory_space<semaphore_mem>>
      %dma_start3A = arith.constant 0 : i32
      %dma_start3A_32 = tpu.memref_slice %arg10[%add3A_10, %dma_start3A] : memref<10240x64xf32, #tpu.memory_space<vmem_shared>> -> memref<128x64xf32, #tpu.memory_space<vmem_shared>>
      %dma_start3A_33 = arith.constant 0 : i32
      %dma_start3A_34 = tpu.memref_slice %arg10[%add3A_10, %dma_start3A_33] : memref<10240x64xf32, #tpu.memory_space<vmem_shared>> -> memref<128x64xf32, #tpu.memory_space<vmem_shared>>
      tpu.enqueue_dma source(%arg9 : memref<128x64xf32, #tpu.memory_space<vmem>>) target(%dma_start3A_34 : memref<128x64xf32, #tpu.memory_space<vmem_shared>>) target_semaphore(%run_scoped3A : memref<!tpu.dma_semaphore, #tpu.memory_space<semaphore_mem>>)
      %dma_wait3A = arith.constant 0 : i32
      %dma_wait3A_35 = tpu.memref_slice %arg10[%add3A_10, %dma_wait3A] : memref<10240x64xf32, #tpu.memory_space<vmem_shared>> -> memref<128x64xf32, #tpu.memory_space<vmem_shared>>
      %dma_wait3A_36 = arith.constant 0 : i32
      %dma_wait3A_37 = tpu.memref_slice %arg10[%add3A_10, %dma_wait3A_36] : memref<10240x64xf32, #tpu.memory_space<vmem_shared>> -> memref<128x64xf32, #tpu.memory_space<vmem_shared>>
      tpu.wait_dma2 semaphore(%run_scoped3A : memref<!tpu.dma_semaphore, #tpu.memory_space<semaphore_mem>>) src(%arg9 : memref<128x64xf32, #tpu.memory_space<vmem>>) dst(%dma_wait3A_37 : memref<128x64xf32, #tpu.memory_space<vmem_shared>>)
      tpu.yield
    }) : () -> ()
    %mul3A_11 = arith.constant 640 : i32
    %mul3A_12 = arith.muli %arg1, %mul3A_11 : i32
    %add3A_13 = arith.constant 256 : i32
    %add3A_14 = arith.addi %mul3A_12, %add3A_13 : i32
    "tpu.region"() ({
      %run_scoped3A = tpu.sem_alloc : memref<!tpu.dma_semaphore, #tpu.memory_space<semaphore_mem>>
      %dma_start3A = arith.constant 0 : i32
      %dma_start3A_32 = tpu.memref_slice %arg10[%add3A_14, %dma_start3A] : memref<10240x64xf32, #tpu.memory_space<vmem_shared>> -> memref<128x64xf32, #tpu.memory_space<vmem_shared>>
      %dma_start3A_33 = arith.constant 0 : i32
      %dma_start3A_34 = tpu.memref_slice %arg10[%add3A_14, %dma_start3A_33] : memref<10240x64xf32, #tpu.memory_space<vmem_shared>> -> memref<128x64xf32, #tpu.memory_space<vmem_shared>>
      tpu.enqueue_dma source(%arg9 : memref<128x64xf32, #tpu.memory_space<vmem>>) target(%dma_start3A_34 : memref<128x64xf32, #tpu.memory_space<vmem_shared>>) target_semaphore(%run_scoped3A : memref<!tpu.dma_semaphore, #tpu.memory_space<semaphore_mem>>)
      %dma_wait3A = arith.constant 0 : i32
      %dma_wait3A_35 = tpu.memref_slice %arg10[%add3A_14, %dma_wait3A] : memref<10240x64xf32, #tpu.memory_space<vmem_shared>> -> memref<128x64xf32, #tpu.memory_space<vmem_shared>>
      %dma_wait3A_36 = arith.constant 0 : i32
      %dma_wait3A_37 = tpu.memref_slice %arg10[%add3A_14, %dma_wait3A_36] : memref<10240x64xf32, #tpu.memory_space<vmem_shared>> -> memref<128x64xf32, #tpu.memory_space<vmem_shared>>
      tpu.wait_dma2 semaphore(%run_scoped3A : memref<!tpu.dma_semaphore, #tpu.memory_space<semaphore_mem>>) src(%arg9 : memref<128x64xf32, #tpu.memory_space<vmem>>) dst(%dma_wait3A_37 : memref<128x64xf32, #tpu.memory_space<vmem_shared>>)
      tpu.yield
    }) : () -> ()
    %mul3A_15 = arith.constant 640 : i32
    %mul3A_16 = arith.muli %arg1, %mul3A_15 : i32
    %add3A_17 = arith.constant 384 : i32
    %add3A_18 = arith.addi %mul3A_16, %add3A_17 : i32
    "tpu.region"() ({
      %run_scoped3A = tpu.sem_alloc : memref<!tpu.dma_semaphore, #tpu.memory_space<semaphore_mem>>
      %dma_start3A = arith.constant 0 : i32
      %dma_start3A_32 = tpu.memref_slice %arg10[%add3A_18, %dma_start3A] : memref<10240x64xf32, #tpu.memory_space<vmem_shared>> -> memref<128x64xf32, #tpu.memory_space<vmem_shared>>
      %dma_start3A_33 = arith.constant 0 : i32
      %dma_start3A_34 = tpu.memref_slice %arg10[%add3A_18, %dma_start3A_33] : memref<10240x64xf32, #tpu.memory_space<vmem_shared>> -> memref<128x64xf32, #tpu.memory_space<vmem_shared>>
      tpu.enqueue_dma source(%arg9 : memref<128x64xf32, #tpu.memory_space<vmem>>) target(%dma_start3A_34 : memref<128x64xf32, #tpu.memory_space<vmem_shared>>) target_semaphore(%run_scoped3A : memref<!tpu.dma_semaphore, #tpu.memory_space<semaphore_mem>>)
      %dma_wait3A = arith.constant 0 : i32
      %dma_wait3A_35 = tpu.memref_slice %arg10[%add3A_18, %dma_wait3A] : memref<10240x64xf32, #tpu.memory_space<vmem_shared>> -> memref<128x64xf32, #tpu.memory_space<vmem_shared>>
      %dma_wait3A_36 = arith.constant 0 : i32
      %dma_wait3A_37 = tpu.memref_slice %arg10[%add3A_18, %dma_wait3A_36] : memref<10240x64xf32, #tpu.memory_space<vmem_shared>> -> memref<128x64xf32, #tpu.memory_space<vmem_shared>>
      tpu.wait_dma2 semaphore(%run_scoped3A : memref<!tpu.dma_semaphore, #tpu.memory_space<semaphore_mem>>) src(%arg9 : memref<128x64xf32, #tpu.memory_space<vmem>>) dst(%dma_wait3A_37 : memref<128x64xf32, #tpu.memory_space<vmem_shared>>)
      tpu.yield
    }) : () -> ()
    %mul3A_19 = arith.constant 640 : i32
    %mul3A_20 = arith.muli %arg1, %mul3A_19 : i32
    %add3A_21 = arith.constant 512 : i32
    %add3A_22 = arith.addi %mul3A_20, %add3A_21 : i32
    "tpu.region"() ({
      %run_scoped3A = tpu.sem_alloc : memref<!tpu.dma_semaphore, #tpu.memory_space<semaphore_mem>>
      %dma_start3A = arith.constant 0 : i32
      %dma_start3A_32 = tpu.memref_slice %arg10[%add3A_22, %dma_start3A] : memref<10240x64xf32, #tpu.memory_space<vmem_shared>> -> memref<128x64xf32, #tpu.memory_space<vmem_shared>>
      %dma_start3A_33 = arith.constant 0 : i32
      %dma_start3A_34 = tpu.memref_slice %arg10[%add3A_22, %dma_start3A_33] : memref<10240x64xf32, #tpu.memory_space<vmem_shared>> -> memref<128x64xf32, #tpu.memory_space<vmem_shared>>
      tpu.enqueue_dma source(%arg9 : memref<128x64xf32, #tpu.memory_space<vmem>>) target(%dma_start3A_34 : memref<128x64xf32, #tpu.memory_space<vmem_shared>>) target_semaphore(%run_scoped3A : memref<!tpu.dma_semaphore, #tpu.memory_space<semaphore_mem>>)
      %dma_wait3A = arith.constant 0 : i32
      %dma_wait3A_35 = tpu.memref_slice %arg10[%add3A_22, %dma_wait3A] : memref<10240x64xf32, #tpu.memory_space<vmem_shared>> -> memref<128x64xf32, #tpu.memory_space<vmem_shared>>
      %dma_wait3A_36 = arith.constant 0 : i32
      %dma_wait3A_37 = tpu.memref_slice %arg10[%add3A_22, %dma_wait3A_36] : memref<10240x64xf32, #tpu.memory_space<vmem_shared>> -> memref<128x64xf32, #tpu.memory_space<vmem_shared>>
      tpu.wait_dma2 semaphore(%run_scoped3A : memref<!tpu.dma_semaphore, #tpu.memory_space<semaphore_mem>>) src(%arg9 : memref<128x64xf32, #tpu.memory_space<vmem>>) dst(%dma_wait3A_37 : memref<128x64xf32, #tpu.memory_space<vmem_shared>>)
      tpu.yield
    }) : () -> ()
    "tpu.region"() ({
      %run_scoped3A = tpu.sem_alloc : memref<!tpu.dma_semaphore, #tpu.memory_space<semaphore_mem>>
      %dma_start3A = arith.constant 0 : i32
      %dma_start3A_32 = arith.constant 0 : i32
      %dma_start3A_33 = tpu.memref_slice %arg3[%arg0, %arg1, %dma_start3A, %dma_start3A_32] : memref<2x16x157x128xi32, #tpu.memory_space<hbm>> -> memref<1x1x157x128xi32, #tpu.memory_space<hbm>>
      %dma_start3A_34 = tpu.memref_squeeze %dma_start3A_33 : memref<1x1x157x128xi32, #tpu.memory_space<hbm>> -> memref<157x128xi32, #tpu.memory_space<hbm>>
      %dma_start3A_35 = arith.constant 0 : i32
      %dma_start3A_36 = arith.constant 0 : i32
      %dma_start3A_37 = tpu.memref_slice %arg3[%arg0, %arg1, %dma_start3A_35, %dma_start3A_36] : memref<2x16x157x128xi32, #tpu.memory_space<hbm>> -> memref<1x1x157x128xi32, #tpu.memory_space<hbm>>
      %dma_start3A_38 = tpu.memref_squeeze %dma_start3A_37 : memref<1x1x157x128xi32, #tpu.memory_space<hbm>> -> memref<157x128xi32, #tpu.memory_space<hbm>>
      tpu.enqueue_dma source(%dma_start3A_38 : memref<157x128xi32, #tpu.memory_space<hbm>>) target(%arg6 : memref<157x128xi32, #tpu.memory_space<vmem>>) target_semaphore(%run_scoped3A : memref<!tpu.dma_semaphore, #tpu.memory_space<semaphore_mem>>)
      %dma_wait3A = arith.constant 0 : i32
      %dma_wait3A_39 = arith.constant 0 : i32
      %dma_wait3A_40 = tpu.memref_slice %arg3[%arg0, %arg1, %dma_wait3A, %dma_wait3A_39] : memref<2x16x157x128xi32, #tpu.memory_space<hbm>> -> memref<1x1x157x128xi32, #tpu.memory_space<hbm>>
      %dma_wait3A_41 = tpu.memref_squeeze %dma_wait3A_40 : memref<1x1x157x128xi32, #tpu.memory_space<hbm>> -> memref<157x128xi32, #tpu.memory_space<hbm>>
      %dma_wait3A_42 = arith.constant 0 : i32
      %dma_wait3A_43 = arith.constant 0 : i32
      %dma_wait3A_44 = tpu.memref_slice %arg3[%arg0, %arg1, %dma_wait3A_42, %dma_wait3A_43] : memref<2x16x157x128xi32, #tpu.memory_space<hbm>> -> memref<1x1x157x128xi32, #tpu.memory_space<hbm>>
      %dma_wait3A_45 = tpu.memref_squeeze %dma_wait3A_44 : memref<1x1x157x128xi32, #tpu.memory_space<hbm>> -> memref<157x128xi32, #tpu.memory_space<hbm>>
      tpu.wait_dma2 semaphore(%run_scoped3A : memref<!tpu.dma_semaphore, #tpu.memory_space<semaphore_mem>>) src(%dma_wait3A_45 : memref<157x128xi32, #tpu.memory_space<hbm>>) dst(%arg6 : memref<157x128xi32, #tpu.memory_space<vmem>>)
      tpu.yield
    }) : () -> ()
    "tpu.region"() ({
      %run_scoped3A = tpu.sem_alloc : memref<!tpu.dma_semaphore, #tpu.memory_space<semaphore_mem>>
      %dma_start3A = arith.constant 0 : i32
      %dma_start3A_32 = arith.constant 0 : i32
      %dma_start3A_33 = tpu.memref_slice %arg4[%arg1, %dma_start3A, %dma_start3A_32] : memref<16x157x128xi32, #tpu.memory_space<hbm>> -> memref<1x157x128xi32, #tpu.memory_space<hbm>>
      %dma_start3A_34 = tpu.memref_squeeze %dma_start3A_33 : memref<1x157x128xi32, #tpu.memory_space<hbm>> -> memref<157x128xi32, #tpu.memory_space<hbm>>
      %dma_start3A_35 = arith.constant 0 : i32
      %dma_start3A_36 = arith.constant 0 : i32
      %dma_start3A_37 = tpu.memref_slice %arg4[%arg1, %dma_start3A_35, %dma_start3A_36] : memref<16x157x128xi32, #tpu.memory_space<hbm>> -> memref<1x157x128xi32, #tpu.memory_space<hbm>>
      %dma_start3A_38 = tpu.memref_squeeze %dma_start3A_37 : memref<1x157x128xi32, #tpu.memory_space<hbm>> -> memref<157x128xi32, #tpu.memory_space<hbm>>
      tpu.enqueue_dma source(%dma_start3A_38 : memref<157x128xi32, #tpu.memory_space<hbm>>) target(%arg7 : memref<157x128xi32, #tpu.memory_space<vmem>>) target_semaphore(%run_scoped3A : memref<!tpu.dma_semaphore, #tpu.memory_space<semaphore_mem>>)
      %dma_wait3A = arith.constant 0 : i32
      %dma_wait3A_39 = arith.constant 0 : i32
      %dma_wait3A_40 = tpu.memref_slice %arg4[%arg1, %dma_wait3A, %dma_wait3A_39] : memref<16x157x128xi32, #tpu.memory_space<hbm>> -> memref<1x157x128xi32, #tpu.memory_space<hbm>>
      %dma_wait3A_41 = tpu.memref_squeeze %dma_wait3A_40 : memref<1x157x128xi32, #tpu.memory_space<hbm>> -> memref<157x128xi32, #tpu.memory_space<hbm>>
      %dma_wait3A_42 = arith.constant 0 : i32
      %dma_wait3A_43 = arith.constant 0 : i32
      %dma_wait3A_44 = tpu.memref_slice %arg4[%arg1, %dma_wait3A_42, %dma_wait3A_43] : memref<16x157x128xi32, #tpu.memory_space<hbm>> -> memref<1x157x128xi32, #tpu.memory_space<hbm>>
      %dma_wait3A_45 = tpu.memref_squeeze %dma_wait3A_44 : memref<1x157x128xi32, #tpu.memory_space<hbm>> -> memref<157x128xi32, #tpu.memory_space<hbm>>
      tpu.wait_dma2 semaphore(%run_scoped3A : memref<!tpu.dma_semaphore, #tpu.memory_space<semaphore_mem>>) src(%dma_wait3A_45 : memref<157x128xi32, #tpu.memory_space<hbm>>) dst(%arg7 : memref<157x128xi32, #tpu.memory_space<vmem>>)
      tpu.yield
    }) : () -> ()
    %barrier3A = arith.constant 0 : index
    tpu.barrier barrier_id(%barrier3A)
    %scan3A_23 = arith.constant 0 : i32
    %scan3A_24 = arith.constant 0 : i32
    %scan3A_25 = arith.constant 157 : i32
    %scan3A_26 = arith.addi %scan3A_24, %scan3A_25 : i32
    %scan3A_27 = arith.constant 1 : i32
    scf.for %scan3A_32 = %scan3A_24 to %scan3A_26 step %scan3A_27  : i32 {
      %dma_start3A = arith.constant 0 : i32
      %dma_start3A_33 = tpu.memref_slice %arg6[%scan3A_32, %dma_start3A] : memref<157x128xi32, #tpu.memory_space<vmem>> -> memref<1x128xi32, #tpu.memory_space<vmem>>
      %dma_start3A_34 = tpu.memref_squeeze %dma_start3A_33 : memref<1x128xi32, #tpu.memory_space<vmem>> -> memref<128xi32, #tpu.memory_space<vmem>>
      %dma_start3A_35 = arith.constant 0 : i32
      %dma_start3A_36 = arith.constant 0 : i32
      %dma_start3A_37 = tpu.memref_slice %arg2[%dma_start3A_35, %dma_start3A_36] : memref<20480x64xf32, #tpu.memory_space<hbm>> -> memref<20480x64xf32, #tpu.memory_space<hbm>>
      tpu.enqueue_indirect_dma source(%dma_start3A_37 : memref<20480x64xf32, #tpu.memory_space<hbm>>) target(%arg8 : memref<128x64xf32, #tpu.memory_space<vmem>>) offsets(%dma_start3A_34 : memref<128xi32, #tpu.memory_space<vmem>>) semaphore(%arg11 : memref<!tpu.dma_semaphore, #tpu.memory_space<semaphore_mem>>)
      %dma_wait3A = arith.constant 0 : i32
      %dma_wait3A_38 = tpu.memref_slice %arg6[%scan3A_32, %dma_wait3A] : memref<157x128xi32, #tpu.memory_space<vmem>> -> memref<1x128xi32, #tpu.memory_space<vmem>>
      %dma_wait3A_39 = tpu.memref_squeeze %dma_wait3A_38 : memref<1x128xi32, #tpu.memory_space<vmem>> -> memref<128xi32, #tpu.memory_space<vmem>>
      %dma_wait3A_40 = arith.constant 0 : i32
      %dma_wait3A_41 = arith.constant 0 : i32
      %dma_wait3A_42 = tpu.memref_slice %arg2[%dma_wait3A_40, %dma_wait3A_41] : memref<20480x64xf32, #tpu.memory_space<hbm>> -> memref<20480x64xf32, #tpu.memory_space<hbm>>
      tpu.wait_indirect_dma semaphore(%arg11 : memref<!tpu.dma_semaphore, #tpu.memory_space<semaphore_mem>>) src(%dma_wait3A_42 : memref<20480x64xf32, #tpu.memory_space<hbm>>) dst(%arg8 : memref<128x64xf32, #tpu.memory_space<vmem>>)
      "tpu.region"() ({
        %run_scoped3A = tpu.sem_alloc : memref<!tpu.dma_semaphore, #tpu.memory_space<semaphore_mem>>
        %dma_start3A_43 = arith.constant 0 : i32
        %dma_start3A_44 = tpu.memref_slice %arg7[%scan3A_32, %dma_start3A_43] : memref<157x128xi32, #tpu.memory_space<vmem>> -> memref<1x128xi32, #tpu.memory_space<vmem>>
        %dma_start3A_45 = tpu.memref_squeeze %dma_start3A_44 : memref<1x128xi32, #tpu.memory_space<vmem>> -> memref<128xi32, #tpu.memory_space<vmem>>
        %dma_start3A_46 = arith.constant 0 : i32
        %dma_start3A_47 = arith.constant 0 : i32
        %dma_start3A_48 = tpu.memref_slice %arg10[%dma_start3A_46, %dma_start3A_47] : memref<10240x64xf32, #tpu.memory_space<vmem_shared>> -> memref<10240x64xf32, #tpu.memory_space<vmem_shared>>
        tpu.enqueue_indirect_dma source(%arg8 : memref<128x64xf32, #tpu.memory_space<vmem>>) target(%dma_start3A_48 : memref<10240x64xf32, #tpu.memory_space<vmem_shared>>) offsets(%dma_start3A_45 : memref<128xi32, #tpu.memory_space<vmem>>) semaphore(%run_scoped3A : memref<!tpu.dma_semaphore, #tpu.memory_space<semaphore_mem>>) {add = true}
        %dma_wait3A_49 = arith.constant 0 : i32
        %dma_wait3A_50 = tpu.memref_slice %arg7[%scan3A_32, %dma_wait3A_49] : memref<157x128xi32, #tpu.memory_space<vmem>> -> memref<1x128xi32, #tpu.memory_space<vmem>>
        %dma_wait3A_51 = tpu.memref_squeeze %dma_wait3A_50 : memref<1x128xi32, #tpu.memory_space<vmem>> -> memref<128xi32, #tpu.memory_space<vmem>>
        %dma_wait3A_52 = arith.constant 0 : i32
        %dma_wait3A_53 = arith.constant 0 : i32
        %dma_wait3A_54 = tpu.memref_slice %arg10[%dma_wait3A_52, %dma_wait3A_53] : memref<10240x64xf32, #tpu.memory_space<vmem_shared>> -> memref<10240x64xf32, #tpu.memory_space<vmem_shared>>
        tpu.wait_indirect_dma semaphore(%run_scoped3A : memref<!tpu.dma_semaphore, #tpu.memory_space<semaphore_mem>>) src(%arg8 : memref<128x64xf32, #tpu.memory_space<vmem>>) dst(%dma_wait3A_54 : memref<10240x64xf32, #tpu.memory_space<vmem_shared>>)
        tpu.yield
      }) : () -> ()
    }
    %scan3A_28 = arith.constant 157 : i32
    %barrier3A_29 = arith.constant 0 : index
    tpu.barrier barrier_id(%barrier3A_29)
    %mul3A_30 = arith.constant 640 : i32
    %mul3A_31 = arith.muli %arg1, %mul3A_30 : i32
    "tpu.region"() ({
      %run_scoped3A = tpu.sem_alloc : memref<!tpu.dma_semaphore, #tpu.memory_space<semaphore_mem>>
      %dma_start3A = arith.constant 0 : i32
      %dma_start3A_32 = tpu.memref_slice %arg5[%arg0, %mul3A_31, %dma_start3A] : memref<2x10240x64xf32, #tpu.memory_space<hbm>> -> memref<1x640x64xf32, #tpu.memory_space<hbm>>
      %dma_start3A_33 = tpu.memref_squeeze %dma_start3A_32 : memref<1x640x64xf32, #tpu.memory_space<hbm>> -> memref<640x64xf32, #tpu.memory_space<hbm>>
      %dma_start3A_34 = arith.constant 0 : i32
      %dma_start3A_35 = tpu.memref_slice %arg10[%mul3A_31, %dma_start3A_34] : memref<10240x64xf32, #tpu.memory_space<vmem_shared>> -> memref<640x64xf32, #tpu.memory_space<vmem_shared>>
      tpu.enqueue_dma source(%dma_start3A_35 : memref<640x64xf32, #tpu.memory_space<vmem_shared>>) target(%dma_start3A_33 : memref<640x64xf32, #tpu.memory_space<hbm>>) target_semaphore(%run_scoped3A : memref<!tpu.dma_semaphore, #tpu.memory_space<semaphore_mem>>)
      %dma_wait3A = arith.constant 0 : i32
      %dma_wait3A_36 = tpu.memref_slice %arg5[%arg0, %mul3A_31, %dma_wait3A] : memref<2x10240x64xf32, #tpu.memory_space<hbm>> -> memref<1x640x64xf32, #tpu.memory_space<hbm>>
      %dma_wait3A_37 = tpu.memref_squeeze %dma_wait3A_36 : memref<1x640x64xf32, #tpu.memory_space<hbm>> -> memref<640x64xf32, #tpu.memory_space<hbm>>
      %dma_wait3A_38 = arith.constant 0 : i32
      %dma_wait3A_39 = tpu.memref_slice %arg10[%mul3A_31, %dma_wait3A_38] : memref<10240x64xf32, #tpu.memory_space<vmem_shared>> -> memref<640x64xf32, #tpu.memory_space<vmem_shared>>
      tpu.wait_dma2 semaphore(%run_scoped3A : memref<!tpu.dma_semaphore, #tpu.memory_space<semaphore_mem>>) src(%dma_wait3A_39 : memref<640x64xf32, #tpu.memory_space<vmem_shared>>) dst(%dma_wait3A_37 : memref<640x64xf32, #tpu.memory_space<hbm>>)
      tpu.yield
    }) : () -> ()
    return
  }
}

#map = affine_map<(d0, d1) -> (0, 0)>
#map1 = affine_map<(d0, d1) -> (0, 0, 0, 0)>
#map2 = affine_map<(d0, d1) -> (0, 0, 0)>
module attributes {stable_mosaic.version = 14 : i64} {
  func.func @_msg_body(%arg0: i32, %arg1: i32, %arg2: memref<20480x64xf32, #tpu.memory_space<hbm>>, %arg3: memref<2x16x157x128xi32, #tpu.memory_space<hbm>>, %arg4: memref<16x157x128xi32, #tpu.memory_space<hbm>>, %arg5: memref<2x10240x64xf32, #tpu.memory_space<hbm>>, %arg6: memref<157x128xi32, #tpu.memory_space<vmem>>, %arg7: memref<157x128xi32, #tpu.memory_space<vmem>>, %arg8: memref<128x64xf32, #tpu.memory_space<vmem>>, %arg9: memref<128x64xf32, #tpu.memory_space<vmem>>, %arg10: memref<10240x64xf32, #tpu.memory_space<vmem_shared>>, %arg11: memref<!tpu.dma_semaphore, #tpu.memory_space<semaphore_mem>>) attributes {dimension_semantics = [#tpu.dimension_semantics<core_parallel>, #tpu.dimension_semantics<subcore_parallel>], iteration_bounds = array<i64: 2, 16>, scalar_prefetch = 0 : i64, scratch_operands = 6 : i64, tpu.core_type = #tpu.core_type<sc_vector_subcore>, window_params = [{transform_indices = #map}, {transform_indices = #map1}, {transform_indices = #map2}, {transform_indices = #map2}]} {
    %scan3A = arith.constant 0 : i32
    %scan3A_0 = arith.constant 0 : i32
    %scan3A_1 = arith.constant 128 : i32
    %scan3A_2 = arith.addi %scan3A_0, %scan3A_1 : i32
    %scan3A_3 = arith.constant 1 : i32
    scf.for %scan3A_32 = %scan3A_0 to %scan3A_2 step %scan3A_3  : i32 {
      %broadcast_in_dim3A = arith.constant 0.000000e+00 : f32
      %broadcast_in_dim3A_33 = vector.broadcast %broadcast_in_dim3A : f32 to vector<16xf32>
      %swap3A = arith.index_cast %scan3A_32 : i32 to index
      %swap3A_34 = arith.constant 0 : index
      %swap3A_35 = tpu.vector_load %arg9[%swap3A, %swap3A_34] {strides = array<i32>} : memref<128x64xf32, #tpu.memory_space<vmem>>, vector<1x16xf32>,
      %swap3A_36 = vector.shape_cast %swap3A_35 : vector<1x16xf32> to vector<16xf32>
      %swap3A_37 = vector.shape_cast %broadcast_in_dim3A_33 : vector<16xf32> to vector<1x16xf32>
      tpu.vector_store %arg9[%swap3A, %swap3A_34], %swap3A_37 {strides = array<i32>} : memref<128x64xf32, #tpu.memory_space<vmem>>, vector<1x16xf32>,
      %broadcast_in_dim3A_38 = arith.constant 0.000000e+00 : f32
      %broadcast_in_dim3A_39 = vector.broadcast %broadcast_in_dim3A_38 : f32 to vector<16xf32>
      %swap3A_40 = arith.index_cast %scan3A_32 : i32 to index
      %swap3A_41 = arith.constant 16 : index
      %swap3A_42 = tpu.vector_load %arg9[%swap3A_40, %swap3A_41] {strides = array<i32>} : memref<128x64xf32, #tpu.memory_space<vmem>>, vector<1x16xf32>,
      %swap3A_43 = vector.shape_cast %swap3A_42 : vector<1x16xf32> to vector<16xf32>
      %swap3A_44 = vector.shape_cast %broadcast_in_dim3A_39 : vector<16xf32> to vector<1x16xf32>
      tpu.vector_store %arg9[%swap3A_40, %swap3A_41], %swap3A_44 {strides = array<i32>} : memref<128x64xf32, #tpu.memory_space<vmem>>, vector<1x16xf32>,
      %broadcast_in_dim3A_45 = arith.constant 0.000000e+00 : f32
      %broadcast_in_dim3A_46 = vector.broadcast %broadcast_in_dim3A_45 : f32 to vector<16xf32>
      %swap3A_47 = arith.index_cast %scan3A_32 : i32 to index
      %swap3A_48 = arith.constant 32 : index
      %swap3A_49 = tpu.vector_load %arg9[%swap3A_47, %swap3A_48] {strides = array<i32>} : memref<128x64xf32, #tpu.memory_space<vmem>>, vector<1x16xf32>,
      %swap3A_50 = vector.shape_cast %swap3A_49 : vector<1x16xf32> to vector<16xf32>
      %swap3A_51 = vector.shape_cast %broadcast_in_dim3A_46 : vector<16xf32> to vector<1x16xf32>
      tpu.vector_store %arg9[%swap3A_47, %swap3A_48], %swap3A_51 {strides = array<i32>} : memref<128x64xf32, #tpu.memory_space<vmem>>, vector<1x16xf32>,
      %broadcast_in_dim3A_52 = arith.constant 0.000000e+00 : f32
      %broadcast_in_dim3A_53 = vector.broadcast %broadcast_in_dim3A_52 : f32 to vector<16xf32>
      %swap3A_54 = arith.index_cast %scan3A_32 : i32 to index
      %swap3A_55 = arith.constant 48 : index
      %swap3A_56 = tpu.vector_load %arg9[%swap3A_54, %swap3A_55] {strides = array<i32>} : memref<128x64xf32, #tpu.memory_space<vmem>>, vector<1x16xf32>,
      %swap3A_57 = vector.shape_cast %swap3A_56 : vector<1x16xf32> to vector<16xf32>
      %swap3A_58 = vector.shape_cast %broadcast_in_dim3A_53 : vector<16xf32> to vector<1x16xf32>
      tpu.vector_store %arg9[%swap3A_54, %swap3A_55], %swap3A_58 {strides = array<i32>} : memref<128x64xf32, #tpu.memory_space<vmem>>, vector<1x16xf32>,
    }
    %scan3A_4 = arith.constant 128 : i32
    %mul3A = arith.constant 640 : i32
    %mul3A_5 = arith.muli %arg1, %mul3A : i32
    %add3A = arith.constant 0 : i32
    %add3A_6 = arith.addi %mul3A_5, %add3A : i32
    "tpu.region"() ({
      %run_scoped3A = tpu.sem_alloc : memref<!tpu.dma_semaphore, #tpu.memory_space<semaphore_mem>>
      %dma_start3A = arith.constant 0 : i32
      %dma_start3A_32 = tpu.memref_slice %arg10[%add3A_6, %dma_start3A] : memref<10240x64xf32, #tpu.memory_space<vmem_shared>> -> memref<128x64xf32, #tpu.memory_space<vmem_shared>>
      %dma_start3A_33 = arith.constant 0 : i32
      %dma_start3A_34 = tpu.memref_slice %arg10[%add3A_6, %dma_start3A_33] : memref<10240x64xf32, #tpu.memory_space<vmem_shared>> -> memref<128x64xf32, #tpu.memory_space<vmem_shared>>
      tpu.enqueue_dma source(%arg9 : memref<128x64xf32, #tpu.memory_space<vmem>>) target(%dma_start3A_34 : memref<128x64xf32, #tpu.memory_space<vmem_shared>>) target_semaphore(%run_scoped3A : memref<!tpu.dma_semaphore, #tpu.memory_space<semaphore_mem>>)
      %dma_wait3A = arith.constant 0 : i32
      %dma_wait3A_35 = tpu.memref_slice %arg10[%add3A_6, %dma_wait3A] : memref<10240x64xf32, #tpu.memory_space<vmem_shared>> -> memref<128x64xf32, #tpu.memory_space<vmem_shared>>
      %dma_wait3A_36 = arith.constant 0 : i32
      %dma_wait3A_37 = tpu.memref_slice %arg10[%add3A_6, %dma_wait3A_36] : memref<10240x64xf32, #tpu.memory_space<vmem_shared>> -> memref<128x64xf32, #tpu.memory_space<vmem_shared>>
      tpu.wait_dma2 semaphore(%run_scoped3A : memref<!tpu.dma_semaphore, #tpu.memory_space<semaphore_mem>>) src(%arg9 : memref<128x64xf32, #tpu.memory_space<vmem>>) dst(%dma_wait3A_37 : memref<128x64xf32, #tpu.memory_space<vmem_shared>>)
      tpu.yield
    }) : () -> ()
    %mul3A_7 = arith.constant 640 : i32
    %mul3A_8 = arith.muli %arg1, %mul3A_7 : i32
    %add3A_9 = arith.constant 128 : i32
    %add3A_10 = arith.addi %mul3A_8, %add3A_9 : i32
    "tpu.region"() ({
      %run_scoped3A = tpu.sem_alloc : memref<!tpu.dma_semaphore, #tpu.memory_space<semaphore_mem>>
      %dma_start3A = arith.constant 0 : i32
      %dma_start3A_32 = tpu.memref_slice %arg10[%add3A_10, %dma_start3A] : memref<10240x64xf32, #tpu.memory_space<vmem_shared>> -> memref<128x64xf32, #tpu.memory_space<vmem_shared>>
      %dma_start3A_33 = arith.constant 0 : i32
      %dma_start3A_34 = tpu.memref_slice %arg10[%add3A_10, %dma_start3A_33] : memref<10240x64xf32, #tpu.memory_space<vmem_shared>> -> memref<128x64xf32, #tpu.memory_space<vmem_shared>>
      tpu.enqueue_dma source(%arg9 : memref<128x64xf32, #tpu.memory_space<vmem>>) target(%dma_start3A_34 : memref<128x64xf32, #tpu.memory_space<vmem_shared>>) target_semaphore(%run_scoped3A : memref<!tpu.dma_semaphore, #tpu.memory_space<semaphore_mem>>)
      %dma_wait3A = arith.constant 0 : i32
      %dma_wait3A_35 = tpu.memref_slice %arg10[%add3A_10, %dma_wait3A] : memref<10240x64xf32, #tpu.memory_space<vmem_shared>> -> memref<128x64xf32, #tpu.memory_space<vmem_shared>>
      %dma_wait3A_36 = arith.constant 0 : i32
      %dma_wait3A_37 = tpu.memref_slice %arg10[%add3A_10, %dma_wait3A_36] : memref<10240x64xf32, #tpu.memory_space<vmem_shared>> -> memref<128x64xf32, #tpu.memory_space<vmem_shared>>
      tpu.wait_dma2 semaphore(%run_scoped3A : memref<!tpu.dma_semaphore, #tpu.memory_space<semaphore_mem>>) src(%arg9 : memref<128x64xf32, #tpu.memory_space<vmem>>) dst(%dma_wait3A_37 : memref<128x64xf32, #tpu.memory_space<vmem_shared>>)
      tpu.yield
    }) : () -> ()
    %mul3A_11 = arith.constant 640 : i32
    %mul3A_12 = arith.muli %arg1, %mul3A_11 : i32
    %add3A_13 = arith.constant 256 : i32
    %add3A_14 = arith.addi %mul3A_12, %add3A_13 : i32
    "tpu.region"() ({
      %run_scoped3A = tpu.sem_alloc : memref<!tpu.dma_semaphore, #tpu.memory_space<semaphore_mem>>
      %dma_start3A = arith.constant 0 : i32
      %dma_start3A_32 = tpu.memref_slice %arg10[%add3A_14, %dma_start3A] : memref<10240x64xf32, #tpu.memory_space<vmem_shared>> -> memref<128x64xf32, #tpu.memory_space<vmem_shared>>
      %dma_start3A_33 = arith.constant 0 : i32
      %dma_start3A_34 = tpu.memref_slice %arg10[%add3A_14, %dma_start3A_33] : memref<10240x64xf32, #tpu.memory_space<vmem_shared>> -> memref<128x64xf32, #tpu.memory_space<vmem_shared>>
      tpu.enqueue_dma source(%arg9 : memref<128x64xf32, #tpu.memory_space<vmem>>) target(%dma_start3A_34 : memref<128x64xf32, #tpu.memory_space<vmem_shared>>) target_semaphore(%run_scoped3A : memref<!tpu.dma_semaphore, #tpu.memory_space<semaphore_mem>>)
      %dma_wait3A = arith.constant 0 : i32
      %dma_wait3A_35 = tpu.memref_slice %arg10[%add3A_14, %dma_wait3A] : memref<10240x64xf32, #tpu.memory_space<vmem_shared>> -> memref<128x64xf32, #tpu.memory_space<vmem_shared>>
      %dma_wait3A_36 = arith.constant 0 : i32
      %dma_wait3A_37 = tpu.memref_slice %arg10[%add3A_14, %dma_wait3A_36] : memref<10240x64xf32, #tpu.memory_space<vmem_shared>> -> memref<128x64xf32, #tpu.memory_space<vmem_shared>>
      tpu.wait_dma2 semaphore(%run_scoped3A : memref<!tpu.dma_semaphore, #tpu.memory_space<semaphore_mem>>) src(%arg9 : memref<128x64xf32, #tpu.memory_space<vmem>>) dst(%dma_wait3A_37 : memref<128x64xf32, #tpu.memory_space<vmem_shared>>)
      tpu.yield
    }) : () -> ()
    %mul3A_15 = arith.constant 640 : i32
    %mul3A_16 = arith.muli %arg1, %mul3A_15 : i32
    %add3A_17 = arith.constant 384 : i32
    %add3A_18 = arith.addi %mul3A_16, %add3A_17 : i32
    "tpu.region"() ({
      %run_scoped3A = tpu.sem_alloc : memref<!tpu.dma_semaphore, #tpu.memory_space<semaphore_mem>>
      %dma_start3A = arith.constant 0 : i32
      %dma_start3A_32 = tpu.memref_slice %arg10[%add3A_18, %dma_start3A] : memref<10240x64xf32, #tpu.memory_space<vmem_shared>> -> memref<128x64xf32, #tpu.memory_space<vmem_shared>>
      %dma_start3A_33 = arith.constant 0 : i32
      %dma_start3A_34 = tpu.memref_slice %arg10[%add3A_18, %dma_start3A_33] : memref<10240x64xf32, #tpu.memory_space<vmem_shared>> -> memref<128x64xf32, #tpu.memory_space<vmem_shared>>
      tpu.enqueue_dma source(%arg9 : memref<128x64xf32, #tpu.memory_space<vmem>>) target(%dma_start3A_34 : memref<128x64xf32, #tpu.memory_space<vmem_shared>>) target_semaphore(%run_scoped3A : memref<!tpu.dma_semaphore, #tpu.memory_space<semaphore_mem>>)
      %dma_wait3A = arith.constant 0 : i32
      %dma_wait3A_35 = tpu.memref_slice %arg10[%add3A_18, %dma_wait3A] : memref<10240x64xf32, #tpu.memory_space<vmem_shared>> -> memref<128x64xf32, #tpu.memory_space<vmem_shared>>
      %dma_wait3A_36 = arith.constant 0 : i32
      %dma_wait3A_37 = tpu.memref_slice %arg10[%add3A_18, %dma_wait3A_36] : memref<10240x64xf32, #tpu.memory_space<vmem_shared>> -> memref<128x64xf32, #tpu.memory_space<vmem_shared>>
      tpu.wait_dma2 semaphore(%run_scoped3A : memref<!tpu.dma_semaphore, #tpu.memory_space<semaphore_mem>>) src(%arg9 : memref<128x64xf32, #tpu.memory_space<vmem>>) dst(%dma_wait3A_37 : memref<128x64xf32, #tpu.memory_space<vmem_shared>>)
      tpu.yield
    }) : () -> ()
    %mul3A_19 = arith.constant 640 : i32
    %mul3A_20 = arith.muli %arg1, %mul3A_19 : i32
    %add3A_21 = arith.constant 512 : i32
    %add3A_22 = arith.addi %mul3A_20, %add3A_21 : i32
    "tpu.region"() ({
      %run_scoped3A = tpu.sem_alloc : memref<!tpu.dma_semaphore, #tpu.memory_space<semaphore_mem>>
      %dma_start3A = arith.constant 0 : i32
      %dma_start3A_32 = tpu.memref_slice %arg10[%add3A_22, %dma_start3A] : memref<10240x64xf32, #tpu.memory_space<vmem_shared>> -> memref<128x64xf32, #tpu.memory_space<vmem_shared>>
      %dma_start3A_33 = arith.constant 0 : i32
      %dma_start3A_34 = tpu.memref_slice %arg10[%add3A_22, %dma_start3A_33] : memref<10240x64xf32, #tpu.memory_space<vmem_shared>> -> memref<128x64xf32, #tpu.memory_space<vmem_shared>>
      tpu.enqueue_dma source(%arg9 : memref<128x64xf32, #tpu.memory_space<vmem>>) target(%dma_start3A_34 : memref<128x64xf32, #tpu.memory_space<vmem_shared>>) target_semaphore(%run_scoped3A : memref<!tpu.dma_semaphore, #tpu.memory_space<semaphore_mem>>)
      %dma_wait3A = arith.constant 0 : i32
      %dma_wait3A_35 = tpu.memref_slice %arg10[%add3A_22, %dma_wait3A] : memref<10240x64xf32, #tpu.memory_space<vmem_shared>> -> memref<128x64xf32, #tpu.memory_space<vmem_shared>>
      %dma_wait3A_36 = arith.constant 0 : i32
      %dma_wait3A_37 = tpu.memref_slice %arg10[%add3A_22, %dma_wait3A_36] : memref<10240x64xf32, #tpu.memory_space<vmem_shared>> -> memref<128x64xf32, #tpu.memory_space<vmem_shared>>
      tpu.wait_dma2 semaphore(%run_scoped3A : memref<!tpu.dma_semaphore, #tpu.memory_space<semaphore_mem>>) src(%arg9 : memref<128x64xf32, #tpu.memory_space<vmem>>) dst(%dma_wait3A_37 : memref<128x64xf32, #tpu.memory_space<vmem_shared>>)
      tpu.yield
    }) : () -> ()
    "tpu.region"() ({
      %run_scoped3A = tpu.sem_alloc : memref<!tpu.dma_semaphore, #tpu.memory_space<semaphore_mem>>
      %dma_start3A = arith.constant 0 : i32
      %dma_start3A_32 = arith.constant 0 : i32
      %dma_start3A_33 = tpu.memref_slice %arg3[%arg0, %arg1, %dma_start3A, %dma_start3A_32] : memref<2x16x157x128xi32, #tpu.memory_space<hbm>> -> memref<1x1x157x128xi32, #tpu.memory_space<hbm>>
      %dma_start3A_34 = tpu.memref_squeeze %dma_start3A_33 : memref<1x1x157x128xi32, #tpu.memory_space<hbm>> -> memref<157x128xi32, #tpu.memory_space<hbm>>
      %dma_start3A_35 = arith.constant 0 : i32
      %dma_start3A_36 = arith.constant 0 : i32
      %dma_start3A_37 = tpu.memref_slice %arg3[%arg0, %arg1, %dma_start3A_35, %dma_start3A_36] : memref<2x16x157x128xi32, #tpu.memory_space<hbm>> -> memref<1x1x157x128xi32, #tpu.memory_space<hbm>>
      %dma_start3A_38 = tpu.memref_squeeze %dma_start3A_37 : memref<1x1x157x128xi32, #tpu.memory_space<hbm>> -> memref<157x128xi32, #tpu.memory_space<hbm>>
      tpu.enqueue_dma source(%dma_start3A_38 : memref<157x128xi32, #tpu.memory_space<hbm>>) target(%arg6 : memref<157x128xi32, #tpu.memory_space<vmem>>) target_semaphore(%run_scoped3A : memref<!tpu.dma_semaphore, #tpu.memory_space<semaphore_mem>>)
      %dma_wait3A = arith.constant 0 : i32
      %dma_wait3A_39 = arith.constant 0 : i32
      %dma_wait3A_40 = tpu.memref_slice %arg3[%arg0, %arg1, %dma_wait3A, %dma_wait3A_39] : memref<2x16x157x128xi32, #tpu.memory_space<hbm>> -> memref<1x1x157x128xi32, #tpu.memory_space<hbm>>
      %dma_wait3A_41 = tpu.memref_squeeze %dma_wait3A_40 : memref<1x1x157x128xi32, #tpu.memory_space<hbm>> -> memref<157x128xi32, #tpu.memory_space<hbm>>
      %dma_wait3A_42 = arith.constant 0 : i32
      %dma_wait3A_43 = arith.constant 0 : i32
      %dma_wait3A_44 = tpu.memref_slice %arg3[%arg0, %arg1, %dma_wait3A_42, %dma_wait3A_43] : memref<2x16x157x128xi32, #tpu.memory_space<hbm>> -> memref<1x1x157x128xi32, #tpu.memory_space<hbm>>
      %dma_wait3A_45 = tpu.memref_squeeze %dma_wait3A_44 : memref<1x1x157x128xi32, #tpu.memory_space<hbm>> -> memref<157x128xi32, #tpu.memory_space<hbm>>
      tpu.wait_dma2 semaphore(%run_scoped3A : memref<!tpu.dma_semaphore, #tpu.memory_space<semaphore_mem>>) src(%dma_wait3A_45 : memref<157x128xi32, #tpu.memory_space<hbm>>) dst(%arg6 : memref<157x128xi32, #tpu.memory_space<vmem>>)
      tpu.yield
    }) : () -> ()
    "tpu.region"() ({
      %run_scoped3A = tpu.sem_alloc : memref<!tpu.dma_semaphore, #tpu.memory_space<semaphore_mem>>
      %dma_start3A = arith.constant 0 : i32
      %dma_start3A_32 = arith.constant 0 : i32
      %dma_start3A_33 = tpu.memref_slice %arg4[%arg1, %dma_start3A, %dma_start3A_32] : memref<16x157x128xi32, #tpu.memory_space<hbm>> -> memref<1x157x128xi32, #tpu.memory_space<hbm>>
      %dma_start3A_34 = tpu.memref_squeeze %dma_start3A_33 : memref<1x157x128xi32, #tpu.memory_space<hbm>> -> memref<157x128xi32, #tpu.memory_space<hbm>>
      %dma_start3A_35 = arith.constant 0 : i32
      %dma_start3A_36 = arith.constant 0 : i32
      %dma_start3A_37 = tpu.memref_slice %arg4[%arg1, %dma_start3A_35, %dma_start3A_36] : memref<16x157x128xi32, #tpu.memory_space<hbm>> -> memref<1x157x128xi32, #tpu.memory_space<hbm>>
      %dma_start3A_38 = tpu.memref_squeeze %dma_start3A_37 : memref<1x157x128xi32, #tpu.memory_space<hbm>> -> memref<157x128xi32, #tpu.memory_space<hbm>>
      tpu.enqueue_dma source(%dma_start3A_38 : memref<157x128xi32, #tpu.memory_space<hbm>>) target(%arg7 : memref<157x128xi32, #tpu.memory_space<vmem>>) target_semaphore(%run_scoped3A : memref<!tpu.dma_semaphore, #tpu.memory_space<semaphore_mem>>)
      %dma_wait3A = arith.constant 0 : i32
      %dma_wait3A_39 = arith.constant 0 : i32
      %dma_wait3A_40 = tpu.memref_slice %arg4[%arg1, %dma_wait3A, %dma_wait3A_39] : memref<16x157x128xi32, #tpu.memory_space<hbm>> -> memref<1x157x128xi32, #tpu.memory_space<hbm>>
      %dma_wait3A_41 = tpu.memref_squeeze %dma_wait3A_40 : memref<1x157x128xi32, #tpu.memory_space<hbm>> -> memref<157x128xi32, #tpu.memory_space<hbm>>
      %dma_wait3A_42 = arith.constant 0 : i32
      %dma_wait3A_43 = arith.constant 0 : i32
      %dma_wait3A_44 = tpu.memref_slice %arg4[%arg1, %dma_wait3A_42, %dma_wait3A_43] : memref<16x157x128xi32, #tpu.memory_space<hbm>> -> memref<1x157x128xi32, #tpu.memory_space<hbm>>
      %dma_wait3A_45 = tpu.memref_squeeze %dma_wait3A_44 : memref<1x157x128xi32, #tpu.memory_space<hbm>> -> memref<157x128xi32, #tpu.memory_space<hbm>>
      tpu.wait_dma2 semaphore(%run_scoped3A : memref<!tpu.dma_semaphore, #tpu.memory_space<semaphore_mem>>) src(%dma_wait3A_45 : memref<157x128xi32, #tpu.memory_space<hbm>>) dst(%arg7 : memref<157x128xi32, #tpu.memory_space<vmem>>)
      tpu.yield
    }) : () -> ()
    %barrier3A = arith.constant 0 : index
    tpu.barrier barrier_id(%barrier3A)
    %scan3A_23 = arith.constant 0 : i32
    %scan3A_24 = arith.constant 0 : i32
    %scan3A_25 = arith.constant 157 : i32
    %scan3A_26 = arith.addi %scan3A_24, %scan3A_25 : i32
    %scan3A_27 = arith.constant 1 : i32
    scf.for %scan3A_32 = %scan3A_24 to %scan3A_26 step %scan3A_27  : i32 {
      %dma_start3A = arith.constant 0 : i32
      %dma_start3A_33 = tpu.memref_slice %arg6[%scan3A_32, %dma_start3A] : memref<157x128xi32, #tpu.memory_space<vmem>> -> memref<1x128xi32, #tpu.memory_space<vmem>>
      %dma_start3A_34 = tpu.memref_squeeze %dma_start3A_33 : memref<1x128xi32, #tpu.memory_space<vmem>> -> memref<128xi32, #tpu.memory_space<vmem>>
      %dma_start3A_35 = arith.constant 0 : i32
      %dma_start3A_36 = arith.constant 0 : i32
      %dma_start3A_37 = tpu.memref_slice %arg2[%dma_start3A_35, %dma_start3A_36] : memref<20480x64xf32, #tpu.memory_space<hbm>> -> memref<20480x64xf32, #tpu.memory_space<hbm>>
      tpu.enqueue_indirect_dma source(%dma_start3A_37 : memref<20480x64xf32, #tpu.memory_space<hbm>>) target(%arg8 : memref<128x64xf32, #tpu.memory_space<vmem>>) offsets(%dma_start3A_34 : memref<128xi32, #tpu.memory_space<vmem>>) semaphore(%arg11 : memref<!tpu.dma_semaphore, #tpu.memory_space<semaphore_mem>>)
      %dma_wait3A = arith.constant 0 : i32
      %dma_wait3A_38 = tpu.memref_slice %arg6[%scan3A_32, %dma_wait3A] : memref<157x128xi32, #tpu.memory_space<vmem>> -> memref<1x128xi32, #tpu.memory_space<vmem>>
      %dma_wait3A_39 = tpu.memref_squeeze %dma_wait3A_38 : memref<1x128xi32, #tpu.memory_space<vmem>> -> memref<128xi32, #tpu.memory_space<vmem>>
      %dma_wait3A_40 = arith.constant 0 : i32
      %dma_wait3A_41 = arith.constant 0 : i32
      %dma_wait3A_42 = tpu.memref_slice %arg2[%dma_wait3A_40, %dma_wait3A_41] : memref<20480x64xf32, #tpu.memory_space<hbm>> -> memref<20480x64xf32, #tpu.memory_space<hbm>>
      tpu.wait_indirect_dma semaphore(%arg11 : memref<!tpu.dma_semaphore, #tpu.memory_space<semaphore_mem>>) src(%dma_wait3A_42 : memref<20480x64xf32, #tpu.memory_space<hbm>>) dst(%arg8 : memref<128x64xf32, #tpu.memory_space<vmem>>)
      "tpu.region"() ({
        %run_scoped3A = tpu.sem_alloc : memref<!tpu.dma_semaphore, #tpu.memory_space<semaphore_mem>>
        %dma_start3A_43 = arith.constant 0 : i32
        %dma_start3A_44 = tpu.memref_slice %arg7[%scan3A_32, %dma_start3A_43] : memref<157x128xi32, #tpu.memory_space<vmem>> -> memref<1x128xi32, #tpu.memory_space<vmem>>
        %dma_start3A_45 = tpu.memref_squeeze %dma_start3A_44 : memref<1x128xi32, #tpu.memory_space<vmem>> -> memref<128xi32, #tpu.memory_space<vmem>>
        %dma_start3A_46 = arith.constant 0 : i32
        %dma_start3A_47 = arith.constant 0 : i32
        %dma_start3A_48 = tpu.memref_slice %arg10[%dma_start3A_46, %dma_start3A_47] : memref<10240x64xf32, #tpu.memory_space<vmem_shared>> -> memref<10240x64xf32, #tpu.memory_space<vmem_shared>>
        tpu.enqueue_indirect_dma source(%arg8 : memref<128x64xf32, #tpu.memory_space<vmem>>) target(%dma_start3A_48 : memref<10240x64xf32, #tpu.memory_space<vmem_shared>>) offsets(%dma_start3A_45 : memref<128xi32, #tpu.memory_space<vmem>>) semaphore(%run_scoped3A : memref<!tpu.dma_semaphore, #tpu.memory_space<semaphore_mem>>) {add = true}
        %dma_wait3A_49 = arith.constant 0 : i32
        %dma_wait3A_50 = tpu.memref_slice %arg7[%scan3A_32, %dma_wait3A_49] : memref<157x128xi32, #tpu.memory_space<vmem>> -> memref<1x128xi32, #tpu.memory_space<vmem>>
        %dma_wait3A_51 = tpu.memref_squeeze %dma_wait3A_50 : memref<1x128xi32, #tpu.memory_space<vmem>> -> memref<128xi32, #tpu.memory_space<vmem>>
        %dma_wait3A_52 = arith.constant 0 : i32
        %dma_wait3A_53 = arith.constant 0 : i32
        %dma_wait3A_54 = tpu.memref_slice %arg10[%dma_wait3A_52, %dma_wait3A_53] : memref<10240x64xf32, #tpu.memory_space<vmem_shared>> -> memref<10240x64xf32, #tpu.memory_space<vmem_shared>>
        tpu.wait_indirect_dma semaphore(%run_scoped3A : memref<!tpu.dma_semaphore, #tpu.memory_space<semaphore_mem>>) src(%arg8 : memref<128x64xf32, #tpu.memory_space<vmem>>) dst(%dma_wait3A_54 : memref<10240x64xf32, #tpu.memory_space<vmem_shared>>)
        tpu.yield
      }) : () -> ()
    }
    %scan3A_28 = arith.constant 157 : i32
    %barrier3A_29 = arith.constant 0 : index
    tpu.barrier barrier_id(%barrier3A_29)
    %mul3A_30 = arith.constant 640 : i32
    %mul3A_31 = arith.muli %arg1, %mul3A_30 : i32
    "tpu.region"() ({
      %run_scoped3A = tpu.sem_alloc : memref<!tpu.dma_semaphore, #tpu.memory_space<semaphore_mem>>
      %dma_start3A = arith.constant 0 : i32
      %dma_start3A_32 = tpu.memref_slice %arg5[%arg0, %mul3A_31, %dma_start3A] : memref<2x10240x64xf32, #tpu.memory_space<hbm>> -> memref<1x640x64xf32, #tpu.memory_space<hbm>>
      %dma_start3A_33 = tpu.memref_squeeze %dma_start3A_32 : memref<1x640x64xf32, #tpu.memory_space<hbm>> -> memref<640x64xf32, #tpu.memory_space<hbm>>
      %dma_start3A_34 = arith.constant 0 : i32
      %dma_start3A_35 = tpu.memref_slice %arg10[%mul3A_31, %dma_start3A_34] : memref<10240x64xf32, #tpu.memory_space<vmem_shared>> -> memref<640x64xf32, #tpu.memory_space<vmem_shared>>
      tpu.enqueue_dma source(%dma_start3A_35 : memref<640x64xf32, #tpu.memory_space<vmem_shared>>) target(%dma_start3A_33 : memref<640x64xf32, #tpu.memory_space<hbm>>) target_semaphore(%run_scoped3A : memref<!tpu.dma_semaphore, #tpu.memory_space<semaphore_mem>>)
      %dma_wait3A = arith.constant 0 : i32
      %dma_wait3A_36 = tpu.memref_slice %arg5[%arg0, %mul3A_31, %dma_wait3A] : memref<2x10240x64xf32, #tpu.memory_space<hbm>> -> memref<1x640x64xf32, #tpu.memory_space<hbm>>
      %dma_wait3A_37 = tpu.memref_squeeze %dma_wait3A_36 : memref<1x640x64xf32, #tpu.memory_space<hbm>> -> memref<640x64xf32, #tpu.memory_space<hbm>>
      %dma_wait3A_38 = arith.constant 0 : i32
      %dma_wait3A_39 = tpu.memref_slice %arg10[%mul3A_31, %dma_wait3A_38] : memref<10240x64xf32, #tpu.memory_space<vmem_shared>> -> memref<640x64xf32, #tpu.memory_space<vmem_shared>>
      tpu.wait_dma2 semaphore(%run_scoped3A : memref<!tpu.dma_semaphore, #tpu.memory_space<semaphore_mem>>) src(%dma_wait3A_39 : memref<640x64xf32, #tpu.memory_space<vmem_shared>>) dst(%dma_wait3A_37 : memref<640x64xf32, #tpu.memory_space<hbm>>)
      tpu.yield
    }) : () -> ()
    return
  }
}

#map = affine_map<(d0, d1) -> (0, 0)>
#map1 = affine_map<(d0, d1) -> (0, 0, 0)>
module attributes {stable_mosaic.version = 14 : i64} {
  func.func @_pair_body(%arg0: i32, %arg1: i32, %arg2: memref<10240x128xf32, #tpu.memory_space<hbm>>, %arg3: memref<10240x128xf32, #tpu.memory_space<hbm>>, %arg4: memref<32x49x128xi32, #tpu.memory_space<hbm>>, %arg5: memref<32x49x128xi32, #tpu.memory_space<hbm>>, %arg6: memref<200704x128xf32, #tpu.memory_space<hbm>>, %arg7: memref<200704x128xf32, #tpu.memory_space<hbm>>, %arg8: memref<49x128xi32, #tpu.memory_space<vmem>>, %arg9: memref<49x128xi32, #tpu.memory_space<vmem>>, %arg10: memref<128x128xf32, #tpu.memory_space<vmem>>, %arg11: memref<128x128xf32, #tpu.memory_space<vmem>>, %arg12: memref<!tpu.dma_semaphore, #tpu.memory_space<semaphore_mem>>, %arg13: memref<!tpu.dma_semaphore, #tpu.memory_space<semaphore_mem>>) attributes {dimension_semantics = [#tpu.dimension_semantics<core_parallel>, #tpu.dimension_semantics<subcore_parallel>], iteration_bounds = array<i64: 2, 16>, scalar_prefetch = 0 : i64, scratch_operands = 6 : i64, tpu.core_type = #tpu.core_type<sc_vector_subcore>, window_params = [{transform_indices = #map}, {transform_indices = #map}, {transform_indices = #map1}, {transform_indices = #map1}, {transform_indices = #map}, {transform_indices = #map}]} {
    %mul3A = arith.constant 2 : i32
    %mul3A_0 = arith.muli %arg1, %mul3A : i32
    %add3A = arith.addi %mul3A_0, %arg0 : i32
    %mul3A_1 = arith.constant 49 : i32
    %mul3A_2 = arith.muli %add3A, %mul3A_1 : i32
    %mul3A_3 = arith.constant 128 : i32
    %mul3A_4 = arith.muli %mul3A_2, %mul3A_3 : i32
    "tpu.region"() ({
      %run_scoped3A = tpu.sem_alloc : memref<!tpu.dma_semaphore, #tpu.memory_space<semaphore_mem>>
      %dma_start3A = arith.constant 0 : i32
      %dma_start3A_10 = arith.constant 0 : i32
      %dma_start3A_11 = tpu.memref_slice %arg4[%add3A, %dma_start3A, %dma_start3A_10] : memref<32x49x128xi32, #tpu.memory_space<hbm>> -> memref<1x49x128xi32, #tpu.memory_space<hbm>>
      %dma_start3A_12 = tpu.memref_squeeze %dma_start3A_11 : memref<1x49x128xi32, #tpu.memory_space<hbm>> -> memref<49x128xi32, #tpu.memory_space<hbm>>
      %dma_start3A_13 = arith.constant 0 : i32
      %dma_start3A_14 = arith.constant 0 : i32
      %dma_start3A_15 = tpu.memref_slice %arg4[%add3A, %dma_start3A_13, %dma_start3A_14] : memref<32x49x128xi32, #tpu.memory_space<hbm>> -> memref<1x49x128xi32, #tpu.memory_space<hbm>>
      %dma_start3A_16 = tpu.memref_squeeze %dma_start3A_15 : memref<1x49x128xi32, #tpu.memory_space<hbm>> -> memref<49x128xi32, #tpu.memory_space<hbm>>
      tpu.enqueue_dma source(%dma_start3A_16 : memref<49x128xi32, #tpu.memory_space<hbm>>) target(%arg8 : memref<49x128xi32, #tpu.memory_space<vmem>>) target_semaphore(%run_scoped3A : memref<!tpu.dma_semaphore, #tpu.memory_space<semaphore_mem>>)
      %dma_wait3A = arith.constant 0 : i32
      %dma_wait3A_17 = arith.constant 0 : i32
      %dma_wait3A_18 = tpu.memref_slice %arg4[%add3A, %dma_wait3A, %dma_wait3A_17] : memref<32x49x128xi32, #tpu.memory_space<hbm>> -> memref<1x49x128xi32, #tpu.memory_space<hbm>>
      %dma_wait3A_19 = tpu.memref_squeeze %dma_wait3A_18 : memref<1x49x128xi32, #tpu.memory_space<hbm>> -> memref<49x128xi32, #tpu.memory_space<hbm>>
      %dma_wait3A_20 = arith.constant 0 : i32
      %dma_wait3A_21 = arith.constant 0 : i32
      %dma_wait3A_22 = tpu.memref_slice %arg4[%add3A, %dma_wait3A_20, %dma_wait3A_21] : memref<32x49x128xi32, #tpu.memory_space<hbm>> -> memref<1x49x128xi32, #tpu.memory_space<hbm>>
      %dma_wait3A_23 = tpu.memref_squeeze %dma_wait3A_22 : memref<1x49x128xi32, #tpu.memory_space<hbm>> -> memref<49x128xi32, #tpu.memory_space<hbm>>
      tpu.wait_dma2 semaphore(%run_scoped3A : memref<!tpu.dma_semaphore, #tpu.memory_space<semaphore_mem>>) src(%dma_wait3A_23 : memref<49x128xi32, #tpu.memory_space<hbm>>) dst(%arg8 : memref<49x128xi32, #tpu.memory_space<vmem>>)
      tpu.yield
    }) : () -> ()
    "tpu.region"() ({
      %run_scoped3A = tpu.sem_alloc : memref<!tpu.dma_semaphore, #tpu.memory_space<semaphore_mem>>
      %dma_start3A = arith.constant 0 : i32
      %dma_start3A_10 = arith.constant 0 : i32
      %dma_start3A_11 = tpu.memref_slice %arg5[%add3A, %dma_start3A, %dma_start3A_10] : memref<32x49x128xi32, #tpu.memory_space<hbm>> -> memref<1x49x128xi32, #tpu.memory_space<hbm>>
      %dma_start3A_12 = tpu.memref_squeeze %dma_start3A_11 : memref<1x49x128xi32, #tpu.memory_space<hbm>> -> memref<49x128xi32, #tpu.memory_space<hbm>>
      %dma_start3A_13 = arith.constant 0 : i32
      %dma_start3A_14 = arith.constant 0 : i32
      %dma_start3A_15 = tpu.memref_slice %arg5[%add3A, %dma_start3A_13, %dma_start3A_14] : memref<32x49x128xi32, #tpu.memory_space<hbm>> -> memref<1x49x128xi32, #tpu.memory_space<hbm>>
      %dma_start3A_16 = tpu.memref_squeeze %dma_start3A_15 : memref<1x49x128xi32, #tpu.memory_space<hbm>> -> memref<49x128xi32, #tpu.memory_space<hbm>>
      tpu.enqueue_dma source(%dma_start3A_16 : memref<49x128xi32, #tpu.memory_space<hbm>>) target(%arg9 : memref<49x128xi32, #tpu.memory_space<vmem>>) target_semaphore(%run_scoped3A : memref<!tpu.dma_semaphore, #tpu.memory_space<semaphore_mem>>)
      %dma_wait3A = arith.constant 0 : i32
      %dma_wait3A_17 = arith.constant 0 : i32
      %dma_wait3A_18 = tpu.memref_slice %arg5[%add3A, %dma_wait3A, %dma_wait3A_17] : memref<32x49x128xi32, #tpu.memory_space<hbm>> -> memref<1x49x128xi32, #tpu.memory_space<hbm>>
      %dma_wait3A_19 = tpu.memref_squeeze %dma_wait3A_18 : memref<1x49x128xi32, #tpu.memory_space<hbm>> -> memref<49x128xi32, #tpu.memory_space<hbm>>
      %dma_wait3A_20 = arith.constant 0 : i32
      %dma_wait3A_21 = arith.constant 0 : i32
      %dma_wait3A_22 = tpu.memref_slice %arg5[%add3A, %dma_wait3A_20, %dma_wait3A_21] : memref<32x49x128xi32, #tpu.memory_space<hbm>> -> memref<1x49x128xi32, #tpu.memory_space<hbm>>
      %dma_wait3A_23 = tpu.memref_squeeze %dma_wait3A_22 : memref<1x49x128xi32, #tpu.memory_space<hbm>> -> memref<49x128xi32, #tpu.memory_space<hbm>>
      tpu.wait_dma2 semaphore(%run_scoped3A : memref<!tpu.dma_semaphore, #tpu.memory_space<semaphore_mem>>) src(%dma_wait3A_23 : memref<49x128xi32, #tpu.memory_space<hbm>>) dst(%arg9 : memref<49x128xi32, #tpu.memory_space<vmem>>)
      tpu.yield
    }) : () -> ()
    %scan3A = arith.constant 0 : i32
    %scan3A_5 = arith.constant 0 : i32
    %scan3A_6 = arith.constant 49 : i32
    %scan3A_7 = arith.addi %scan3A_5, %scan3A_6 : i32
    %scan3A_8 = arith.constant 1 : i32
    scf.for %scan3A_10 = %scan3A_5 to %scan3A_7 step %scan3A_8  : i32 {
      %dma_start3A = arith.constant 0 : i32
      %dma_start3A_11 = tpu.memref_slice %arg8[%scan3A_10, %dma_start3A] : memref<49x128xi32, #tpu.memory_space<vmem>> -> memref<1x128xi32, #tpu.memory_space<vmem>>
      %dma_start3A_12 = tpu.memref_squeeze %dma_start3A_11 : memref<1x128xi32, #tpu.memory_space<vmem>> -> memref<128xi32, #tpu.memory_space<vmem>>
      %dma_start3A_13 = arith.constant 0 : i32
      %dma_start3A_14 = arith.constant 0 : i32
      %dma_start3A_15 = tpu.memref_slice %arg2[%dma_start3A_13, %dma_start3A_14] : memref<10240x128xf32, #tpu.memory_space<hbm>> -> memref<10240x128xf32, #tpu.memory_space<hbm>>
      tpu.enqueue_indirect_dma source(%dma_start3A_15 : memref<10240x128xf32, #tpu.memory_space<hbm>>) target(%arg10 : memref<128x128xf32, #tpu.memory_space<vmem>>) offsets(%dma_start3A_12 : memref<128xi32, #tpu.memory_space<vmem>>) semaphore(%arg12 : memref<!tpu.dma_semaphore, #tpu.memory_space<semaphore_mem>>)
      %dma_start3A_16 = arith.constant 0 : i32
      %dma_start3A_17 = tpu.memref_slice %arg9[%scan3A_10, %dma_start3A_16] : memref<49x128xi32, #tpu.memory_space<vmem>> -> memref<1x128xi32, #tpu.memory_space<vmem>>
      %dma_start3A_18 = tpu.memref_squeeze %dma_start3A_17 : memref<1x128xi32, #tpu.memory_space<vmem>> -> memref<128xi32, #tpu.memory_space<vmem>>
      %dma_start3A_19 = arith.constant 0 : i32
      %dma_start3A_20 = arith.constant 0 : i32
      %dma_start3A_21 = tpu.memref_slice %arg3[%dma_start3A_19, %dma_start3A_20] : memref<10240x128xf32, #tpu.memory_space<hbm>> -> memref<10240x128xf32, #tpu.memory_space<hbm>>
      tpu.enqueue_indirect_dma source(%dma_start3A_21 : memref<10240x128xf32, #tpu.memory_space<hbm>>) target(%arg11 : memref<128x128xf32, #tpu.memory_space<vmem>>) offsets(%dma_start3A_18 : memref<128xi32, #tpu.memory_space<vmem>>) semaphore(%arg13 : memref<!tpu.dma_semaphore, #tpu.memory_space<semaphore_mem>>)
      %mul3A_22 = arith.constant 128 : i32
      %mul3A_23 = arith.muli %scan3A_10, %mul3A_22 : i32
      %add3A_24 = arith.addi %mul3A_4, %mul3A_23 : i32
      %dma_wait3A = arith.constant 0 : i32
      %dma_wait3A_25 = tpu.memref_slice %arg8[%scan3A_10, %dma_wait3A] : memref<49x128xi32, #tpu.memory_space<vmem>> -> memref<1x128xi32, #tpu.memory_space<vmem>>
      %dma_wait3A_26 = tpu.memref_squeeze %dma_wait3A_25 : memref<1x128xi32, #tpu.memory_space<vmem>> -> memref<128xi32, #tpu.memory_space<vmem>>
      %dma_wait3A_27 = arith.constant 0 : i32
      %dma_wait3A_28 = arith.constant 0 : i32
      %dma_wait3A_29 = tpu.memref_slice %arg2[%dma_wait3A_27, %dma_wait3A_28] : memref<10240x128xf32, #tpu.memory_space<hbm>> -> memref<10240x128xf32, #tpu.memory_space<hbm>>
      tpu.wait_indirect_dma semaphore(%arg12 : memref<!tpu.dma_semaphore, #tpu.memory_space<semaphore_mem>>) src(%dma_wait3A_29 : memref<10240x128xf32, #tpu.memory_space<hbm>>) dst(%arg10 : memref<128x128xf32, #tpu.memory_space<vmem>>)
      %dma_wait3A_30 = arith.constant 0 : i32
      %dma_wait3A_31 = tpu.memref_slice %arg9[%scan3A_10, %dma_wait3A_30] : memref<49x128xi32, #tpu.memory_space<vmem>> -> memref<1x128xi32, #tpu.memory_space<vmem>>
      %dma_wait3A_32 = tpu.memref_squeeze %dma_wait3A_31 : memref<1x128xi32, #tpu.memory_space<vmem>> -> memref<128xi32, #tpu.memory_space<vmem>>
      %dma_wait3A_33 = arith.constant 0 : i32
      %dma_wait3A_34 = arith.constant 0 : i32
      %dma_wait3A_35 = tpu.memref_slice %arg3[%dma_wait3A_33, %dma_wait3A_34] : memref<10240x128xf32, #tpu.memory_space<hbm>> -> memref<10240x128xf32, #tpu.memory_space<hbm>>
      tpu.wait_indirect_dma semaphore(%arg13 : memref<!tpu.dma_semaphore, #tpu.memory_space<semaphore_mem>>) src(%dma_wait3A_35 : memref<10240x128xf32, #tpu.memory_space<hbm>>) dst(%arg11 : memref<128x128xf32, #tpu.memory_space<vmem>>)
      "tpu.region"() ({
        %run_scoped3A = tpu.sem_alloc : memref<!tpu.dma_semaphore, #tpu.memory_space<semaphore_mem>>
        %dma_start3A_36 = arith.constant 0 : i32
        %dma_start3A_37 = tpu.memref_slice %arg6[%add3A_24, %dma_start3A_36] : memref<200704x128xf32, #tpu.memory_space<hbm>> -> memref<128x128xf32, #tpu.memory_space<hbm>>
        %dma_start3A_38 = arith.constant 0 : i32
        %dma_start3A_39 = tpu.memref_slice %arg6[%add3A_24, %dma_start3A_38] : memref<200704x128xf32, #tpu.memory_space<hbm>> -> memref<128x128xf32, #tpu.memory_space<hbm>>
        tpu.enqueue_dma source(%arg10 : memref<128x128xf32, #tpu.memory_space<vmem>>) target(%dma_start3A_39 : memref<128x128xf32, #tpu.memory_space<hbm>>) target_semaphore(%run_scoped3A : memref<!tpu.dma_semaphore, #tpu.memory_space<semaphore_mem>>)
        %dma_wait3A_40 = arith.constant 0 : i32
        %dma_wait3A_41 = tpu.memref_slice %arg6[%add3A_24, %dma_wait3A_40] : memref<200704x128xf32, #tpu.memory_space<hbm>> -> memref<128x128xf32, #tpu.memory_space<hbm>>
        %dma_wait3A_42 = arith.constant 0 : i32
        %dma_wait3A_43 = tpu.memref_slice %arg6[%add3A_24, %dma_wait3A_42] : memref<200704x128xf32, #tpu.memory_space<hbm>> -> memref<128x128xf32, #tpu.memory_space<hbm>>
        tpu.wait_dma2 semaphore(%run_scoped3A : memref<!tpu.dma_semaphore, #tpu.memory_space<semaphore_mem>>) src(%arg10 : memref<128x128xf32, #tpu.memory_space<vmem>>) dst(%dma_wait3A_43 : memref<128x128xf32, #tpu.memory_space<hbm>>)
        tpu.yield
      }) : () -> ()
      "tpu.region"() ({
        %run_scoped3A = tpu.sem_alloc : memref<!tpu.dma_semaphore, #tpu.memory_space<semaphore_mem>>
        %dma_start3A_36 = arith.constant 0 : i32
        %dma_start3A_37 = tpu.memref_slice %arg7[%add3A_24, %dma_start3A_36] : memref<200704x128xf32, #tpu.memory_space<hbm>> -> memref<128x128xf32, #tpu.memory_space<hbm>>
        %dma_start3A_38 = arith.constant 0 : i32
        %dma_start3A_39 = tpu.memref_slice %arg7[%add3A_24, %dma_start3A_38] : memref<200704x128xf32, #tpu.memory_space<hbm>> -> memref<128x128xf32, #tpu.memory_space<hbm>>
        tpu.enqueue_dma source(%arg11 : memref<128x128xf32, #tpu.memory_space<vmem>>) target(%dma_start3A_39 : memref<128x128xf32, #tpu.memory_space<hbm>>) target_semaphore(%run_scoped3A : memref<!tpu.dma_semaphore, #tpu.memory_space<semaphore_mem>>)
        %dma_wait3A_40 = arith.constant 0 : i32
        %dma_wait3A_41 = tpu.memref_slice %arg7[%add3A_24, %dma_wait3A_40] : memref<200704x128xf32, #tpu.memory_space<hbm>> -> memref<128x128xf32, #tpu.memory_space<hbm>>
        %dma_wait3A_42 = arith.constant 0 : i32
        %dma_wait3A_43 = tpu.memref_slice %arg7[%add3A_24, %dma_wait3A_42] : memref<200704x128xf32, #tpu.memory_space<hbm>> -> memref<128x128xf32, #tpu.memory_space<hbm>>
        tpu.wait_dma2 semaphore(%run_scoped3A : memref<!tpu.dma_semaphore, #tpu.memory_space<semaphore_mem>>) src(%arg11 : memref<128x128xf32, #tpu.memory_space<vmem>>) dst(%dma_wait3A_43 : memref<128x128xf32, #tpu.memory_space<hbm>>)
        tpu.yield
      }) : () -> ()
    }
    %scan3A_9 = arith.constant 49 : i32
    return
  }
}

module attributes {stable_mosaic.version = 14 : i64} {
  func.func @_first_layer_body(%arg0: i32, %arg1: memref<2x1024x16xf32, #tpu.memory_space<vmem>>, %arg2: memref<1024x128xf32, #tpu.memory_space<vmem>>, %arg3: memref<128x128xf32, #tpu.memory_space<vmem>>, %arg4: memref<1024x128xf32, #tpu.memory_space<vmem>>, %arg5: memref<1024x128xf32, #tpu.memory_space<vmem>>) attributes {dimension_semantics = [#tpu.dimension_semantics<arbitrary>], iteration_bounds = array<i64: 10>, scalar_prefetch = 0 : i64, scratch_operands = 0 : i64, tpu.core_type = #tpu.core_type<tc>, window_params = [{transform_indices = @transform_0, window_bounds = array<i64: 2, 1024, 16>}, {transform_indices = @transform_1, window_bounds = array<i64: 1024, 128>}, {pipeline_mode = #tpu.pipeline_mode<synchronous>, transform_indices = @transform_2, window_bounds = array<i64: 128, 128>}, {transform_indices = @transform_3, window_bounds = array<i64: 1024, 128>}, {transform_indices = @transform_4, window_bounds = array<i64: 1024, 128>}]} {
    %get3A = arith.constant 0 : index
    %get3A_0 = arith.constant 0 : index
    %get3A_1 = arith.constant 0 : index
    %get3A_2 = vector.load %arg1[%get3A, %get3A_0, %get3A_1] : memref<2x1024x16xf32, #tpu.memory_space<vmem>>, vector<1x1024x1xf32>
    %get3A_3 = vector.shape_cast %get3A_2 : vector<1x1024x1xf32> to vector<1024x1xf32>
    %get3A_4 = arith.constant 1 : index
    %get3A_5 = arith.constant 0 : index
    %get3A_6 = arith.constant 0 : index
    %get3A_7 = vector.load %arg1[%get3A_4, %get3A_5, %get3A_6] : memref<2x1024x16xf32, #tpu.memory_space<vmem>>, vector<1x1024x1xf32>
    %get3A_8 = vector.shape_cast %get3A_7 : vector<1x1024x1xf32> to vector<1024x1xf32>
    %add3A = arith.addf %get3A_3, %get3A_8 : vector<1024x1xf32>
    %add3A_9 = arith.constant 1.000000e+00 : f32
    %add3A_10 = vector.broadcast %add3A_9 : f32 to vector<1024x1xf32>
    %add3A_11 = arith.addf %add3A, %add3A_10 : vector<1024x1xf32>
    %mul3A = arith.constant 1024 : i32
    %mul3A_12 = arith.muli %arg0, %mul3A : i32
    %iota3A = tpu.iota {dimensions = array<i32: 0>} : vector<1024x1xi32>
    %add3A_13 = vector.broadcast %mul3A_12 : i32 to vector<1024x1xi32>
    %add3A_14 = arith.addi %add3A_13, %iota3A : vector<1024x1xi32>
    %lt3A = arith.constant 10000 : i32
    %lt3A_15 = vector.broadcast %lt3A : i32 to vector<1024x1xi32>
    %lt3A_16 = arith.cmpi slt, %add3A_14, %lt3A_15 : vector<1024x1xi32>
    %rsqrt3A = math.rsqrt %add3A_11 : vector<1024x1xf32>
    %jit3A = arith.constant 0.000000e+00 : f32
    %broadcast_in_dim3A = vector.broadcast %jit3A : f32 to vector<1024x1xf32>
    %select_n3A = arith.select %lt3A_16, %rsqrt3A, %broadcast_in_dim3A : vector<1024x1xi1>, vector<1024x1xf32>
    %broadcast_in_dim3A_17 = vector.shape_cast %select_n3A : vector<1024x1xf32> to vector<1024x1xf32>
    %broadcast_in_dim3A_18 = vector.broadcast %broadcast_in_dim3A_17 : vector<1024x1xf32> to vector<1024x128xf32>
    %swap3A = arith.constant 0 : index
    %swap3A_19 = arith.constant 0 : index
    %swap3A_20 = vector.load %arg4[%swap3A, %swap3A_19] : memref<1024x128xf32, #tpu.memory_space<vmem>>, vector<1024x128xf32>
    tpu.vector_store %arg4[%swap3A, %swap3A_19], %broadcast_in_dim3A_18 {strides = array<i32>} : memref<1024x128xf32, #tpu.memory_space<vmem>>, vector<1024x128xf32>,
    %get3A_21 = arith.constant 0 : index
    %get3A_22 = arith.constant 0 : index
    %get3A_23 = vector.load %arg2[%get3A_21, %get3A_22] : memref<1024x128xf32, #tpu.memory_space<vmem>>, vector<1024x128xf32>
    %get3A_24 = arith.constant 0 : index
    %get3A_25 = arith.constant 0 : index
    %get3A_26 = vector.load %arg3[%get3A_24, %get3A_25] : memref<128x128xf32, #tpu.memory_space<vmem>>, vector<128x128xf32>
    %dot_general3A = arith.constant dense<0.000000e+00> : vector<1024x128xf32>
    %dot_general3A_27 = tpu.matmul %get3A_23, %get3A_26, %dot_general3A {dimension_numbers = #tpu.dot_dimension_numbers<[1], [0], [0], [1], [0, 0, 1, 1], [], []>, transpose_lhs_hint = false} : vector<1024x128xf32>, vector<128x128xf32>, vector<1024x128xf32> -> vector<1024x128xf32>
    %mul3A_28 = arith.mulf %broadcast_in_dim3A_18, %dot_general3A_27 : vector<1024x128xf32>
    %swap3A_29 = arith.constant 0 : index
    %swap3A_30 = arith.constant 0 : index
    %swap3A_31 = vector.load %arg5[%swap3A_29, %swap3A_30] : memref<1024x128xf32, #tpu.memory_space<vmem>>, vector<1024x128xf32>
    tpu.vector_store %arg5[%swap3A_29, %swap3A_30], %mul3A_28 {strides = array<i32>} : memref<1024x128xf32, #tpu.memory_space<vmem>>, vector<1024x128xf32>,
    return
  }
  func.func @transform_0(%arg0: i32) -> (i32, i32, i32) {
    %c0_i32 = arith.constant 0 : i32
    %c0_i32_0 = arith.constant 0 : i32
    %c0_i32_1 = arith.constant 0 : i32
    return %c0_i32, %arg0, %c0_i32_0 : i32, i32, i32
  }
  func.func @transform_1(%arg0: i32) -> (i32, i32) {
    %c0_i32 = arith.constant 0 : i32
    %c0_i32_0 = arith.constant 0 : i32
    return %arg0, %c0_i32 : i32, i32
  }
  func.func @transform_2(%arg0: i32) -> (i32, i32) {
    %c0_i32 = arith.constant 0 : i32
    %c0_i32_0 = arith.constant 0 : i32
    %c0_i32_1 = arith.constant 0 : i32
    return %c0_i32, %c0_i32_0 : i32, i32
  }
  func.func @transform_3(%arg0: i32) -> (i32, i32) {
    %c0_i32 = arith.constant 0 : i32
    %c0_i32_0 = arith.constant 0 : i32
    return %arg0, %c0_i32 : i32, i32
  }
  func.func @transform_4(%arg0: i32) -> (i32, i32) {
    %c0_i32 = arith.constant 0 : i32
    %c0_i32_0 = arith.constant 0 : i32
    return %arg0, %c0_i32 : i32, i32
  }
}

module attributes {stable_mosaic.version = 14 : i64} {
  func.func @_mid_layer_body(%arg0: i32, %arg1: memref<1024x128xf32, #tpu.memory_space<vmem>>, %arg2: memref<2x1024x64xf32, #tpu.memory_space<vmem>>, %arg3: memref<1x128xf32, #tpu.memory_space<vmem>>, %arg4: memref<1024x128xf32, #tpu.memory_space<vmem>>, %arg5: memref<128x128xf32, #tpu.memory_space<vmem>>, %arg6: memref<1024x128xf32, #tpu.memory_space<vmem>>) attributes {dimension_semantics = [#tpu.dimension_semantics<arbitrary>], iteration_bounds = array<i64: 10>, scalar_prefetch = 0 : i64, scratch_operands = 0 : i64, tpu.core_type = #tpu.core_type<tc>, window_params = [{transform_indices = @transform_0, window_bounds = array<i64: 1024, 128>}, {transform_indices = @transform_1, window_bounds = array<i64: 2, 1024, 64>}, {pipeline_mode = #tpu.pipeline_mode<synchronous>, transform_indices = @transform_2, window_bounds = array<i64: 1, 128>}, {transform_indices = @transform_3, window_bounds = array<i64: 1024, 128>}, {pipeline_mode = #tpu.pipeline_mode<synchronous>, transform_indices = @transform_4, window_bounds = array<i64: 128, 128>}, {transform_indices = @transform_5, window_bounds = array<i64: 1024, 128>}]} {
    %get3A = arith.constant 0 : index
    %get3A_0 = arith.constant 0 : index
    %get3A_1 = vector.load %arg1[%get3A, %get3A_0] : memref<1024x128xf32, #tpu.memory_space<vmem>>, vector<1024x128xf32>
    %get3A_2 = arith.constant 0 : index
    %get3A_3 = arith.constant 0 : index
    %get3A_4 = arith.constant 0 : index
    %get3A_5 = vector.load %arg2[%get3A_2, %get3A_3, %get3A_4] : memref<2x1024x64xf32, #tpu.memory_space<vmem>>, vector<1x1024x64xf32>
    %get3A_6 = vector.shape_cast %get3A_5 : vector<1x1024x64xf32> to vector<1024x64xf32>
    %get3A_7 = arith.constant 1 : index
    %get3A_8 = arith.constant 0 : index
    %get3A_9 = arith.constant 0 : index
    %get3A_10 = vector.load %arg2[%get3A_7, %get3A_8, %get3A_9] : memref<2x1024x64xf32, #tpu.memory_space<vmem>>, vector<1x1024x64xf32>
    %get3A_11 = vector.shape_cast %get3A_10 : vector<1x1024x64xf32> to vector<1024x64xf32>
    %concatenate3A = tpu.concatenate %get3A_6, %get3A_11 in 1 : vector<1024x64xf32>, vector<1024x64xf32> -> vector<1024x128xf32>
    %add3A = arith.addf %get3A_1, %concatenate3A : vector<1024x128xf32>
    %get3A_12 = arith.constant 0 : index
    %get3A_13 = arith.constant 0 : index
    %get3A_14 = vector.load %arg4[%get3A_12, %get3A_13] : memref<1024x128xf32, #tpu.memory_space<vmem>>, vector<1024x128xf32>
    %mul3A = arith.mulf %get3A_14, %add3A : vector<1024x128xf32>
    %get3A_15 = arith.constant 0 : index
    %get3A_16 = arith.constant 0 : index
    %get3A_17 = vector.load %arg3[%get3A_15, %get3A_16] : memref<1x128xf32, #tpu.memory_space<vmem>>, vector<1x128xf32>
    %add3A_18 = vector.broadcast %get3A_17 : vector<1x128xf32> to vector<1024x128xf32>
    %add3A_19 = arith.addf %mul3A, %add3A_18 : vector<1024x128xf32>
    %max3A = arith.constant 0.000000e+00 : f32
    %max3A_20 = vector.broadcast %max3A : f32 to vector<1024x128xf32>
    %max3A_21 = arith.maximumf %add3A_19, %max3A_20 : vector<1024x128xf32>
    %get3A_22 = arith.constant 0 : index
    %get3A_23 = arith.constant 0 : index
    %get3A_24 = vector.load %arg4[%get3A_22, %get3A_23] : memref<1024x128xf32, #tpu.memory_space<vmem>>, vector<1024x128xf32>
    %get3A_25 = arith.constant 0 : index
    %get3A_26 = arith.constant 0 : index
    %get3A_27 = vector.load %arg5[%get3A_25, %get3A_26] : memref<128x128xf32, #tpu.memory_space<vmem>>, vector<128x128xf32>
    %dot_general3A = arith.constant dense<0.000000e+00> : vector<1024x128xf32>
    %dot_general3A_28 = tpu.matmul %max3A_21, %get3A_27, %dot_general3A {dimension_numbers = #tpu.dot_dimension_numbers<[1], [0], [0], [1], [0, 0, 1, 1], [], []>, transpose_lhs_hint = false} : vector<1024x128xf32>, vector<128x128xf32>, vector<1024x128xf32> -> vector<1024x128xf32>
    %mul3A_29 = arith.mulf %get3A_24, %dot_general3A_28 : vector<1024x128xf32>
    %swap3A = arith.constant 0 : index
    %swap3A_30 = arith.constant 0 : index
    %swap3A_31 = vector.load %arg6[%swap3A, %swap3A_30] : memref<1024x128xf32, #tpu.memory_space<vmem>>, vector<1024x128xf32>
    tpu.vector_store %arg6[%swap3A, %swap3A_30], %mul3A_29 {strides = array<i32>} : memref<1024x128xf32, #tpu.memory_space<vmem>>, vector<1024x128xf32>,
    return
  }
  func.func @transform_0(%arg0: i32) -> (i32, i32) {
    %c0_i32 = arith.constant 0 : i32
    %c0_i32_0 = arith.constant 0 : i32
    return %arg0, %c0_i32 : i32, i32
  }
  func.func @transform_1(%arg0: i32) -> (i32, i32, i32) {
    %c0_i32 = arith.constant 0 : i32
    %c0_i32_0 = arith.constant 0 : i32
    %c0_i32_1 = arith.constant 0 : i32
    return %c0_i32, %arg0, %c0_i32_0 : i32, i32, i32
  }
  func.func @transform_2(%arg0: i32) -> (i32, i32) {
    %c0_i32 = arith.constant 0 : i32
    %c0_i32_0 = arith.constant 0 : i32
    %c0_i32_1 = arith.constant 0 : i32
    return %c0_i32, %c0_i32_0 : i32, i32
  }
  func.func @transform_3(%arg0: i32) -> (i32, i32) {
    %c0_i32 = arith.constant 0 : i32
    %c0_i32_0 = arith.constant 0 : i32
    return %arg0, %c0_i32 : i32, i32
  }
  func.func @transform_4(%arg0: i32) -> (i32, i32) {
    %c0_i32 = arith.constant 0 : i32
    %c0_i32_0 = arith.constant 0 : i32
    %c0_i32_1 = arith.constant 0 : i32
    return %c0_i32, %c0_i32_0 : i32, i32
  }
  func.func @transform_5(%arg0: i32) -> (i32, i32) {
    %c0_i32 = arith.constant 0 : i32
    %c0_i32_0 = arith.constant 0 : i32
    return %arg0, %c0_i32 : i32, i32
  }
}

module attributes {stable_mosaic.version = 14 : i64} {
  func.func @_last_layer_body(%arg0: i32, %arg1: memref<1024x128xf32, #tpu.memory_space<vmem>>, %arg2: memref<2x1024x64xf32, #tpu.memory_space<vmem>>, %arg3: memref<1x128xf32, #tpu.memory_space<vmem>>, %arg4: memref<1024x128xf32, #tpu.memory_space<vmem>>, %arg5: memref<128x128xf32, #tpu.memory_space<vmem>>, %arg6: memref<128x128xf32, #tpu.memory_space<vmem>>, %arg7: memref<1x128xf32, #tpu.memory_space<vmem>>, %arg8: memref<1024x128xf32, #tpu.memory_space<vmem>>, %arg9: memref<1024x128xf32, #tpu.memory_space<vmem>>) attributes {dimension_semantics = [#tpu.dimension_semantics<arbitrary>], iteration_bounds = array<i64: 10>, scalar_prefetch = 0 : i64, scratch_operands = 0 : i64, tpu.core_type = #tpu.core_type<tc>, window_params = [{transform_indices = @transform_0, window_bounds = array<i64: 1024, 128>}, {transform_indices = @transform_1, window_bounds = array<i64: 2, 1024, 64>}, {pipeline_mode = #tpu.pipeline_mode<synchronous>, transform_indices = @transform_2, window_bounds = array<i64: 1, 128>}, {transform_indices = @transform_3, window_bounds = array<i64: 1024, 128>}, {pipeline_mode = #tpu.pipeline_mode<synchronous>, transform_indices = @transform_4, window_bounds = array<i64: 128, 128>}, {pipeline_mode = #tpu.pipeline_mode<synchronous>, transform_indices = @transform_5, window_bounds = array<i64: 128, 128>}, {pipeline_mode = #tpu.pipeline_mode<synchronous>, transform_indices = @transform_6, window_bounds = array<i64: 1, 128>}, {transform_indices = @transform_7, window_bounds = array<i64: 1024, 128>}, {transform_indices = @transform_8, window_bounds = array<i64: 1024, 128>}]} {
    %get3A = arith.constant 0 : index
    %get3A_0 = arith.constant 0 : index
    %get3A_1 = vector.load %arg1[%get3A, %get3A_0] : memref<1024x128xf32, #tpu.memory_space<vmem>>, vector<1024x128xf32>
    %get3A_2 = arith.constant 0 : index
    %get3A_3 = arith.constant 0 : index
    %get3A_4 = arith.constant 0 : index
    %get3A_5 = vector.load %arg2[%get3A_2, %get3A_3, %get3A_4] : memref<2x1024x64xf32, #tpu.memory_space<vmem>>, vector<1x1024x64xf32>
    %get3A_6 = vector.shape_cast %get3A_5 : vector<1x1024x64xf32> to vector<1024x64xf32>
    %get3A_7 = arith.constant 1 : index
    %get3A_8 = arith.constant 0 : index
    %get3A_9 = arith.constant 0 : index
    %get3A_10 = vector.load %arg2[%get3A_7, %get3A_8, %get3A_9] : memref<2x1024x64xf32, #tpu.memory_space<vmem>>, vector<1x1024x64xf32>
    %get3A_11 = vector.shape_cast %get3A_10 : vector<1x1024x64xf32> to vector<1024x64xf32>
    %concatenate3A = tpu.concatenate %get3A_6, %get3A_11 in 1 : vector<1024x64xf32>, vector<1024x64xf32> -> vector<1024x128xf32>
    %add3A = arith.addf %get3A_1, %concatenate3A : vector<1024x128xf32>
    %get3A_12 = arith.constant 0 : index
    %get3A_13 = arith.constant 0 : index
    %get3A_14 = vector.load %arg4[%get3A_12, %get3A_13] : memref<1024x128xf32, #tpu.memory_space<vmem>>, vector<1024x128xf32>
    %mul3A = arith.mulf %get3A_14, %add3A : vector<1024x128xf32>
    %get3A_15 = arith.constant 0 : index
    %get3A_16 = arith.constant 0 : index
    %get3A_17 = vector.load %arg3[%get3A_15, %get3A_16] : memref<1x128xf32, #tpu.memory_space<vmem>>, vector<1x128xf32>
    %add3A_18 = vector.broadcast %get3A_17 : vector<1x128xf32> to vector<1024x128xf32>
    %add3A_19 = arith.addf %mul3A, %add3A_18 : vector<1024x128xf32>
    %get3A_20 = arith.constant 0 : index
    %get3A_21 = arith.constant 0 : index
    %get3A_22 = vector.load %arg5[%get3A_20, %get3A_21] : memref<128x128xf32, #tpu.memory_space<vmem>>, vector<128x128xf32>
    %dot_general3A = arith.constant dense<0.000000e+00> : vector<1024x128xf32>
    %dot_general3A_23 = tpu.matmul %add3A_19, %get3A_22, %dot_general3A {dimension_numbers = #tpu.dot_dimension_numbers<[1], [0], [0], [1], [0, 0, 1, 1], [], []>, transpose_lhs_hint = false} : vector<1024x128xf32>, vector<128x128xf32>, vector<1024x128xf32> -> vector<1024x128xf32>
    %swap3A = arith.constant 0 : index
    %swap3A_24 = arith.constant 0 : index
    %swap3A_25 = vector.load %arg8[%swap3A, %swap3A_24] : memref<1024x128xf32, #tpu.memory_space<vmem>>, vector<1024x128xf32>
    tpu.vector_store %arg8[%swap3A, %swap3A_24], %dot_general3A_23 {strides = array<i32>} : memref<1024x128xf32, #tpu.memory_space<vmem>>, vector<1024x128xf32>,
    %get3A_26 = arith.constant 0 : index
    %get3A_27 = arith.constant 0 : index
    %get3A_28 = vector.load %arg6[%get3A_26, %get3A_27] : memref<128x128xf32, #tpu.memory_space<vmem>>, vector<128x128xf32>
    %dot_general3A_29 = arith.constant dense<0.000000e+00> : vector<1024x128xf32>
    %dot_general3A_30 = tpu.matmul %add3A_19, %get3A_28, %dot_general3A_29 {dimension_numbers = #tpu.dot_dimension_numbers<[1], [0], [0], [1], [0, 0, 1, 1], [], []>, transpose_lhs_hint = false} : vector<1024x128xf32>, vector<128x128xf32>, vector<1024x128xf32> -> vector<1024x128xf32>
    %get3A_31 = arith.constant 0 : index
    %get3A_32 = arith.constant 0 : index
    %get3A_33 = vector.load %arg7[%get3A_31, %get3A_32] : memref<1x128xf32, #tpu.memory_space<vmem>>, vector<1x128xf32>
    %add3A_34 = vector.broadcast %get3A_33 : vector<1x128xf32> to vector<1024x128xf32>
    %add3A_35 = arith.addf %dot_general3A_30, %add3A_34 : vector<1024x128xf32>
    %swap3A_36 = arith.constant 0 : index
    %swap3A_37 = arith.constant 0 : index
    %swap3A_38 = vector.load %arg9[%swap3A_36, %swap3A_37] : memref<1024x128xf32, #tpu.memory_space<vmem>>, vector<1024x128xf32>
    tpu.vector_store %arg9[%swap3A_36, %swap3A_37], %add3A_35 {strides = array<i32>} : memref<1024x128xf32, #tpu.memory_space<vmem>>, vector<1024x128xf32>,
    return
  }
  func.func @transform_0(%arg0: i32) -> (i32, i32) {
    %c0_i32 = arith.constant 0 : i32
    %c0_i32_0 = arith.constant 0 : i32
    return %arg0, %c0_i32 : i32, i32
  }
  func.func @transform_1(%arg0: i32) -> (i32, i32, i32) {
    %c0_i32 = arith.constant 0 : i32
    %c0_i32_0 = arith.constant 0 : i32
    %c0_i32_1 = arith.constant 0 : i32
    return %c0_i32, %arg0, %c0_i32_0 : i32, i32, i32
  }
  func.func @transform_2(%arg0: i32) -> (i32, i32) {
    %c0_i32 = arith.constant 0 : i32
    %c0_i32_0 = arith.constant 0 : i32
    %c0_i32_1 = arith.constant 0 : i32
    return %c0_i32, %c0_i32_0 : i32, i32
  }
  func.func @transform_3(%arg0: i32) -> (i32, i32) {
    %c0_i32 = arith.constant 0 : i32
    %c0_i32_0 = arith.constant 0 : i32
    return %arg0, %c0_i32 : i32, i32
  }
  func.func @transform_4(%arg0: i32) -> (i32, i32) {
    %c0_i32 = arith.constant 0 : i32
    %c0_i32_0 = arith.constant 0 : i32
    %c0_i32_1 = arith.constant 0 : i32
    return %c0_i32, %c0_i32_0 : i32, i32
  }
  func.func @transform_5(%arg0: i32) -> (i32, i32) {
    %c0_i32 = arith.constant 0 : i32
    %c0_i32_0 = arith.constant 0 : i32
    %c0_i32_1 = arith.constant 0 : i32
    return %c0_i32, %c0_i32_0 : i32, i32
  }
  func.func @transform_6(%arg0: i32) -> (i32, i32) {
    %c0_i32 = arith.constant 0 : i32
    %c0_i32_0 = arith.constant 0 : i32
    %c0_i32_1 = arith.constant 0 : i32
    return %c0_i32, %c0_i32_0 : i32, i32
  }
  func.func @transform_7(%arg0: i32) -> (i32, i32) {
    %c0_i32 = arith.constant 0 : i32
    %c0_i32_0 = arith.constant 0 : i32
    return %arg0, %c0_i32 : i32, i32
  }
  func.func @transform_8(%arg0: i32) -> (i32, i32) {
    %c0_i32 = arith.constant 0 : i32
    %c0_i32_0 = arith.constant 0 : i32
    return %arg0, %c0_i32 : i32, i32
  }
}

module attributes {stable_mosaic.version = 14 : i64} {
  func.func @_head_body(%arg0: i32, %arg1: memref<1024x128xf32, #tpu.memory_space<vmem>>, %arg2: memref<1024x128xf32, #tpu.memory_space<vmem>>, %arg3: memref<128x2xf32, #tpu.memory_space<vmem>>, %arg4: memref<1x2xf32, #tpu.memory_space<vmem>>, %arg5: memref<1024x2xf32, #tpu.memory_space<vmem>>) attributes {dimension_semantics = [#tpu.dimension_semantics<arbitrary>], iteration_bounds = array<i64: 196>, scalar_prefetch = 0 : i64, scratch_operands = 0 : i64, tpu.core_type = #tpu.core_type<tc>, window_params = [{transform_indices = @transform_0, window_bounds = array<i64: 1024, 128>}, {transform_indices = @transform_1, window_bounds = array<i64: 1024, 128>}, {pipeline_mode = #tpu.pipeline_mode<synchronous>, transform_indices = @transform_2, window_bounds = array<i64: 128, 2>}, {pipeline_mode = #tpu.pipeline_mode<synchronous>, transform_indices = @transform_3, window_bounds = array<i64: 1, 2>}, {transform_indices = @transform_4, window_bounds = array<i64: 1024, 2>}]} {
    %get3A = arith.constant 0 : index
    %get3A_0 = arith.constant 0 : index
    %get3A_1 = vector.load %arg1[%get3A, %get3A_0] : memref<1024x128xf32, #tpu.memory_space<vmem>>, vector<1024x128xf32>
    %get3A_2 = arith.constant 0 : index
    %get3A_3 = arith.constant 0 : index
    %get3A_4 = vector.load %arg2[%get3A_2, %get3A_3] : memref<1024x128xf32, #tpu.memory_space<vmem>>, vector<1024x128xf32>
    %add3A = arith.addf %get3A_1, %get3A_4 : vector<1024x128xf32>
    %max3A = arith.constant 0.000000e+00 : f32
    %max3A_5 = vector.broadcast %max3A : f32 to vector<1024x128xf32>
    %max3A_6 = arith.maximumf %add3A, %max3A_5 : vector<1024x128xf32>
    %get3A_7 = arith.constant 0 : index
    %get3A_8 = arith.constant 0 : index
    %get3A_9 = vector.load %arg3[%get3A_7, %get3A_8] : memref<128x2xf32, #tpu.memory_space<vmem>>, vector<128x2xf32>
    %dot_general3A = arith.constant dense<0.000000e+00> : vector<1024x2xf32>
    %dot_general3A_10 = tpu.matmul %max3A_6, %get3A_9, %dot_general3A {dimension_numbers = #tpu.dot_dimension_numbers<[1], [0], [0], [1], [0, 0, 1, 1], [], []>, transpose_lhs_hint = false} : vector<1024x128xf32>, vector<128x2xf32>, vector<1024x2xf32> -> vector<1024x2xf32>
    %get3A_11 = arith.constant 0 : index
    %get3A_12 = arith.constant 0 : index
    %get3A_13 = vector.load %arg4[%get3A_11, %get3A_12] : memref<1x2xf32, #tpu.memory_space<vmem>>, vector<1x2xf32>
    %add3A_14 = vector.broadcast %get3A_13 : vector<1x2xf32> to vector<1024x2xf32>
    %add3A_15 = arith.addf %dot_general3A_10, %add3A_14 : vector<1024x2xf32>
    %reduce_max3A = arith.constant dense<0xFF800000> : vector<1024xf32>
    %reduce_max3A_16 = vector.multi_reduction <maximumf>, %add3A_15, %reduce_max3A [1] : vector<1024x2xf32> to vector<1024xf32>
    %broadcast_in_dim3A = vector.shape_cast %reduce_max3A_16 : vector<1024xf32> to vector<1024x1xf32>
    %sub3A = vector.broadcast %broadcast_in_dim3A : vector<1024x1xf32> to vector<1024x2xf32>
    %sub3A_17 = arith.subf %add3A_15, %sub3A : vector<1024x2xf32>
    %exp3A = math.exp %sub3A_17 : vector<1024x2xf32>
    %reduce_sum3A = arith.constant dense<0.000000e+00> : vector<1024xf32>
    %reduce_sum3A_18 = vector.multi_reduction <add>, %exp3A, %reduce_sum3A [1] : vector<1024x2xf32> to vector<1024xf32>
    %broadcast_in_dim3A_19 = vector.shape_cast %reduce_sum3A_18 : vector<1024xf32> to vector<1024x1xf32>
    %log3A = math.log %broadcast_in_dim3A_19 : vector<1024x1xf32>
    %add3A_20 = arith.addf %broadcast_in_dim3A, %log3A : vector<1024x1xf32>
    %sub3A_21 = vector.broadcast %add3A_20 : vector<1024x1xf32> to vector<1024x2xf32>
    %sub3A_22 = arith.subf %add3A_15, %sub3A_21 : vector<1024x2xf32>
    %swap3A = arith.constant 0 : index
    %swap3A_23 = arith.constant 0 : index
    %swap3A_24 = vector.load %arg5[%swap3A, %swap3A_23] : memref<1024x2xf32, #tpu.memory_space<vmem>>, vector<1024x2xf32>
    tpu.vector_store %arg5[%swap3A, %swap3A_23], %sub3A_22 {strides = array<i32>} : memref<1024x2xf32, #tpu.memory_space<vmem>>, vector<1024x2xf32>,
    return
  }
  func.func @transform_0(%arg0: i32) -> (i32, i32) {
    %c0_i32 = arith.constant 0 : i32
    %c0_i32_0 = arith.constant 0 : i32
    return %arg0, %c0_i32 : i32, i32
  }
  func.func @transform_1(%arg0: i32) -> (i32, i32) {
    %c0_i32 = arith.constant 0 : i32
    %c0_i32_0 = arith.constant 0 : i32
    return %arg0, %c0_i32 : i32, i32
  }
  func.func @transform_2(%arg0: i32) -> (i32, i32) {
    %c0_i32 = arith.constant 0 : i32
    %c0_i32_0 = arith.constant 0 : i32
    %c0_i32_1 = arith.constant 0 : i32
    return %c0_i32, %c0_i32_0 : i32, i32
  }
  func.func @transform_3(%arg0: i32) -> (i32, i32) {
    %c0_i32 = arith.constant 0 : i32
    %c0_i32_0 = arith.constant 0 : i32
    %c0_i32_1 = arith.constant 0 : i32
    return %c0_i32, %c0_i32_0 : i32, i32
  }
  func.func @transform_4(%arg0: i32) -> (i32, i32) {
    %c0_i32 = arith.constant 0 : i32
    %c0_i32_0 = arith.constant 0 : i32
    return %arg0, %c0_i32 : i32, i32
  }
}

</mosaic_0001>

<sc_bundles>
// kernel: kernel.14.cloned.1.call-start
scs
__scs_entry_jumppad:
0x0: {  	(pc) =	sbr.rel $0x88, $3  }
0x1: {  	(tag) =	ssettag $0x0;
	lr =	simm.s32 $0x1  }
0x2: {  	[smem:$0x3F8F] =	sst lr;
	_ =	strace $0xD0000000  }
0x3: {  	_ = 	snop  }
0x4: {  	_ = 	snop  }
0x5: {  	_ = 	snop  }
0x6: {  	_ = 	snop  }
0x7: {  	_ = 	snop  }
__scs_overlays_trampoline_lowered:
0x8: {  	[smem:$0x3F9E] =	sst s0  }
0x9: {  	[smem:$0x3F9F] =	sst s1  }
0xa: {  	[smem:$0x3FA0] =	sst s2  }
0xb: {  	[smem:$0x3FA1] =	sst s3  }
0xc: {  	[smem:$0x3FA2] =	sst s4  }
0xd: {  	[smem:$0x3FA3] =	sst s5  }
0xe: {  	[smem:$0x3FA4] =	sst s6  }
0xf: {  	[smem:$0x3FA5] =	sst s7  }
0x10: {  	[smem:$0x3FA6] =	sst s8  }
0x11: {  	[smem:$0x3FA7] =	sst s9;
	s0 =	simm.s32 @!p0 $0x0  }
0x12: {  	s1 =	sld [smem:$0x3F8D];
	s0 =	simm.s32 @p0 $0x1  }
0x13: {  	[smem:$0x3FA8] =	sst s0;
	s0 =	simm.s32 @!p1 $0x0  }
0x14: {  	s2 =	sld [smem:$0x3F8C];
	s0 =	simm.s32 @p1 $0x1  }
0x15: {  	[smem:$0x3FA9] =	sst s0;
	s0 =	simm.s32 @!p2 $0x0  }
0x16: {  	s3 =	sld [smem:$0x3FDB];
	s0 =	simm.s32 @p2 $0x1  }
0x17: {  	s4 =	simm.s32 $0x1BF5;
	[smem:$0x3FAB] =	sst s0  }
0x18: {  	s0 =	sld [smem:$0x3F8E];
	_ =	swait.ge [sflag:s4], $0x0  }
0x19: {  	s7 =	sld [smem:$0x3F8F]  }
0x1a: {  	s8 =	sadd.s32 $0xFFFFE003, lr  }
0x1b: {  	s9 =	sadd.s32 $0xFFFFFEF7, lr;
	s5 =	simm.s32 $0xFFFFFFFF;
	p2 =	slt.u32 s8, $0xFFFFF086  }
0x1c: {  	p1 =	slt.u32 s9, $0xF7A;
	s5 =	simm.s32 @!p2 $0x0  }
0x1d: {  	s5 =	simm.s32 @p1 $0x1;
	p0 =	seq.s32 s7, s2  }
0x1e: {  	s7 =	smul.u32 @!p0 $0xF7A, s2;
	p2 =	seq.s32 @!p0 s5, $0x0  }
0x1f: {  	s9 =	smul.u32 $0xF7A, s1;
	s8 =	simm.s32 @!p0 $0x1BF5;
	p2 =	por !p2, p0  }
0x20: {  	[sflag:s8] =	ssyncset.s32 @!p0 $0xFFFFF086;
	s6 =	sadd.s32 @!p0 s3, s7;
	s7 =	simm.s32 @!p0 $0x108  }
0x21: {  	s3 =	sadd.s32 s3, s9;
	s6 =	sadd.s32 @!p0 $0x88, s6;
	s7 =	simm.s32 @p2 $0x1082  }
0x22: {  	[simem:s7], [sflag:s8] =	dma.local @!p0 [hbm:s6], $0xF7A  }
0x23: {  	s9 =	sor.u32 $0xD0000000, s2;
	s6 =	simm.s32 $0x108;
	_ =	swait.ge @!p0 [sflag:s8], $0x0  }
0x24: {  	s3 =	sadd.s32 $0x88, s3;
	s6 =	simm.s32 @!p1 $0x1082;
	[sflag:s4] =	ssyncset.s32 $0xFFFFF086  }
0x25: {  	[simem:s6], [sflag:s4] =	dma.local [hbm:s3], $0xF7A  }
0x26: {  	[smem:$0x3F8F] =	sst s1;
	(tag) =	ssettag s2;
	_ =	strace s9  }
0x27: {  	s1 =	sld [smem:$0x3F9F]  }
0x28: {  	s2 =	sld [smem:$0x3FA0]  }
0x29: {  	s4 =	sld [smem:$0x3FA2]  }
0x2a: {  	p0 =	seq.s32 s5, $0x0;
	s5 =	sld [smem:$0x3FA3]  }
0x2b: {  	s6 =	sld [smem:$0x3FA4]  }
0x2c: {  	s7 =	sld [smem:$0x3FA5]  }
0x2d: {  	s3 =	simm.s32 $0x108;
	s8 =	sld [smem:$0x3FA6]  }
0x2e: {  	s3 =	simm.s32 @!p0 $0x1082;
	s9 =	sld [smem:$0x3FA7]  }
0x2f: {  	lr =	sadd.s32 s0, s3;
	s0 =	sld [smem:$0x3F9E]  }
0x30: {  	s3 =	sld [smem:$0x3FA1]  }
0x31: {  	[smem:$0x3FAA] =	sst s10  }
0x32: {  	s10 =	sld [smem:$0x3FA8];
	_ =	sdelay $0x3  }
0x33: {  	p0 =	seq.s32 s10, $0x1;
	s10 =	sld [smem:$0x3FAA];
	_ =	sdelay $0x3  }
0x34: {  	[smem:$0x3FAA] =	sst s10  }
0x35: {  	s10 =	sld [smem:$0x3FA9];
	_ =	sdelay $0x3  }
0x36: {  	p1 =	seq.s32 s10, $0x1;
	s10 =	sld [smem:$0x3FAA];
	_ =	sdelay $0x3  }
0x37: {  	[smem:$0x3FAA] =	sst s10  }
0x38: {  	s10 =	sld [smem:$0x3FAB]  }
0x39: {  	_ = 	snop;
	(pc) =	sbr.ind lr, $3  }
0x3a: {  	_ = 	snop  }
0x3b: {  	_ = 	snop  }
0x3c: {  	p2 =	seq.s32 s10, $0x1;
	s10 =	sld [smem:$0x3FAA]  }
0x3d: {  	_ =	shalt  }
0x3e: {  	_ =	shalt  }
0x3f: {  	_ =	shalt  }
0x40: {  	_ =	shalt  }
0x41: {  	_ =	shalt  }
0x42: {  	_ =	shalt  }
0x43: {  	_ =	shalt  }
0x44: {  	_ =	shalt  }
0x45: {  	_ =	shalt  }
0x46: {  	_ =	shalt  }
0x47: {  	_ =	shalt  }
0x48: {  	_ =	shalt  }
0x49: {  	_ =	shalt  }
0x4a: {  	_ =	shalt  }
0x4b: {  	_ =	shalt  }
0x4c: {  	_ =	shalt  }
0x4d: {  	_ =	shalt  }
0x4e: {  	_ =	shalt  }
0x4f: {  	_ =	shalt  }
0x50: {  	_ =	shalt  }
0x51: {  	_ =	shalt  }
0x52: {  	_ =	shalt  }
0x53: {  	_ =	shalt  }
0x54: {  	_ =	shalt  }
0x55: {  	_ =	shalt  }
0x56: {  	_ =	shalt  }
0x57: {  	_ =	shalt  }
0x58: {  	_ =	shalt  }
0x59: {  	_ =	shalt  }
0x5a: {  	_ =	shalt  }
0x5b: {  	_ =	shalt  }
0x5c: {  	_ =	shalt  }
0x5d: {  	_ =	shalt  }
0x5e: {  	_ =	shalt  }
0x5f: {  	_ =	shalt  }
0x60: {  	_ =	shalt  }
0x61: {  	_ =	shalt  }
0x62: {  	_ =	shalt  }
0x63: {  	_ =	shalt  }
0x64: {  	_ =	shalt  }
0x65: {  	_ =	shalt  }
0x66: {  	_ =	shalt  }
0x67: {  	_ =	shalt  }
0x68: {  	_ =	shalt  }
0x69: {  	_ =	shalt  }
0x6a: {  	_ =	shalt  }
0x6b: {  	_ =	shalt  }
0x6c: {  	_ =	shalt  }
0x6d: {  	_ =	shalt  }
0x6e: {  	_ =	shalt  }
0x6f: {  	_ =	shalt  }
0x70: {  	_ =	shalt  }
0x71: {  	_ =	shalt  }
0x72: {  	_ =	shalt  }
0x73: {  	_ =	shalt  }
0x74: {  	_ =	shalt  }
0x75: {  	_ =	shalt  }
0x76: {  	_ =	shalt  }
0x77: {  	_ =	shalt  }
0x78: {  	_ =	shalt  }
0x79: {  	_ =	shalt  }
0x7a: {  	_ =	shalt  }
0x7b: {  	_ =	shalt  }
0x7c: {  	_ =	shalt  }
0x7d: {  	_ =	shalt  }
0x7e: {  	_ =	shalt  }
0x7f: {  	_ =	shalt  }
0x80: {  	_ =	shalt  }
0x81: {  	_ =	shalt  }
0x82: {  	_ =	shalt  }
0x83: {  	_ =	shalt  }
0x84: {  	_ =	shalt  }
0x85: {  	_ =	shalt  }
0x86: {  	_ =	shalt  }
0x87: {  	_ =	shalt  }
.Lfunc_end0:
.L_simem_size_0:
called_computation_lowered:
.L_overlay_start_0:
0x88: {  	s2 =	sld [smem:$0x3FD9]  }
0x89: {  	s3 =	sld [smem:$0x3FFE];
	_ =	sdelay $0x1  }
0x8a: {  	s1 =	srdreg.scid  }
0x8b: {  	s0 =	sand.u32 $0x1, s1  }
0x8c: {  	s16 =	sshll.u32 s0, $0xA;
	s2 =	sadd.s32 s3, s2  }
0x8d: {  	s2 =	sadd.s32 s2, s16  }
0x8e: {  	[smem:$0x3FB6] =	sst s2  }
0x8f: {  	_ = 	snop  }
0x90: {  	(tm) =	ssettm $0x1  }
0x91: {  	s17 =	sld [smem:$0x3FFB];
	_ =	sdelay $0x3  }
0x92: {  	_ =	strace s17  }
0x93: {  	s2 =	sld [smem:$0x3FFC];
	_ =	sdelay $0x3  }
0x94: {  	_ =	strace s2  }
0x95: {  	s2 =	sld [smem:$0x3FFD];
	_ =	sdelay $0x3  }
0x96: {  	_ =	strace s2  }
0x97: {  	_ =	strace $0x8FFFFFFF  }
0x98: {  	s18 =	sld [smem:$0x3FDB];
	_ =	sdelay $0x1  }
0x99: {  	s19 =	simm.s32 $_scs_section_size  }
0x9a: {  	s4 =	simm.s32 $_size__tile_overlayer_lowered;
	s5 =	simm.s32 $_tile_overlayer_lowered  }
0x9b: {  	s22 =	simm.s32 $0x1BFF;
	s21 =	sshll.u32 s5, $0x1;
	s2 =	sadd.s32 s19, s18  }
0x9c: {  	s6 =	simm.s32 $0x0;
	s20 =	sshll.u32 s4, $0x1;
	s4 =	sadd.s32 s21, s2  }
0x9d: {  	[timem:s6], [sflag:s22] =	dma.local [hbm:s4], s20  }
0x9e: {  	_ =	swait.ge [sflag:s22], s20  }
0x9f: {  	s3 =	ssub.s32 $0x0, s20;
	[sflag:s22] =	ssyncset.done $0x0  }
0xa0: {  	[sflag:s22] =	ssyncadd.s32 s3;
	_ =	sdelay $0x1  }
0xa1: {  	s23 =	simm.s32 $0x1B8B  }
0xa2: {  	_ =	swait.ge [sflag:s23], $0x1  }
0xa3: {  	[sflag:s23] =	ssyncset.done $0x0  }
0xa4: {  	s25 =	simm.s32 $0x1B8E;
	s24 =	sld [smem:$0x3FFE];
	[sflag:s23] =	ssyncadd.s32 $0xFFFFFFFF  }
0xa5: {  	s26 =	simm.s32 $execute0_lowered;
	[smem:$0x3FD2] =	sst s25  }
0xa6: {  	s4 =	sshll.u32 s26, $0x1;
	_ =	strace $0x80000046;
	[dreg:$0x1] =	wrdreg $0xFFFFFFFF  }
0xa7: {  	s28 =	simm.s32 $_size_execute0_lowered;
	s2 =	sadd.s32 s2, s4;
	[dreg:$0x0] =	wrdreg $0x0  }
0xa8: {  	s4 =	sshll.u32 s28, $0x1;
	[dreg:$0x2] =	wrdreg s2  }
0xa9: {  	[dreg:$0x3] =	wrdreg s4  }
0xaa: {  	[dreg:$0x4] =	wrdreg $0xC0  }
0xab: {  	_ =	task [dreg:s6], $0x5FFFF  }
0xac: {  	[dreg:$0x1] =	wrdreg $0xFFFFFFFF  }
0xad: {  	[dreg:$0x0] =	wrdreg $0x60  }
0xae: {  	[dreg:$0x2] =	wrdreg s24  }
0xaf: {  	[dreg:$0x3] =	wrdreg $0x57800  }
0xb0: {  	[dreg:$0x4] =	wrdreg $0x9  }
0xb1: {  	_ =	task.clear_ibuf [dreg:s6], $0x5FFFF;
	_ =	strace $0x90000046  }
0xb2: {  	s29 =	simm.s32 $0x9;
	_ =	strace $0x80000048  }
0xb3: {  	_ =	swait.ge [sflag:s29], $0x1  }
0xb4: {  	[sflag:s29] =	ssyncadd.s32 $0xFFFFFFFF  }
0xb5: {  	_ =	strace $0x90000048  }
0xb6: {  	_ =	sfence  }
0xb7: {  	s30 =	sld [smem:$0x0];
	_ =	sdelay $0x2  }
0xb8: {  	s31 =	sshll.u32 s1, $0xD;
	s1 =	sshrl.u32 s1, $0x2  }
0xb9: {  	s3 =	sand.u32 $0x4000, s31;
	s1 =	sadd.s32 s1, s30  }
0xba: {  	s0 =	sor.u32 s3, s0;
	s1 =	sshll.u32 s1, $0x11  }
0xbb: {  	s0 =	sor.u32 s1, s0  }
0xbc: {  	s0 =	sadd.s32 $0x8F2B, s0  }
0xbd: {  	[sflag:s0] =	ssyncadd.remote.s32 $0x1  }
0xbe: {  	_ =	sfence.sel $0xFFFF  }
0xbf: {  	[dreg:$0x0] =	wrdreg $0xFFFFFFFF;
	(pc) =	sbr.abs _section_cstart, $3  }
0xc0: {  	[dreg:$0x1] =	wrdreg $0xFFFFFFFF  }
0xc1: {  	_ =	task.clear_ibuf [dreg:s6], $0x2FFFF;
	_ =	strace $0x9FFFFFFF  }
0xc2: {  	(tm) =	ssettm $0x7FFFFFFF  }
0xc3: {  	_ =	shalt  }
tec
execute0_lowered:
.L_overlay_start_1:
0x0: {  	(tag) =	ssettag $0x1  }
0x1: {  	s1 =	srdreg.scid;
	s4 =	rddreg [dreg:$0x0]  }
0x2: {  	s0 =	stileid.u32;
	s2 =	rddreg [dreg:$0x1];
	s3 =	simm.s32 $0x0  }
0x3: {  	s10 =	simm.s32 $0x80;
	s11 =	simm.s32 $0x2780;
	s5 =	sand.u32 $0x1, s1  }
0x4: {  	s6 =	smul.u32 $0x2800, s0;
	s7 =	sshll.u32 s0, $0x1;
	s1 =	rddreg [dreg:$0x2]  }
0x5: {  	[smem:$0x7FF] =	sst s3;
	s12 =	sshll.u32 s0, $0x6;
	s8 =	smul.u32 $0x28000, s5  }
0x6: {  	s7 =	sor.u32 s5, s7;
	_ =	strace $0x80000047;
	s5 =	ssub.s32 $0x2, s5  }
0x7: {  	s7 =	smul.u32 $0x4F0, s7;
	s31 =	sshrl.u32 s5, $0x1;
	s8 =	sadd.s32 s6, s8  }
0x8: {  	s12 =	sor.u32 $0x1C01, s12;
	s9 =	ssub.s32 s5, s31;
	s8 =	sshrl.u32 s8, $0x3  }
0x9: {  	s7 =	sadd.s32 s7, s4;
	s8 =	sadd.s32 s8, s4;
	s4 =	sadd.s32 s6, s2  }
0xa: {  	s5 =	sadd.s32 $0x3A00, s7;
	s7 =	smax.u32 s9, $0x1;
	s9 =	simm.s32 $0x1  }
0xb: {  	v0 =	vimm.f32 $1.000000000e+00;
	v1 =	vimm.f32 $0.0e+00;
	s6 =	sadd.s32 $0xD800, s8;
	s8 =	simm.s32 $0x2F80;
	s13 =	sshrl.u32 s4, $0x3  }
.LBB2_1:
0xc: {  	s14 =	simm.s32 $0x0  }
.LBB2_2:
0xd: {  	p0 =	sne.s32 s14, $0x1FC0  }
.Ltmp0:
0xe: {  	_ = 	snop;
	(pc) =	sbr.rel @p0 .LBB2_2-.Ltmp0, $3  }
0xf: {  	_ =	sdelay $0x1  }
0x10: {  	s15 =	sshra.s32 s14, $0x2  }
0x11: {  	s14 =	sadd.s32 $0x40, s14;
	[tilespmem:s15+$0x2780] =	vst v0  }
0x12: {  	s14 =	simm.s32 $0x40;
	s15 =	simm.s32 $0x0  }
.LBB2_4:
0x13: {  	p0 =	sne.s32 s14, $0x9FC0;
	[tilespmem:s15+$0x2F80] =	vst v1;
	s15 =	smov.u32 s14;
	s14 =	sadd.s32 $0x40, s14  }
.Ltmp1:
0x14: {  	(pc) =	sbr.rel @p0 .LBB2_4-.Ltmp1, $2  }
0x15: {  	_ =	sdelay $0x2  }
0x16: {  	s15 =	sshra.s32 s15, $0x2  }
0x17: {  	[tilespmem:s15+$0x2F80] =	vst v1  }
0x18: {  	[spmem:s4] =	stream.linear.scatter [tilespmem:s8], [sflag:$0x1], $0x2800, $0x38;
	[tilespmem:$0x7F80] =	vst v63  }
0x19: {  	_ =	swait.ge [sflag:s9], $0x2800  }
0x1a: {  	[sflag:s9] =	ssyncset.done $0x0  }
0x1b: {  	s14 =	simm.s32 $0x0;
	[sflag:s9] =	ssyncadd.s32 $0xFFFFD800  }
0x1c: {  	[tilespmem:s14], [sflag:$0x1] =	stream.linear.gather [hbm4b:s5+s14], $0x2780, $0x38;
	[tilespmem:$0x7F80] =	vst v63  }
0x1d: {  	_ =	swait.ge [sflag:s9], $0x2780  }
0x1e: {  	[sflag:s9] =	ssyncset.done $0x0  }
0x1f: {  	[sflag:s9] =	ssyncadd.s32 $0xFFFFD880  }
0x20: {  	s31 =	simm.s32 $0x0;
	[bflag:$0x0] =	sbarrier.arrive $0xFFFF  }
0x21: {  	[spmem:s2] =	stream.indirect.scatter.add.f32 [tilespmem:s11], [sflag:$0x1], $0x10, s31, s10, $0xb8;
	[tilespmem:$0x7F80] =	vst v63  }
0x22: {  	_ =	swait.ge [sflag:s9], $0x800  }
0x23: {  	s14 =	simm.s32 $0x200;
	[sflag:s9] =	ssyncset.done $0x0  }
.LBB2_6:
0x24: {  	s15 =	sshra.s32 s14, $0x2;
	[sflag:s9] =	ssyncadd.s32 $0xFFFFF800;
	p0 =	sne.s32 s14, $0x9C00  }
0x25: {  	[spmem:s2] =	stream.indirect.scatter.add.f32 [tilespmem:s11], [sflag:$0x1], $0x10, s15, s10, $0xb8;
	[tilespmem:$0x7F80] =	vst v63  }
.Ltmp2:
0x26: {  	_ = 	snop;
	(pc) =	sbr.rel @p0 .LBB2_6-.Ltmp2, $4  }
0x27: {  	_ = 	snop  }
0x28: {  	s14 =	sadd.s32 $0x200, s14  }
0x29: {  	_ =	swait.ge [sflag:s9], $0x800  }
0x2a: {  	[sflag:s9] =	ssyncset.done $0x0  }
0x2b: {  	s3 =	sadd.s32 $0x1, s3  }
0x2c: {  	[sflag:s9] =	ssyncadd.s32 $0xFFFFF800;
	p0 =	sne.s32 s3, s7  }
.Ltmp3:
0x2d: {  	[bflag:$0x0] =	sbarrier.arrive $0xFFFF;
	(pc) =	sbr.rel @p0 .LBB2_1-.Ltmp3, $4  }
0x2e: {  	[hbm:s6], [sflag:s12] =	dma.local [spmem:s13], $0x500  }
0x2f: {  	_ =	swait.ge [sflag:s9], $0x500  }
0x30: {  	[sflag:s9] =	ssyncset.done $0x0  }
0x31: {  	[sflag:s9] =	ssyncadd.s32 $0xFFFFFB00  }
0x32: {  	_ =	sfence.sel $0x180000  }
0x33: {  	[bflag:$0x0] =	sbarrier.arrive $0xFFFF  }
0x34: {  	p0 =	sne.s32 s0, $0x0;
	_ =	strace $0x90000047  }
0x35: {  	s0 =	sadd.s32 @!p0 $0x100000, s1;
	[bflag:$0x2] =	sbarrier.arrive $0xFFFF  }
0x36: {  	[sflag:s0] =	ssyncadd.tile.s32 @!p0 $0x1;
	_ =	shalt  }
.Lfunc_end2:
_tile_overlayer_lowered:
.L_overlay_start_2:
0x37: {  	(tag) =	ssettag $0x2  }
0x38: {  	s0 =	rddreg [dreg:$0x0];
	s2 =	stileid.u32  }
0x39: {  	s1 =	rddreg [dreg:$0x1];
	p0 =	sne.s32 s2, $0x0  }
0x3a: {  	s3 =	rddreg [dreg:$0x2];
	[bflag:$0x3] =	sbarrier.arrive $0xFFFF;
	s2 =	simm.s32 @!p0 $0x1C01  }
0x3b: {  	[timem:s3], [sflag:s2] =	dma.local @!p0 [hbm:s0], s1  }
0x3c: {  	s0 =	simm.s32 @!p0 $0x1  }
0x3d: {  	_ =	swait.ge @!p0 [sflag:s0], s1  }
0x3e: {  	s1 =	ssub.s32 @!p0 $0x0, s1;
	[sflag:s0] =	ssyncset.done @!p0 $0x0  }
0x3f: {  	[sflag:s0] =	ssyncadd.s32 @!p0 s1  }
0x40: {  	[bflag:$0x3] =	sbarrier.arrive $0xFFFF  }
0x41: {  	_ =	shalt  }

// kernel: kernel.17.cloned.1.call-start
scs
__scs_entry_jumppad:
0x0: {  	(pc) =	sbr.rel $0x88, $3  }
0x1: {  	(tag) =	ssettag $0x0;
	lr =	simm.s32 $0x1  }
0x2: {  	[smem:$0x3F8F] =	sst lr;
	_ =	strace $0xD0000000  }
0x3: {  	_ = 	snop  }
0x4: {  	_ = 	snop  }
0x5: {  	_ = 	snop  }
0x6: {  	_ = 	snop  }
0x7: {  	_ = 	snop  }
__scs_overlays_trampoline_lowered:
0x8: {  	[smem:$0x3F9E] =	sst s0  }
0x9: {  	[smem:$0x3F9F] =	sst s1  }
0xa: {  	[smem:$0x3FA0] =	sst s2  }
0xb: {  	[smem:$0x3FA1] =	sst s3  }
0xc: {  	[smem:$0x3FA2] =	sst s4  }
0xd: {  	[smem:$0x3FA3] =	sst s5  }
0xe: {  	[smem:$0x3FA4] =	sst s6  }
0xf: {  	[smem:$0x3FA5] =	sst s7  }
0x10: {  	[smem:$0x3FA6] =	sst s8  }
0x11: {  	[smem:$0x3FA7] =	sst s9;
	s0 =	simm.s32 @!p0 $0x0  }
0x12: {  	s1 =	sld [smem:$0x3F8D];
	s0 =	simm.s32 @p0 $0x1  }
0x13: {  	[smem:$0x3FA8] =	sst s0;
	s0 =	simm.s32 @!p1 $0x0  }
0x14: {  	s2 =	sld [smem:$0x3F8C];
	s0 =	simm.s32 @p1 $0x1  }
0x15: {  	[smem:$0x3FA9] =	sst s0;
	s0 =	simm.s32 @!p2 $0x0  }
0x16: {  	s3 =	sld [smem:$0x3FDB];
	s0 =	simm.s32 @p2 $0x1  }
0x17: {  	s4 =	simm.s32 $0x1BF5;
	[smem:$0x3FAB] =	sst s0  }
0x18: {  	s0 =	sld [smem:$0x3F8E];
	_ =	swait.ge [sflag:s4], $0x0  }
0x19: {  	s7 =	sld [smem:$0x3F8F]  }
0x1a: {  	s8 =	sadd.s32 $0xFFFFE003, lr  }
0x1b: {  	s9 =	sadd.s32 $0xFFFFFEF7, lr;
	s5 =	simm.s32 $0xFFFFFFFF;
	p2 =	slt.u32 s8, $0xFFFFF086  }
0x1c: {  	p1 =	slt.u32 s9, $0xF7A;
	s5 =	simm.s32 @!p2 $0x0  }
0x1d: {  	s5 =	simm.s32 @p1 $0x1;
	p0 =	seq.s32 s7, s2  }
0x1e: {  	s7 =	smul.u32 @!p0 $0xF7A, s2;
	p2 =	seq.s32 @!p0 s5, $0x0  }
0x1f: {  	s9 =	smul.u32 $0xF7A, s1;
	s8 =	simm.s32 @!p0 $0x1BF5;
	p2 =	por !p2, p0  }
0x20: {  	[sflag:s8] =	ssyncset.s32 @!p0 $0xFFFFF086;
	s6 =	sadd.s32 @!p0 s3, s7;
	s7 =	simm.s32 @!p0 $0x108  }
0x21: {  	s3 =	sadd.s32 s3, s9;
	s6 =	sadd.s32 @!p0 $0x88, s6;
	s7 =	simm.s32 @p2 $0x1082  }
0x22: {  	[simem:s7], [sflag:s8] =	dma.local @!p0 [hbm:s6], $0xF7A  }
0x23: {  	s9 =	sor.u32 $0xD0000000, s2;
	s6 =	simm.s32 $0x108;
	_ =	swait.ge @!p0 [sflag:s8], $0x0  }
0x24: {  	s3 =	sadd.s32 $0x88, s3;
	s6 =	simm.s32 @!p1 $0x1082;
	[sflag:s4] =	ssyncset.s32 $0xFFFFF086  }
0x25: {  	[simem:s6], [sflag:s4] =	dma.local [hbm:s3], $0xF7A  }
0x26: {  	[smem:$0x3F8F] =	sst s1;
	(tag) =	ssettag s2;
	_ =	strace s9  }
0x27: {  	s1 =	sld [smem:$0x3F9F]  }
0x28: {  	s2 =	sld [smem:$0x3FA0]  }
0x29: {  	s4 =	sld [smem:$0x3FA2]  }
0x2a: {  	p0 =	seq.s32 s5, $0x0;
	s5 =	sld [smem:$0x3FA3]  }
0x2b: {  	s6 =	sld [smem:$0x3FA4]  }
0x2c: {  	s7 =	sld [smem:$0x3FA5]  }
0x2d: {  	s3 =	simm.s32 $0x108;
	s8 =	sld [smem:$0x3FA6]  }
0x2e: {  	s3 =	simm.s32 @!p0 $0x1082;
	s9 =	sld [smem:$0x3FA7]  }
0x2f: {  	lr =	sadd.s32 s0, s3;
	s0 =	sld [smem:$0x3F9E]  }
0x30: {  	s3 =	sld [smem:$0x3FA1]  }
0x31: {  	[smem:$0x3FAA] =	sst s10  }
0x32: {  	s10 =	sld [smem:$0x3FA8];
	_ =	sdelay $0x3  }
0x33: {  	p0 =	seq.s32 s10, $0x1;
	s10 =	sld [smem:$0x3FAA];
	_ =	sdelay $0x3  }
0x34: {  	[smem:$0x3FAA] =	sst s10  }
0x35: {  	s10 =	sld [smem:$0x3FA9];
	_ =	sdelay $0x3  }
0x36: {  	p1 =	seq.s32 s10, $0x1;
	s10 =	sld [smem:$0x3FAA];
	_ =	sdelay $0x3  }
0x37: {  	[smem:$0x3FAA] =	sst s10  }
0x38: {  	s10 =	sld [smem:$0x3FAB]  }
0x39: {  	_ = 	snop;
	(pc) =	sbr.ind lr, $3  }
0x3a: {  	_ = 	snop  }
0x3b: {  	_ = 	snop  }
0x3c: {  	p2 =	seq.s32 s10, $0x1;
	s10 =	sld [smem:$0x3FAA]  }
0x3d: {  	_ =	shalt  }
0x3e: {  	_ =	shalt  }
0x3f: {  	_ =	shalt  }
0x40: {  	_ =	shalt  }
0x41: {  	_ =	shalt  }
0x42: {  	_ =	shalt  }
0x43: {  	_ =	shalt  }
0x44: {  	_ =	shalt  }
0x45: {  	_ =	shalt  }
0x46: {  	_ =	shalt  }
0x47: {  	_ =	shalt  }
0x48: {  	_ =	shalt  }
0x49: {  	_ =	shalt  }
0x4a: {  	_ =	shalt  }
0x4b: {  	_ =	shalt  }
0x4c: {  	_ =	shalt  }
0x4d: {  	_ =	shalt  }
0x4e: {  	_ =	shalt  }
0x4f: {  	_ =	shalt  }
0x50: {  	_ =	shalt  }
0x51: {  	_ =	shalt  }
0x52: {  	_ =	shalt  }
0x53: {  	_ =	shalt  }
0x54: {  	_ =	shalt  }
0x55: {  	_ =	shalt  }
0x56: {  	_ =	shalt  }
0x57: {  	_ =	shalt  }
0x58: {  	_ =	shalt  }
0x59: {  	_ =	shalt  }
0x5a: {  	_ =	shalt  }
0x5b: {  	_ =	shalt  }
0x5c: {  	_ =	shalt  }
0x5d: {  	_ =	shalt  }
0x5e: {  	_ =	shalt  }
0x5f: {  	_ =	shalt  }
0x60: {  	_ =	shalt  }
0x61: {  	_ =	shalt  }
0x62: {  	_ =	shalt  }
0x63: {  	_ =	shalt  }
0x64: {  	_ =	shalt  }
0x65: {  	_ =	shalt  }
0x66: {  	_ =	shalt  }
0x67: {  	_ =	shalt  }
0x68: {  	_ =	shalt  }
0x69: {  	_ =	shalt  }
0x6a: {  	_ =	shalt  }
0x6b: {  	_ =	shalt  }
0x6c: {  	_ =	shalt  }
0x6d: {  	_ =	shalt  }
0x6e: {  	_ =	shalt  }
0x6f: {  	_ =	shalt  }
0x70: {  	_ =	shalt  }
0x71: {  	_ =	shalt  }
0x72: {  	_ =	shalt  }
0x73: {  	_ =	shalt  }
0x74: {  	_ =	shalt  }
0x75: {  	_ =	shalt  }
0x76: {  	_ =	shalt  }
0x77: {  	_ =	shalt  }
0x78: {  	_ =	shalt  }
0x79: {  	_ =	shalt  }
0x7a: {  	_ =	shalt  }
0x7b: {  	_ =	shalt  }
0x7c: {  	_ =	shalt  }
0x7d: {  	_ =	shalt  }
0x7e: {  	_ =	shalt  }
0x7f: {  	_ =	shalt  }
0x80: {  	_ =	shalt  }
0x81: {  	_ =	shalt  }
0x82: {  	_ =	shalt  }
0x83: {  	_ =	shalt  }
0x84: {  	_ =	shalt  }
0x85: {  	_ =	shalt  }
0x86: {  	_ =	shalt  }
0x87: {  	_ =	shalt  }
.Lfunc_end0:
.L_simem_size_0:
called_computation.1_lowered:
.L_overlay_start_0:
0x88: {  	s2 =	sld [smem:$0x3FD9]  }
0x89: {  	s3 =	sld [smem:$0x3FFE];
	_ =	sdelay $0x1  }
0x8a: {  	s1 =	srdreg.scid  }
0x8b: {  	s0 =	sand.u32 $0x1, s1  }
0x8c: {  	s16 =	sshll.u32 s0, $0xA;
	s2 =	sadd.s32 s3, s2  }
0x8d: {  	s2 =	sadd.s32 s2, s16  }
0x8e: {  	[smem:$0x3FB6] =	sst s2  }
0x8f: {  	_ = 	snop  }
0x90: {  	(tm) =	ssettm $0x1  }
0x91: {  	s17 =	sld [smem:$0x3FFB];
	_ =	sdelay $0x3  }
0x92: {  	_ =	strace s17  }
0x93: {  	s2 =	sld [smem:$0x3FFC];
	_ =	sdelay $0x3  }
0x94: {  	_ =	strace s2  }
0x95: {  	s2 =	sld [smem:$0x3FFD];
	_ =	sdelay $0x3  }
0x96: {  	_ =	strace s2  }
0x97: {  	_ =	strace $0x8FFFFFFF  }
0x98: {  	s18 =	sld [smem:$0x3FDB];
	_ =	sdelay $0x1  }
0x99: {  	s19 =	simm.s32 $_scs_section_size  }
0x9a: {  	s4 =	simm.s32 $_size__tile_overlayer_lowered;
	s5 =	simm.s32 $_tile_overlayer_lowered  }
0x9b: {  	s22 =	simm.s32 $0x1BFF;
	s21 =	sshll.u32 s5, $0x1;
	s2 =	sadd.s32 s19, s18  }
0x9c: {  	s6 =	simm.s32 $0x0;
	s20 =	sshll.u32 s4, $0x1;
	s4 =	sadd.s32 s21, s2  }
0x9d: {  	[timem:s6], [sflag:s22] =	dma.local [hbm:s4], s20  }
0x9e: {  	_ =	swait.ge [sflag:s22], s20  }
0x9f: {  	s3 =	ssub.s32 $0x0, s20;
	[sflag:s22] =	ssyncset.done $0x0  }
0xa0: {  	[sflag:s22] =	ssyncadd.s32 s3;
	_ =	sdelay $0x1  }
0xa1: {  	s23 =	simm.s32 $0x1B8B  }
0xa2: {  	_ =	swait.ge [sflag:s23], $0x1  }
0xa3: {  	[sflag:s23] =	ssyncset.done $0x0  }
0xa4: {  	s25 =	simm.s32 $0x1B8E;
	s24 =	sld [smem:$0x3FFE];
	[sflag:s23] =	ssyncadd.s32 $0xFFFFFFFF  }
0xa5: {  	s26 =	simm.s32 $execute0_lowered;
	[smem:$0x3FD2] =	sst s25  }
0xa6: {  	s4 =	sshll.u32 s26, $0x1;
	_ =	strace $0x80000049;
	[dreg:$0x1] =	wrdreg $0xFFFFFFFF  }
0xa7: {  	s28 =	simm.s32 $_size_execute0_lowered;
	s2 =	sadd.s32 s2, s4;
	[dreg:$0x0] =	wrdreg $0x0  }
0xa8: {  	s4 =	sshll.u32 s28, $0x1;
	[dreg:$0x2] =	wrdreg s2  }
0xa9: {  	[dreg:$0x3] =	wrdreg s4  }
0xaa: {  	[dreg:$0x4] =	wrdreg $0xC0  }
0xab: {  	_ =	task [dreg:s6], $0x5FFFF  }
0xac: {  	[dreg:$0x1] =	wrdreg $0xFFFFFFFF  }
0xad: {  	[dreg:$0x0] =	wrdreg $0x60  }
0xae: {  	[dreg:$0x2] =	wrdreg s24  }
0xaf: {  	[dreg:$0x3] =	wrdreg $0xDD000  }
0xb0: {  	[dreg:$0x4] =	wrdreg $0x9  }
0xb1: {  	_ =	task.clear_ibuf [dreg:s6], $0x5FFFF;
	_ =	strace $0x90000049  }
0xb2: {  	s29 =	simm.s32 $0x9;
	_ =	strace $0x8000004B  }
0xb3: {  	_ =	swait.ge [sflag:s29], $0x1  }
0xb4: {  	[sflag:s29] =	ssyncadd.s32 $0xFFFFFFFF  }
0xb5: {  	_ =	strace $0x9000004B  }
0xb6: {  	_ =	sfence  }
0xb7: {  	s30 =	sld [smem:$0x0];
	_ =	sdelay $0x2  }
0xb8: {  	s31 =	sshll.u32 s1, $0xD;
	s1 =	sshrl.u32 s1, $0x2  }
0xb9: {  	s3 =	sand.u32 $0x4000, s31;
	s1 =	sadd.s32 s1, s30  }
0xba: {  	s0 =	sor.u32 s3, s0;
	s1 =	sshll.u32 s1, $0x11  }
0xbb: {  	s0 =	sor.u32 s1, s0  }
0xbc: {  	s0 =	sadd.s32 $0x8F2B, s0  }
0xbd: {  	[sflag:s0] =	ssyncadd.remote.s32 $0x1  }
0xbe: {  	_ =	sfence.sel $0xFFFF  }
0xbf: {  	[dreg:$0x0] =	wrdreg $0xFFFFFFFF;
	(pc) =	sbr.abs _section_cstart, $3  }
0xc0: {  	[dreg:$0x1] =	wrdreg $0xFFFFFFFF  }
0xc1: {  	_ =	task.clear_ibuf [dreg:s6], $0x2FFFF;
	_ =	strace $0x9FFFFFFF  }
0xc2: {  	(tm) =	ssettm $0x7FFFFFFF  }
0xc3: {  	_ =	shalt  }
tec
execute0_lowered:
.L_overlay_start_1:
0x0: {  	(tag) =	ssettag $0x1  }
0x1: {  	s5 =	rddreg [dreg:$0x0];
	s1 =	srdreg.scid  }
0x2: {  	s0 =	stileid.u32;
	s2 =	rddreg [dreg:$0x1]  }
0x3: {  	s3 =	simm.s32 $0x0;
	s15 =	simm.s32 $0x2;
	s7 =	smul.u32 $0x4E80, s0  }
0x4: {  	s16 =	simm.s32 $0x4E80;
	s17 =	simm.s32 $0x80;
	s9 =	smul.u32 $0xA000, s0  }
0x5: {  	s18 =	simm.s32 $0x9D00;
	s6 =	sand.u32 $0x1, s1;
	s28 =	smul.u32 $0x28000, s0  }
0x6: {  	s19 =	simm.s32 $0x1;
	s1 =	rddreg [dreg:$0x2];
	s4 =	smul.u32 $0x4E800, s6  }
0x7: {  	[smem:$0x7FF] =	sst s3;
	s10 =	smul.u32 $0xA0000, s6;
	s6 =	ssub.s32 $0x2, s6  }
0x8: {  	_ =	strace $0x8000004A;
	s30 =	sshrl.u32 s6, $0x1;
	s8 =	sadd.s32 s7, s4  }
0x9: {  	s4 =	sadd.s32 $0x35000, s5;
	s7 =	sshrl.u32 s7, $0x3;
	s29 =	sadd.s32 s9, s10  }
0xa: {  	s14 =	ssub.s32 s6, s30;
	s8 =	sshrl.u32 s8, $0x3;
	s12 =	sadd.s32 s7, s5  }
0xb: {  	s7 =	sshrl.u32 s29, $0x3;
	s11 =	sadd.s32 s8, s5;
	s8 =	sshrl.u32 s28, $0x2  }
0xc: {  	s13 =	sadd.s32 s7, s5;
	s5 =	sadd.s32 s9, s2;
	s31 =	sadd.s32 s8, s2  }
0xd: {  	s10 =	sadd.s32 $0x21600, s11;
	s11 =	sadd.s32 $0x17800, s12;
	s12 =	sadd.s32 $0x5D000, s13  }
0xe: {  	s13 =	smax.u32 s14, $0x1;
	s14 =	simm.s32 $0xBD00;
	s6 =	sadd.s32 $0x2000, s31  }
0xf: {  	v0 =	vimm.f32 $0.0e+00;
	s7 =	sadd.s32 $0x4000, s31;
	s8 =	sadd.s32 $0x6000, s31;
	s9 =	sadd.s32 $0x8000, s31  }
.LBB2_1:
0x10: {  	s21 =	simm.s32 $0x100;
	s20 =	simm.s32 $0x0  }
.LBB2_2:
0x11: {  	p0 =	sne.s32 s21, $0x7F00;
	[tilespmem:s20+$0xBD30] =	vst v0;
	s22 =	smov.u32 s21;
	s21 =	sadd.s32 $0x100, s21  }
.Ltmp0:
0x12: {  	[tilespmem:s20+$0xBD20] =	vst v0;
	(pc) =	sbr.rel @p0 .LBB2_2-.Ltmp0, $3  }
0x13: {  	[tilespmem:s20+$0xBD00] =	vst v0  }
0x14: {  	[tilespmem:s20+$0xBD10] =	vst v0;
	_ =	sdelay $0x1  }
0x15: {  	s20 =	sshra.s32 s22, $0x2  }
0x16: {  	[tilespmem:s20+$0xBD30] =	vst v0  }
0x17: {  	[tilespmem:s20+$0xBD20] =	vst v0  }
0x18: {  	[tilespmem:s20+$0xBD00] =	vst v0  }
0x19: {  	[tilespmem:s20+$0xBD10] =	vst v0  }
0x1a: {  	[spmem:s5] =	stream.linear.scatter [tilespmem:s14], [sflag:$0x2], $0x2000, $0x38;
	[tilespmem:$0x17D00] =	vst v63  }
0x1b: {  	_ =	swait.ge [sflag:s15], $0x2000  }
0x1c: {  	[sflag:s15] =	ssyncset.done $0x0  }
0x1d: {  	[sflag:s15] =	ssyncadd.s32 $0xFFFFE000  }
0x1e: {  	[spmem:s6] =	stream.linear.scatter [tilespmem:s14], [sflag:$0x2], $0x2000, $0x38;
	[tilespmem:$0x17D00] =	vst v63  }
0x1f: {  	_ =	swait.ge [sflag:s15], $0x2000  }
0x20: {  	[sflag:s15] =	ssyncset.done $0x0  }
0x21: {  	[sflag:s15] =	ssyncadd.s32 $0xFFFFE000  }
0x22: {  	[spmem:s7] =	stream.linear.scatter [tilespmem:s14], [sflag:$0x2], $0x2000, $0x38;
	[tilespmem:$0x17D00] =	vst v63  }
0x23: {  	_ =	swait.ge [sflag:s15], $0x2000  }
0x24: {  	[sflag:s15] =	ssyncset.done $0x0  }
0x25: {  	[sflag:s15] =	ssyncadd.s32 $0xFFFFE000  }
0x26: {  	[spmem:s8] =	stream.linear.scatter [tilespmem:s14], [sflag:$0x2], $0x2000, $0x38;
	[tilespmem:$0x17D00] =	vst v63  }
0x27: {  	_ =	swait.ge [sflag:s15], $0x2000  }
0x28: {  	[sflag:s15] =	ssyncset.done $0x0  }
0x29: {  	[sflag:s15] =	ssyncadd.s32 $0xFFFFE000  }
0x2a: {  	[spmem:s9] =	stream.linear.scatter [tilespmem:s14], [sflag:$0x2], $0x2000, $0x38;
	[tilespmem:$0x17D00] =	vst v63  }
0x2b: {  	_ =	swait.ge [sflag:s15], $0x2000  }
0x2c: {  	[sflag:s15] =	ssyncset.done $0x0  }
0x2d: {  	s29 =	simm.s32 $0x0;
	[sflag:s15] =	ssyncadd.s32 $0xFFFFE000  }
0x2e: {  	[tilespmem:s29], [sflag:$0x2] =	stream.linear.gather [hbm4b:s10+s29], $0x4E80, $0x38;
	[tilespmem:$0x17D00] =	vst v63  }
0x2f: {  	_ =	swait.ge [sflag:s15], $0x4E80  }
0x30: {  	[sflag:s15] =	ssyncset.done $0x0  }
0x31: {  	[sflag:s15] =	ssyncadd.s32 $0xFFFFB180  }
0x32: {  	[tilespmem:s16], [sflag:$0x2] =	stream.linear.gather [hbm4b:s11+s29], $0x4E80, $0x38;
	[tilespmem:$0x17D00] =	vst v63  }
0x33: {  	_ =	swait.ge [sflag:s15], $0x4E80  }
0x34: {  	[sflag:s15] =	ssyncset.done $0x0  }
0x35: {  	[sflag:s15] =	ssyncadd.s32 $0xFFFFB180  }
0x36: {  	s30 =	simm.s32 $0x0;
	[bflag:$0x0] =	sbarrier.arrive $0xFFFF  }
0x37: {  	[tilespmem:s18], [sflag:$0x1] =	stream.indirect.gather [hbm4b:s4+s17], $0x40, s30, s17, $0xb8;
	[tilespmem:$0x17D00] =	vst v63  }
0x38: {  	_ =	swait.ge [sflag:s19], $0x2000  }
0x39: {  	[sflag:s19] =	ssyncset.done $0x0  }
0x3a: {  	s31 =	simm.s32 $0x4E80;
	[sflag:s19] =	ssyncadd.s32 $0xFFFFE000  }
0x3b: {  	[spmem:s2] =	stream.indirect.scatter.add.f32 [tilespmem:s18], [sflag:$0x2], $0x40, s31, s17, $0xb8;
	[tilespmem:$0x17D00] =	vst v63  }
0x3c: {  	_ =	swait.ge [sflag:s15], $0x2000  }
0x3d: {  	s20 =	simm.s32 $0x200;
	s21 =	simm.s32 $0x400;
	[sflag:s15] =	ssyncset.done $0x0  }
.LBB2_4:
0x3e: {  	s22 =	sshra.s32 s20, $0x2  }
0x3f: {  	[sflag:s15] =	ssyncadd.s32 $0xFFFFE000;
	s20 =	smov.u32 s21;
	s23 =	sadd.s32 $0x200, s21  }
0x40: {  	[tilespmem:s18], [sflag:$0x1] =	stream.indirect.gather [hbm4b:s4+s17], $0x40, s22, s17, $0xb8;
	[tilespmem:$0x17D00] =	vst v63  }
0x41: {  	p0 =	sne.s32 s21, $0x13800;
	_ =	swait.ge [sflag:s19], $0x2000  }
.Ltmp1:
0x42: {  	[sflag:s19] =	ssyncset.done $0x0;
	(pc) =	sbr.rel @p0 .LBB2_4-.Ltmp1, $4  }
0x43: {  	s21 =	sadd.s32 $0x4E80, s22;
	[sflag:s19] =	ssyncadd.s32 $0xFFFFE000  }
0x44: {  	[spmem:s2] =	stream.indirect.scatter.add.f32 [tilespmem:s18], [sflag:$0x2], $0x40, s21, s17, $0xb8;
	[tilespmem:$0x17D00] =	vst v63  }
0x45: {  	_ =	swait.ge [sflag:s15], $0x2000  }
0x46: {  	s21 =	smov.u32 s23;
	[sflag:s15] =	ssyncset.done $0x0  }
0x47: {  	s20 =	sshra.s32 s20, $0x2;
	[sflag:s15] =	ssyncadd.s32 $0xFFFFE000  }
0x48: {  	[tilespmem:s18], [sflag:$0x1] =	stream.indirect.gather [hbm4b:s4+s17], $0x40, s20, s17, $0xb8;
	[tilespmem:$0x17D00] =	vst v63  }
0x49: {  	_ =	swait.ge [sflag:s19], $0x2000  }
0x4a: {  	[sflag:s19] =	ssyncset.done $0x0  }
0x4b: {  	s20 =	sadd.s32 $0x4E80, s20;
	[sflag:s19] =	ssyncadd.s32 $0xFFFFE000  }
0x4c: {  	[spmem:s2] =	stream.indirect.scatter.add.f32 [tilespmem:s18], [sflag:$0x2], $0x40, s20, s17, $0xb8;
	[tilespmem:$0x17D00] =	vst v63  }
0x4d: {  	_ =	swait.ge [sflag:s15], $0x2000  }
0x4e: {  	s31 =	sshll.u32 s0, $0x6;
	s3 =	sadd.s32 $0x1, s3;
	[sflag:s15] =	ssyncset.done $0x0  }
0x4f: {  	s21 =	sshrl.u32 s5, $0x3;
	p0 =	sne.s32 s3, s13;
	[sflag:s15] =	ssyncadd.s32 $0xFFFFE000  }
.Ltmp2:
0x50: {  	s20 =	sor.u32 $0x1C02, s31;
	[bflag:$0x0] =	sbarrier.arrive $0xFFFF;
	(pc) =	sbr.rel @p0 .LBB2_1-.Ltmp2, $4  }
0x51: {  	[hbm:s12], [sflag:s20] =	dma.local [spmem:s21], $0x1400  }
0x52: {  	_ =	swait.ge [sflag:s15], $0x1400  }
0x53: {  	[sflag:s15] =	ssyncset.done $0x0  }
0x54: {  	[sflag:s15] =	ssyncadd.s32 $0xFFFFEC00  }
0x55: {  	_ =	sfence.sel $0x180000  }
0x56: {  	[bflag:$0x0] =	sbarrier.arrive $0xFFFF  }
0x57: {  	p0 =	sne.s32 s0, $0x0;
	_ =	strace $0x9000004A  }
0x58: {  	s0 =	sadd.s32 @!p0 $0x100000, s1;
	[bflag:$0x2] =	sbarrier.arrive $0xFFFF  }
0x59: {  	[sflag:s0] =	ssyncadd.tile.s32 @!p0 $0x1;
	_ =	shalt  }
.Lfunc_end2:
_tile_overlayer_lowered:
.L_overlay_start_2:
0x5a: {  	(tag) =	ssettag $0x2  }
0x5b: {  	s0 =	rddreg [dreg:$0x0];
	s2 =	stileid.u32  }
0x5c: {  	s1 =	rddreg [dreg:$0x1];
	p0 =	sne.s32 s2, $0x0  }
0x5d: {  	s3 =	rddreg [dreg:$0x2];
	[bflag:$0x3] =	sbarrier.arrive $0xFFFF;
	s2 =	simm.s32 @!p0 $0x1C02  }
0x5e: {  	[timem:s3], [sflag:s2] =	dma.local @!p0 [hbm:s0], s1  }
0x5f: {  	s0 =	simm.s32 @!p0 $0x2  }
0x60: {  	_ =	swait.ge @!p0 [sflag:s0], s1  }
0x61: {  	s1 =	ssub.s32 @!p0 $0x0, s1;
	[sflag:s0] =	ssyncset.done @!p0 $0x0  }
0x62: {  	[sflag:s0] =	ssyncadd.s32 @!p0 s1  }
0x63: {  	[bflag:$0x3] =	sbarrier.arrive $0xFFFF  }
0x64: {  	_ =	shalt  }

// kernel: kernel.20.cloned.1.call-start
scs
__scs_entry_jumppad:
0x0: {  	(pc) =	sbr.rel $0x88, $3  }
0x1: {  	(tag) =	ssettag $0x0;
	lr =	simm.s32 $0x1  }
0x2: {  	[smem:$0x3F8F] =	sst lr;
	_ =	strace $0xD0000000  }
0x3: {  	_ = 	snop  }
0x4: {  	_ = 	snop  }
0x5: {  	_ = 	snop  }
0x6: {  	_ = 	snop  }
0x7: {  	_ = 	snop  }
__scs_overlays_trampoline_lowered:
0x8: {  	[smem:$0x3F9E] =	sst s0  }
0x9: {  	[smem:$0x3F9F] =	sst s1  }
0xa: {  	[smem:$0x3FA0] =	sst s2  }
0xb: {  	[smem:$0x3FA1] =	sst s3  }
0xc: {  	[smem:$0x3FA2] =	sst s4  }
0xd: {  	[smem:$0x3FA3] =	sst s5  }
0xe: {  	[smem:$0x3FA4] =	sst s6  }
0xf: {  	[smem:$0x3FA5] =	sst s7  }
0x10: {  	[smem:$0x3FA6] =	sst s8  }
0x11: {  	[smem:$0x3FA7] =	sst s9;
	s0 =	simm.s32 @!p0 $0x0  }
0x12: {  	s1 =	sld [smem:$0x3F8D];
	s0 =	simm.s32 @p0 $0x1  }
0x13: {  	[smem:$0x3FA8] =	sst s0;
	s0 =	simm.s32 @!p1 $0x0  }
0x14: {  	s2 =	sld [smem:$0x3F8C];
	s0 =	simm.s32 @p1 $0x1  }
0x15: {  	[smem:$0x3FA9] =	sst s0;
	s0 =	simm.s32 @!p2 $0x0  }
0x16: {  	s3 =	sld [smem:$0x3FDB];
	s0 =	simm.s32 @p2 $0x1  }
0x17: {  	s4 =	simm.s32 $0x1BF5;
	[smem:$0x3FAB] =	sst s0  }
0x18: {  	s0 =	sld [smem:$0x3F8E];
	_ =	swait.ge [sflag:s4], $0x0  }
0x19: {  	s7 =	sld [smem:$0x3F8F]  }
0x1a: {  	s8 =	sadd.s32 $0xFFFFE003, lr  }
0x1b: {  	s9 =	sadd.s32 $0xFFFFFEF7, lr;
	s5 =	simm.s32 $0xFFFFFFFF;
	p2 =	slt.u32 s8, $0xFFFFF086  }
0x1c: {  	p1 =	slt.u32 s9, $0xF7A;
	s5 =	simm.s32 @!p2 $0x0  }
0x1d: {  	s5 =	simm.s32 @p1 $0x1;
	p0 =	seq.s32 s7, s2  }
0x1e: {  	s7 =	smul.u32 @!p0 $0xF7A, s2;
	p2 =	seq.s32 @!p0 s5, $0x0  }
0x1f: {  	s9 =	smul.u32 $0xF7A, s1;
	s8 =	simm.s32 @!p0 $0x1BF5;
	p2 =	por !p2, p0  }
0x20: {  	[sflag:s8] =	ssyncset.s32 @!p0 $0xFFFFF086;
	s6 =	sadd.s32 @!p0 s3, s7;
	s7 =	simm.s32 @!p0 $0x108  }
0x21: {  	s3 =	sadd.s32 s3, s9;
	s6 =	sadd.s32 @!p0 $0x88, s6;
	s7 =	simm.s32 @p2 $0x1082  }
0x22: {  	[simem:s7], [sflag:s8] =	dma.local @!p0 [hbm:s6], $0xF7A  }
0x23: {  	s9 =	sor.u32 $0xD0000000, s2;
	s6 =	simm.s32 $0x108;
	_ =	swait.ge @!p0 [sflag:s8], $0x0  }
0x24: {  	s3 =	sadd.s32 $0x88, s3;
	s6 =	simm.s32 @!p1 $0x1082;
	[sflag:s4] =	ssyncset.s32 $0xFFFFF086  }
0x25: {  	[simem:s6], [sflag:s4] =	dma.local [hbm:s3], $0xF7A  }
0x26: {  	[smem:$0x3F8F] =	sst s1;
	(tag) =	ssettag s2;
	_ =	strace s9  }
0x27: {  	s1 =	sld [smem:$0x3F9F]  }
0x28: {  	s2 =	sld [smem:$0x3FA0]  }
0x29: {  	s4 =	sld [smem:$0x3FA2]  }
0x2a: {  	p0 =	seq.s32 s5, $0x0;
	s5 =	sld [smem:$0x3FA3]  }
0x2b: {  	s6 =	sld [smem:$0x3FA4]  }
0x2c: {  	s7 =	sld [smem:$0x3FA5]  }
0x2d: {  	s3 =	simm.s32 $0x108;
	s8 =	sld [smem:$0x3FA6]  }
0x2e: {  	s3 =	simm.s32 @!p0 $0x1082;
	s9 =	sld [smem:$0x3FA7]  }
0x2f: {  	lr =	sadd.s32 s0, s3;
	s0 =	sld [smem:$0x3F9E]  }
0x30: {  	s3 =	sld [smem:$0x3FA1]  }
0x31: {  	[smem:$0x3FAA] =	sst s10  }
0x32: {  	s10 =	sld [smem:$0x3FA8];
	_ =	sdelay $0x3  }
0x33: {  	p0 =	seq.s32 s10, $0x1;
	s10 =	sld [smem:$0x3FAA];
	_ =	sdelay $0x3  }
0x34: {  	[smem:$0x3FAA] =	sst s10  }
0x35: {  	s10 =	sld [smem:$0x3FA9];
	_ =	sdelay $0x3  }
0x36: {  	p1 =	seq.s32 s10, $0x1;
	s10 =	sld [smem:$0x3FAA];
	_ =	sdelay $0x3  }
0x37: {  	[smem:$0x3FAA] =	sst s10  }
0x38: {  	s10 =	sld [smem:$0x3FAB]  }
0x39: {  	_ = 	snop;
	(pc) =	sbr.ind lr, $3  }
0x3a: {  	_ = 	snop  }
0x3b: {  	_ = 	snop  }
0x3c: {  	p2 =	seq.s32 s10, $0x1;
	s10 =	sld [smem:$0x3FAA]  }
0x3d: {  	_ =	shalt  }
0x3e: {  	_ =	shalt  }
0x3f: {  	_ =	shalt  }
0x40: {  	_ =	shalt  }
0x41: {  	_ =	shalt  }
0x42: {  	_ =	shalt  }
0x43: {  	_ =	shalt  }
0x44: {  	_ =	shalt  }
0x45: {  	_ =	shalt  }
0x46: {  	_ =	shalt  }
0x47: {  	_ =	shalt  }
0x48: {  	_ =	shalt  }
0x49: {  	_ =	shalt  }
0x4a: {  	_ =	shalt  }
0x4b: {  	_ =	shalt  }
0x4c: {  	_ =	shalt  }
0x4d: {  	_ =	shalt  }
0x4e: {  	_ =	shalt  }
0x4f: {  	_ =	shalt  }
0x50: {  	_ =	shalt  }
0x51: {  	_ =	shalt  }
0x52: {  	_ =	shalt  }
0x53: {  	_ =	shalt  }
0x54: {  	_ =	shalt  }
0x55: {  	_ =	shalt  }
0x56: {  	_ =	shalt  }
0x57: {  	_ =	shalt  }
0x58: {  	_ =	shalt  }
0x59: {  	_ =	shalt  }
0x5a: {  	_ =	shalt  }
0x5b: {  	_ =	shalt  }
0x5c: {  	_ =	shalt  }
0x5d: {  	_ =	shalt  }
0x5e: {  	_ =	shalt  }
0x5f: {  	_ =	shalt  }
0x60: {  	_ =	shalt  }
0x61: {  	_ =	shalt  }
0x62: {  	_ =	shalt  }
0x63: {  	_ =	shalt  }
0x64: {  	_ =	shalt  }
0x65: {  	_ =	shalt  }
0x66: {  	_ =	shalt  }
0x67: {  	_ =	shalt  }
0x68: {  	_ =	shalt  }
0x69: {  	_ =	shalt  }
0x6a: {  	_ =	shalt  }
0x6b: {  	_ =	shalt  }
0x6c: {  	_ =	shalt  }
0x6d: {  	_ =	shalt  }
0x6e: {  	_ =	shalt  }
0x6f: {  	_ =	shalt  }
0x70: {  	_ =	shalt  }
0x71: {  	_ =	shalt  }
0x72: {  	_ =	shalt  }
0x73: {  	_ =	shalt  }
0x74: {  	_ =	shalt  }
0x75: {  	_ =	shalt  }
0x76: {  	_ =	shalt  }
0x77: {  	_ =	shalt  }
0x78: {  	_ =	shalt  }
0x79: {  	_ =	shalt  }
0x7a: {  	_ =	shalt  }
0x7b: {  	_ =	shalt  }
0x7c: {  	_ =	shalt  }
0x7d: {  	_ =	shalt  }
0x7e: {  	_ =	shalt  }
0x7f: {  	_ =	shalt  }
0x80: {  	_ =	shalt  }
0x81: {  	_ =	shalt  }
0x82: {  	_ =	shalt  }
0x83: {  	_ =	shalt  }
0x84: {  	_ =	shalt  }
0x85: {  	_ =	shalt  }
0x86: {  	_ =	shalt  }
0x87: {  	_ =	shalt  }
.Lfunc_end0:
.L_simem_size_0:
called_computation.2_lowered:
.L_overlay_start_0:
0x88: {  	s2 =	sld [smem:$0x3FD9]  }
0x89: {  	s3 =	sld [smem:$0x3FFE];
	_ =	sdelay $0x1  }
0x8a: {  	s1 =	srdreg.scid  }
0x8b: {  	s0 =	sand.u32 $0x1, s1  }
0x8c: {  	s16 =	sshll.u32 s0, $0xA;
	s2 =	sadd.s32 s3, s2  }
0x8d: {  	s2 =	sadd.s32 s2, s16  }
0x8e: {  	[smem:$0x3FB6] =	sst s2  }
0x8f: {  	_ = 	snop  }
0x90: {  	(tm) =	ssettm $0x1  }
0x91: {  	s17 =	sld [smem:$0x3FFB];
	_ =	sdelay $0x3  }
0x92: {  	_ =	strace s17  }
0x93: {  	s2 =	sld [smem:$0x3FFC];
	_ =	sdelay $0x3  }
0x94: {  	_ =	strace s2  }
0x95: {  	s2 =	sld [smem:$0x3FFD];
	_ =	sdelay $0x3  }
0x96: {  	_ =	strace s2  }
0x97: {  	_ =	strace $0x8FFFFFFF  }
0x98: {  	s18 =	sld [smem:$0x3FDB];
	_ =	sdelay $0x1  }
0x99: {  	s19 =	simm.s32 $_scs_section_size  }
0x9a: {  	s4 =	simm.s32 $_size__tile_overlayer_lowered;
	s5 =	simm.s32 $_tile_overlayer_lowered  }
0x9b: {  	s22 =	simm.s32 $0x1BFF;
	s21 =	sshll.u32 s5, $0x1;
	s2 =	sadd.s32 s19, s18  }
0x9c: {  	s6 =	simm.s32 $0x0;
	s20 =	sshll.u32 s4, $0x1;
	s4 =	sadd.s32 s21, s2  }
0x9d: {  	[timem:s6], [sflag:s22] =	dma.local [hbm:s4], s20  }
0x9e: {  	_ =	swait.ge [sflag:s22], s20  }
0x9f: {  	s3 =	ssub.s32 $0x0, s20;
	[sflag:s22] =	ssyncset.done $0x0  }
0xa0: {  	[sflag:s22] =	ssyncadd.s32 s3;
	_ =	sdelay $0x1  }
0xa1: {  	s23 =	simm.s32 $0x1B8B  }
0xa2: {  	_ =	swait.ge [sflag:s23], $0x1  }
0xa3: {  	[sflag:s23] =	ssyncset.done $0x0  }
0xa4: {  	s25 =	simm.s32 $0x1B8E;
	s24 =	sld [smem:$0x3FFE];
	[sflag:s23] =	ssyncadd.s32 $0xFFFFFFFF  }
0xa5: {  	s26 =	simm.s32 $execute0_lowered;
	[smem:$0x3FD2] =	sst s25  }
0xa6: {  	s4 =	sshll.u32 s26, $0x1;
	_ =	strace $0x8000004C;
	[dreg:$0x1] =	wrdreg $0xFFFFFFFF  }
0xa7: {  	s28 =	simm.s32 $_size_execute0_lowered;
	s2 =	sadd.s32 s2, s4;
	[dreg:$0x0] =	wrdreg $0x0  }
0xa8: {  	s4 =	sshll.u32 s28, $0x1;
	[dreg:$0x2] =	wrdreg s2  }
0xa9: {  	[dreg:$0x3] =	wrdreg s4  }
0xaa: {  	[dreg:$0x4] =	wrdreg $0xC0  }
0xab: {  	_ =	task [dreg:s6], $0x5FFFF  }
0xac: {  	[dreg:$0x1] =	wrdreg $0xFFFFFFFF  }
0xad: {  	[dreg:$0x0] =	wrdreg $0x60  }
0xae: {  	[dreg:$0x2] =	wrdreg s24  }
0xaf: {  	[dreg:$0x3] =	wrdreg $0xDD000  }
0xb0: {  	[dreg:$0x4] =	wrdreg $0x9  }
0xb1: {  	_ =	task.clear_ibuf [dreg:s6], $0x5FFFF;
	_ =	strace $0x9000004C  }
0xb2: {  	s29 =	simm.s32 $0x9;
	_ =	strace $0x8000004E  }
0xb3: {  	_ =	swait.ge [sflag:s29], $0x1  }
0xb4: {  	[sflag:s29] =	ssyncadd.s32 $0xFFFFFFFF  }
0xb5: {  	_ =	strace $0x9000004E  }
0xb6: {  	_ =	sfence  }
0xb7: {  	s30 =	sld [smem:$0x0];
	_ =	sdelay $0x2  }
0xb8: {  	s31 =	sshll.u32 s1, $0xD;
	s1 =	sshrl.u32 s1, $0x2  }
0xb9: {  	s3 =	sand.u32 $0x4000, s31;
	s1 =	sadd.s32 s1, s30  }
0xba: {  	s0 =	sor.u32 s3, s0;
	s1 =	sshll.u32 s1, $0x11  }
0xbb: {  	s0 =	sor.u32 s1, s0  }
0xbc: {  	s0 =	sadd.s32 $0x8F2B, s0  }
0xbd: {  	[sflag:s0] =	ssyncadd.remote.s32 $0x1  }
0xbe: {  	_ =	sfence.sel $0xFFFF  }
0xbf: {  	[dreg:$0x0] =	wrdreg $0xFFFFFFFF;
	(pc) =	sbr.abs _section_cstart, $3  }
0xc0: {  	[dreg:$0x1] =	wrdreg $0xFFFFFFFF  }
0xc1: {  	_ =	task.clear_ibuf [dreg:s6], $0x2FFFF;
	_ =	strace $0x9FFFFFFF  }
0xc2: {  	(tm) =	ssettm $0x7FFFFFFF  }
0xc3: {  	_ =	shalt  }
tec
execute0_lowered:
.L_overlay_start_1:
0x0: {  	(tag) =	ssettag $0x1  }
0x1: {  	s5 =	rddreg [dreg:$0x0];
	s1 =	srdreg.scid  }
0x2: {  	s0 =	stileid.u32;
	s2 =	rddreg [dreg:$0x1]  }
0x3: {  	s3 =	simm.s32 $0x0;
	s15 =	simm.s32 $0x2;
	s7 =	smul.u32 $0x4E80, s0  }
0x4: {  	s16 =	simm.s32 $0x4E80;
	s17 =	simm.s32 $0x80;
	s9 =	smul.u32 $0xA000, s0  }
0x5: {  	s18 =	simm.s32 $0x9D00;
	s6 =	sand.u32 $0x1, s1;
	s28 =	smul.u32 $0x28000, s0  }
0x6: {  	s19 =	simm.s32 $0x1;
	s1 =	rddreg [dreg:$0x2];
	s4 =	smul.u32 $0x4E800, s6  }
0x7: {  	[smem:$0x7FF] =	sst s3;
	s10 =	smul.u32 $0xA0000, s6;
	s6 =	ssub.s32 $0x2, s6  }
0x8: {  	_ =	strace $0x8000004D;
	s30 =	sshrl.u32 s6, $0x1;
	s8 =	sadd.s32 s7, s4  }
0x9: {  	s4 =	sadd.s32 $0x35000, s5;
	s7 =	sshrl.u32 s7, $0x3;
	s29 =	sadd.s32 s9, s10  }
0xa: {  	s14 =	ssub.s32 s6, s30;
	s8 =	sshrl.u32 s8, $0x3;
	s12 =	sadd.s32 s7, s5  }
0xb: {  	s7 =	sshrl.u32 s29, $0x3;
	s11 =	sadd.s32 s8, s5;
	s8 =	sshrl.u32 s28, $0x2  }
0xc: {  	s13 =	sadd.s32 s7, s5;
	s5 =	sadd.s32 s9, s2;
	s31 =	sadd.s32 s8, s2  }
0xd: {  	s10 =	sadd.s32 $0x21600, s11;
	s11 =	sadd.s32 $0x17800, s12;
	s12 =	sadd.s32 $0x5D000, s13  }
0xe: {  	s13 =	smax.u32 s14, $0x1;
	s14 =	simm.s32 $0xBD00;
	s6 =	sadd.s32 $0x2000, s31  }
0xf: {  	v0 =	vimm.f32 $0.0e+00;
	s7 =	sadd.s32 $0x4000, s31;
	s8 =	sadd.s32 $0x6000, s31;
	s9 =	sadd.s32 $0x8000, s31  }
.LBB2_1:
0x10: {  	s21 =	simm.s32 $0x100;
	s20 =	simm.s32 $0x0  }
.LBB2_2:
0x11: {  	p0 =	sne.s32 s21, $0x7F00;
	[tilespmem:s20+$0xBD30] =	vst v0;
	s22 =	smov.u32 s21;
	s21 =	sadd.s32 $0x100, s21  }
.Ltmp0:
0x12: {  	[tilespmem:s20+$0xBD20] =	vst v0;
	(pc) =	sbr.rel @p0 .LBB2_2-.Ltmp0, $3  }
0x13: {  	[tilespmem:s20+$0xBD00] =	vst v0  }
0x14: {  	[tilespmem:s20+$0xBD10] =	vst v0;
	_ =	sdelay $0x1  }
0x15: {  	s20 =	sshra.s32 s22, $0x2  }
0x16: {  	[tilespmem:s20+$0xBD30] =	vst v0  }
0x17: {  	[tilespmem:s20+$0xBD20] =	vst v0  }
0x18: {  	[tilespmem:s20+$0xBD00] =	vst v0  }
0x19: {  	[tilespmem:s20+$0xBD10] =	vst v0  }
0x1a: {  	[spmem:s5] =	stream.linear.scatter [tilespmem:s14], [sflag:$0x2], $0x2000, $0x38;
	[tilespmem:$0x17D00] =	vst v63  }
0x1b: {  	_ =	swait.ge [sflag:s15], $0x2000  }
0x1c: {  	[sflag:s15] =	ssyncset.done $0x0  }
0x1d: {  	[sflag:s15] =	ssyncadd.s32 $0xFFFFE000  }
0x1e: {  	[spmem:s6] =	stream.linear.scatter [tilespmem:s14], [sflag:$0x2], $0x2000, $0x38;
	[tilespmem:$0x17D00] =	vst v63  }
0x1f: {  	_ =	swait.ge [sflag:s15], $0x2000  }
0x20: {  	[sflag:s15] =	ssyncset.done $0x0  }
0x21: {  	[sflag:s15] =	ssyncadd.s32 $0xFFFFE000  }
0x22: {  	[spmem:s7] =	stream.linear.scatter [tilespmem:s14], [sflag:$0x2], $0x2000, $0x38;
	[tilespmem:$0x17D00] =	vst v63  }
0x23: {  	_ =	swait.ge [sflag:s15], $0x2000  }
0x24: {  	[sflag:s15] =	ssyncset.done $0x0  }
0x25: {  	[sflag:s15] =	ssyncadd.s32 $0xFFFFE000  }
0x26: {  	[spmem:s8] =	stream.linear.scatter [tilespmem:s14], [sflag:$0x2], $0x2000, $0x38;
	[tilespmem:$0x17D00] =	vst v63  }
0x27: {  	_ =	swait.ge [sflag:s15], $0x2000  }
0x28: {  	[sflag:s15] =	ssyncset.done $0x0  }
0x29: {  	[sflag:s15] =	ssyncadd.s32 $0xFFFFE000  }
0x2a: {  	[spmem:s9] =	stream.linear.scatter [tilespmem:s14], [sflag:$0x2], $0x2000, $0x38;
	[tilespmem:$0x17D00] =	vst v63  }
0x2b: {  	_ =	swait.ge [sflag:s15], $0x2000  }
0x2c: {  	[sflag:s15] =	ssyncset.done $0x0  }
0x2d: {  	s29 =	simm.s32 $0x0;
	[sflag:s15] =	ssyncadd.s32 $0xFFFFE000  }
0x2e: {  	[tilespmem:s29], [sflag:$0x2] =	stream.linear.gather [hbm4b:s10+s29], $0x4E80, $0x38;
	[tilespmem:$0x17D00] =	vst v63  }
0x2f: {  	_ =	swait.ge [sflag:s15], $0x4E80  }
0x30: {  	[sflag:s15] =	ssyncset.done $0x0  }
0x31: {  	[sflag:s15] =	ssyncadd.s32 $0xFFFFB180  }
0x32: {  	[tilespmem:s16], [sflag:$0x2] =	stream.linear.gather [hbm4b:s11+s29], $0x4E80, $0x38;
	[tilespmem:$0x17D00] =	vst v63  }
0x33: {  	_ =	swait.ge [sflag:s15], $0x4E80  }
0x34: {  	[sflag:s15] =	ssyncset.done $0x0  }
0x35: {  	[sflag:s15] =	ssyncadd.s32 $0xFFFFB180  }
0x36: {  	s30 =	simm.s32 $0x0;
	[bflag:$0x0] =	sbarrier.arrive $0xFFFF  }
0x37: {  	[tilespmem:s18], [sflag:$0x1] =	stream.indirect.gather [hbm4b:s4+s17], $0x40, s30, s17, $0xb8;
	[tilespmem:$0x17D00] =	vst v63  }
0x38: {  	_ =	swait.ge [sflag:s19], $0x2000  }
0x39: {  	[sflag:s19] =	ssyncset.done $0x0  }
0x3a: {  	s31 =	simm.s32 $0x4E80;
	[sflag:s19] =	ssyncadd.s32 $0xFFFFE000  }
0x3b: {  	[spmem:s2] =	stream.indirect.scatter.add.f32 [tilespmem:s18], [sflag:$0x2], $0x40, s31, s17, $0xb8;
	[tilespmem:$0x17D00] =	vst v63  }
0x3c: {  	_ =	swait.ge [sflag:s15], $0x2000  }
0x3d: {  	s20 =	simm.s32 $0x200;
	s21 =	simm.s32 $0x400;
	[sflag:s15] =	ssyncset.done $0x0  }
.LBB2_4:
0x3e: {  	s22 =	sshra.s32 s20, $0x2  }
0x3f: {  	[sflag:s15] =	ssyncadd.s32 $0xFFFFE000;
	s20 =	smov.u32 s21;
	s23 =	sadd.s32 $0x200, s21  }
0x40: {  	[tilespmem:s18], [sflag:$0x1] =	stream.indirect.gather [hbm4b:s4+s17], $0x40, s22, s17, $0xb8;
	[tilespmem:$0x17D00] =	vst v63  }
0x41: {  	p0 =	sne.s32 s21, $0x13800;
	_ =	swait.ge [sflag:s19], $0x2000  }
.Ltmp1:
0x42: {  	[sflag:s19] =	ssyncset.done $0x0;
	(pc) =	sbr.rel @p0 .LBB2_4-.Ltmp1, $4  }
0x43: {  	s21 =	sadd.s32 $0x4E80, s22;
	[sflag:s19] =	ssyncadd.s32 $0xFFFFE000  }
0x44: {  	[spmem:s2] =	stream.indirect.scatter.add.f32 [tilespmem:s18], [sflag:$0x2], $0x40, s21, s17, $0xb8;
	[tilespmem:$0x17D00] =	vst v63  }
0x45: {  	_ =	swait.ge [sflag:s15], $0x2000  }
0x46: {  	s21 =	smov.u32 s23;
	[sflag:s15] =	ssyncset.done $0x0  }
0x47: {  	s20 =	sshra.s32 s20, $0x2;
	[sflag:s15] =	ssyncadd.s32 $0xFFFFE000  }
0x48: {  	[tilespmem:s18], [sflag:$0x1] =	stream.indirect.gather [hbm4b:s4+s17], $0x40, s20, s17, $0xb8;
	[tilespmem:$0x17D00] =	vst v63  }
0x49: {  	_ =	swait.ge [sflag:s19], $0x2000  }
0x4a: {  	[sflag:s19] =	ssyncset.done $0x0  }
0x4b: {  	s20 =	sadd.s32 $0x4E80, s20;
	[sflag:s19] =	ssyncadd.s32 $0xFFFFE000  }
0x4c: {  	[spmem:s2] =	stream.indirect.scatter.add.f32 [tilespmem:s18], [sflag:$0x2], $0x40, s20, s17, $0xb8;
	[tilespmem:$0x17D00] =	vst v63  }
0x4d: {  	_ =	swait.ge [sflag:s15], $0x2000  }
0x4e: {  	s31 =	sshll.u32 s0, $0x6;
	s3 =	sadd.s32 $0x1, s3;
	[sflag:s15] =	ssyncset.done $0x0  }
0x4f: {  	s21 =	sshrl.u32 s5, $0x3;
	p0 =	sne.s32 s3, s13;
	[sflag:s15] =	ssyncadd.s32 $0xFFFFE000  }
.Ltmp2:
0x50: {  	s20 =	sor.u32 $0x1C02, s31;
	[bflag:$0x0] =	sbarrier.arrive $0xFFFF;
	(pc) =	sbr.rel @p0 .LBB2_1-.Ltmp2, $4  }
0x51: {  	[hbm:s12], [sflag:s20] =	dma.local [spmem:s21], $0x1400  }
0x52: {  	_ =	swait.ge [sflag:s15], $0x1400  }
0x53: {  	[sflag:s15] =	ssyncset.done $0x0  }
0x54: {  	[sflag:s15] =	ssyncadd.s32 $0xFFFFEC00  }
0x55: {  	_ =	sfence.sel $0x180000  }
0x56: {  	[bflag:$0x0] =	sbarrier.arrive $0xFFFF  }
0x57: {  	p0 =	sne.s32 s0, $0x0;
	_ =	strace $0x9000004D  }
0x58: {  	s0 =	sadd.s32 @!p0 $0x100000, s1;
	[bflag:$0x2] =	sbarrier.arrive $0xFFFF  }
0x59: {  	[sflag:s0] =	ssyncadd.tile.s32 @!p0 $0x1;
	_ =	shalt  }
.Lfunc_end2:
_tile_overlayer_lowered:
.L_overlay_start_2:
0x5a: {  	(tag) =	ssettag $0x2  }
0x5b: {  	s0 =	rddreg [dreg:$0x0];
	s2 =	stileid.u32  }
0x5c: {  	s1 =	rddreg [dreg:$0x1];
	p0 =	sne.s32 s2, $0x0  }
0x5d: {  	s3 =	rddreg [dreg:$0x2];
	[bflag:$0x3] =	sbarrier.arrive $0xFFFF;
	s2 =	simm.s32 @!p0 $0x1C02  }
0x5e: {  	[timem:s3], [sflag:s2] =	dma.local @!p0 [hbm:s0], s1  }
0x5f: {  	s0 =	simm.s32 @!p0 $0x2  }
0x60: {  	_ =	swait.ge @!p0 [sflag:s0], s1  }
0x61: {  	s1 =	ssub.s32 @!p0 $0x0, s1;
	[sflag:s0] =	ssyncset.done @!p0 $0x0  }
0x62: {  	[sflag:s0] =	ssyncadd.s32 @!p0 s1  }
0x63: {  	[bflag:$0x3] =	sbarrier.arrive $0xFFFF  }
0x64: {  	_ =	shalt  }

// kernel: kernel.23.cloned.1.call-start
scs
__scs_entry_jumppad:
0x0: {  	(pc) =	sbr.rel $0x88, $3  }
0x1: {  	(tag) =	ssettag $0x0;
	lr =	simm.s32 $0x1  }
0x2: {  	[smem:$0x3F8F] =	sst lr;
	_ =	strace $0xD0000000  }
0x3: {  	_ = 	snop  }
0x4: {  	_ = 	snop  }
0x5: {  	_ = 	snop  }
0x6: {  	_ = 	snop  }
0x7: {  	_ = 	snop  }
__scs_overlays_trampoline_lowered:
0x8: {  	[smem:$0x3F9E] =	sst s0  }
0x9: {  	[smem:$0x3F9F] =	sst s1  }
0xa: {  	[smem:$0x3FA0] =	sst s2  }
0xb: {  	[smem:$0x3FA1] =	sst s3  }
0xc: {  	[smem:$0x3FA2] =	sst s4  }
0xd: {  	[smem:$0x3FA3] =	sst s5  }
0xe: {  	[smem:$0x3FA4] =	sst s6  }
0xf: {  	[smem:$0x3FA5] =	sst s7  }
0x10: {  	[smem:$0x3FA6] =	sst s8  }
0x11: {  	[smem:$0x3FA7] =	sst s9;
	s0 =	simm.s32 @!p0 $0x0  }
0x12: {  	s1 =	sld [smem:$0x3F8D];
	s0 =	simm.s32 @p0 $0x1  }
0x13: {  	[smem:$0x3FA8] =	sst s0;
	s0 =	simm.s32 @!p1 $0x0  }
0x14: {  	s2 =	sld [smem:$0x3F8C];
	s0 =	simm.s32 @p1 $0x1  }
0x15: {  	[smem:$0x3FA9] =	sst s0;
	s0 =	simm.s32 @!p2 $0x0  }
0x16: {  	s3 =	sld [smem:$0x3FDB];
	s0 =	simm.s32 @p2 $0x1  }
0x17: {  	s4 =	simm.s32 $0x1BF5;
	[smem:$0x3FAB] =	sst s0  }
0x18: {  	s0 =	sld [smem:$0x3F8E];
	_ =	swait.ge [sflag:s4], $0x0  }
0x19: {  	s7 =	sld [smem:$0x3F8F]  }
0x1a: {  	s8 =	sadd.s32 $0xFFFFE003, lr  }
0x1b: {  	s9 =	sadd.s32 $0xFFFFFEF7, lr;
	s5 =	simm.s32 $0xFFFFFFFF;
	p2 =	slt.u32 s8, $0xFFFFF086  }
0x1c: {  	p1 =	slt.u32 s9, $0xF7A;
	s5 =	simm.s32 @!p2 $0x0  }
0x1d: {  	s5 =	simm.s32 @p1 $0x1;
	p0 =	seq.s32 s7, s2  }
0x1e: {  	s7 =	smul.u32 @!p0 $0xF7A, s2;
	p2 =	seq.s32 @!p0 s5, $0x0  }
0x1f: {  	s9 =	smul.u32 $0xF7A, s1;
	s8 =	simm.s32 @!p0 $0x1BF5;
	p2 =	por !p2, p0  }
0x20: {  	[sflag:s8] =	ssyncset.s32 @!p0 $0xFFFFF086;
	s6 =	sadd.s32 @!p0 s3, s7;
	s7 =	simm.s32 @!p0 $0x108  }
0x21: {  	s3 =	sadd.s32 s3, s9;
	s6 =	sadd.s32 @!p0 $0x88, s6;
	s7 =	simm.s32 @p2 $0x1082  }
0x22: {  	[simem:s7], [sflag:s8] =	dma.local @!p0 [hbm:s6], $0xF7A  }
0x23: {  	s9 =	sor.u32 $0xD0000000, s2;
	s6 =	simm.s32 $0x108;
	_ =	swait.ge @!p0 [sflag:s8], $0x0  }
0x24: {  	s3 =	sadd.s32 $0x88, s3;
	s6 =	simm.s32 @!p1 $0x1082;
	[sflag:s4] =	ssyncset.s32 $0xFFFFF086  }
0x25: {  	[simem:s6], [sflag:s4] =	dma.local [hbm:s3], $0xF7A  }
0x26: {  	[smem:$0x3F8F] =	sst s1;
	(tag) =	ssettag s2;
	_ =	strace s9  }
0x27: {  	s1 =	sld [smem:$0x3F9F]  }
0x28: {  	s2 =	sld [smem:$0x3FA0]  }
0x29: {  	s4 =	sld [smem:$0x3FA2]  }
0x2a: {  	p0 =	seq.s32 s5, $0x0;
	s5 =	sld [smem:$0x3FA3]  }
0x2b: {  	s6 =	sld [smem:$0x3FA4]  }
0x2c: {  	s7 =	sld [smem:$0x3FA5]  }
0x2d: {  	s3 =	simm.s32 $0x108;
	s8 =	sld [smem:$0x3FA6]  }
0x2e: {  	s3 =	simm.s32 @!p0 $0x1082;
	s9 =	sld [smem:$0x3FA7]  }
0x2f: {  	lr =	sadd.s32 s0, s3;
	s0 =	sld [smem:$0x3F9E]  }
0x30: {  	s3 =	sld [smem:$0x3FA1]  }
0x31: {  	[smem:$0x3FAA] =	sst s10  }
0x32: {  	s10 =	sld [smem:$0x3FA8];
	_ =	sdelay $0x3  }
0x33: {  	p0 =	seq.s32 s10, $0x1;
	s10 =	sld [smem:$0x3FAA];
	_ =	sdelay $0x3  }
0x34: {  	[smem:$0x3FAA] =	sst s10  }
0x35: {  	s10 =	sld [smem:$0x3FA9];
	_ =	sdelay $0x3  }
0x36: {  	p1 =	seq.s32 s10, $0x1;
	s10 =	sld [smem:$0x3FAA];
	_ =	sdelay $0x3  }
0x37: {  	[smem:$0x3FAA] =	sst s10  }
0x38: {  	s10 =	sld [smem:$0x3FAB]  }
0x39: {  	_ = 	snop;
	(pc) =	sbr.ind lr, $3  }
0x3a: {  	_ = 	snop  }
0x3b: {  	_ = 	snop  }
0x3c: {  	p2 =	seq.s32 s10, $0x1;
	s10 =	sld [smem:$0x3FAA]  }
0x3d: {  	_ =	shalt  }
0x3e: {  	_ =	shalt  }
0x3f: {  	_ =	shalt  }
0x40: {  	_ =	shalt  }
0x41: {  	_ =	shalt  }
0x42: {  	_ =	shalt  }
0x43: {  	_ =	shalt  }
0x44: {  	_ =	shalt  }
0x45: {  	_ =	shalt  }
0x46: {  	_ =	shalt  }
0x47: {  	_ =	shalt  }
0x48: {  	_ =	shalt  }
0x49: {  	_ =	shalt  }
0x4a: {  	_ =	shalt  }
0x4b: {  	_ =	shalt  }
0x4c: {  	_ =	shalt  }
0x4d: {  	_ =	shalt  }
0x4e: {  	_ =	shalt  }
0x4f: {  	_ =	shalt  }
0x50: {  	_ =	shalt  }
0x51: {  	_ =	shalt  }
0x52: {  	_ =	shalt  }
0x53: {  	_ =	shalt  }
0x54: {  	_ =	shalt  }
0x55: {  	_ =	shalt  }
0x56: {  	_ =	shalt  }
0x57: {  	_ =	shalt  }
0x58: {  	_ =	shalt  }
0x59: {  	_ =	shalt  }
0x5a: {  	_ =	shalt  }
0x5b: {  	_ =	shalt  }
0x5c: {  	_ =	shalt  }
0x5d: {  	_ =	shalt  }
0x5e: {  	_ =	shalt  }
0x5f: {  	_ =	shalt  }
0x60: {  	_ =	shalt  }
0x61: {  	_ =	shalt  }
0x62: {  	_ =	shalt  }
0x63: {  	_ =	shalt  }
0x64: {  	_ =	shalt  }
0x65: {  	_ =	shalt  }
0x66: {  	_ =	shalt  }
0x67: {  	_ =	shalt  }
0x68: {  	_ =	shalt  }
0x69: {  	_ =	shalt  }
0x6a: {  	_ =	shalt  }
0x6b: {  	_ =	shalt  }
0x6c: {  	_ =	shalt  }
0x6d: {  	_ =	shalt  }
0x6e: {  	_ =	shalt  }
0x6f: {  	_ =	shalt  }
0x70: {  	_ =	shalt  }
0x71: {  	_ =	shalt  }
0x72: {  	_ =	shalt  }
0x73: {  	_ =	shalt  }
0x74: {  	_ =	shalt  }
0x75: {  	_ =	shalt  }
0x76: {  	_ =	shalt  }
0x77: {  	_ =	shalt  }
0x78: {  	_ =	shalt  }
0x79: {  	_ =	shalt  }
0x7a: {  	_ =	shalt  }
0x7b: {  	_ =	shalt  }
0x7c: {  	_ =	shalt  }
0x7d: {  	_ =	shalt  }
0x7e: {  	_ =	shalt  }
0x7f: {  	_ =	shalt  }
0x80: {  	_ =	shalt  }
0x81: {  	_ =	shalt  }
0x82: {  	_ =	shalt  }
0x83: {  	_ =	shalt  }
0x84: {  	_ =	shalt  }
0x85: {  	_ =	shalt  }
0x86: {  	_ =	shalt  }
0x87: {  	_ =	shalt  }
.Lfunc_end0:
.L_simem_size_0:
called_computation.3_lowered:
.L_overlay_start_0:
0x88: {  	s2 =	sld [smem:$0x3FD9]  }
0x89: {  	s3 =	sld [smem:$0x3FFE];
	_ =	sdelay $0x1  }
0x8a: {  	s1 =	srdreg.scid  }
0x8b: {  	s0 =	sand.u32 $0x1, s1  }
0x8c: {  	s16 =	sshll.u32 s0, $0xA;
	s2 =	sadd.s32 s3, s2  }
0x8d: {  	s2 =	sadd.s32 s2, s16  }
0x8e: {  	[smem:$0x3FB6] =	sst s2  }
0x8f: {  	_ = 	snop  }
0x90: {  	(tm) =	ssettm $0x1  }
0x91: {  	s17 =	sld [smem:$0x3FFB];
	_ =	sdelay $0x3  }
0x92: {  	_ =	strace s17  }
0x93: {  	s2 =	sld [smem:$0x3FFC];
	_ =	sdelay $0x3  }
0x94: {  	_ =	strace s2  }
0x95: {  	s2 =	sld [smem:$0x3FFD];
	_ =	sdelay $0x3  }
0x96: {  	_ =	strace s2  }
0x97: {  	_ =	strace $0x8FFFFFFF  }
0x98: {  	s18 =	sld [smem:$0x3FDB];
	_ =	sdelay $0x1  }
0x99: {  	s19 =	simm.s32 $_scs_section_size  }
0x9a: {  	s4 =	simm.s32 $_size__tile_overlayer_lowered;
	s5 =	simm.s32 $_tile_overlayer_lowered  }
0x9b: {  	s22 =	simm.s32 $0x1BFF;
	s21 =	sshll.u32 s5, $0x1;
	s2 =	sadd.s32 s19, s18  }
0x9c: {  	s6 =	simm.s32 $0x0;
	s20 =	sshll.u32 s4, $0x1;
	s4 =	sadd.s32 s21, s2  }
0x9d: {  	[timem:s6], [sflag:s22] =	dma.local [hbm:s4], s20  }
0x9e: {  	_ =	swait.ge [sflag:s22], s20  }
0x9f: {  	s3 =	ssub.s32 $0x0, s20;
	[sflag:s22] =	ssyncset.done $0x0  }
0xa0: {  	[sflag:s22] =	ssyncadd.s32 s3;
	_ =	sdelay $0x1  }
0xa1: {  	s23 =	simm.s32 $0x1B8B  }
0xa2: {  	_ =	swait.ge [sflag:s23], $0x1  }
0xa3: {  	[sflag:s23] =	ssyncset.done $0x0  }
0xa4: {  	s25 =	simm.s32 $0x1B8E;
	s24 =	sld [smem:$0x3FFE];
	[sflag:s23] =	ssyncadd.s32 $0xFFFFFFFF  }
0xa5: {  	s26 =	simm.s32 $execute0_lowered;
	[smem:$0x3FD2] =	sst s25  }
0xa6: {  	s4 =	sshll.u32 s26, $0x1;
	_ =	strace $0x8000004F;
	[dreg:$0x1] =	wrdreg $0xFFFFFFFF  }
0xa7: {  	s28 =	simm.s32 $_size_execute0_lowered;
	s2 =	sadd.s32 s2, s4;
	[dreg:$0x0] =	wrdreg $0x0  }
0xa8: {  	s4 =	sshll.u32 s28, $0x1;
	[dreg:$0x2] =	wrdreg s2  }
0xa9: {  	[dreg:$0x3] =	wrdreg s4  }
0xaa: {  	[dreg:$0x4] =	wrdreg $0xC0  }
0xab: {  	_ =	task [dreg:s6], $0x5FFFF  }
0xac: {  	[dreg:$0x1] =	wrdreg $0xFFFFFFFF  }
0xad: {  	[dreg:$0x0] =	wrdreg $0x60  }
0xae: {  	[dreg:$0x2] =	wrdreg s24  }
0xaf: {  	[dreg:$0x3] =	wrdreg $0xDD000  }
0xb0: {  	[dreg:$0x4] =	wrdreg $0x9  }
0xb1: {  	_ =	task.clear_ibuf [dreg:s6], $0x5FFFF;
	_ =	strace $0x9000004F  }
0xb2: {  	s29 =	simm.s32 $0x9;
	_ =	strace $0x80000051  }
0xb3: {  	_ =	swait.ge [sflag:s29], $0x1  }
0xb4: {  	[sflag:s29] =	ssyncadd.s32 $0xFFFFFFFF  }
0xb5: {  	_ =	strace $0x90000051  }
0xb6: {  	_ =	sfence  }
0xb7: {  	s30 =	sld [smem:$0x0];
	_ =	sdelay $0x2  }
0xb8: {  	s31 =	sshll.u32 s1, $0xD;
	s1 =	sshrl.u32 s1, $0x2  }
0xb9: {  	s3 =	sand.u32 $0x4000, s31;
	s1 =	sadd.s32 s1, s30  }
0xba: {  	s0 =	sor.u32 s3, s0;
	s1 =	sshll.u32 s1, $0x11  }
0xbb: {  	s0 =	sor.u32 s1, s0  }
0xbc: {  	s0 =	sadd.s32 $0x8F2B, s0  }
0xbd: {  	[sflag:s0] =	ssyncadd.remote.s32 $0x1  }
0xbe: {  	_ =	sfence.sel $0xFFFF  }
0xbf: {  	[dreg:$0x0] =	wrdreg $0xFFFFFFFF;
	(pc) =	sbr.abs _section_cstart, $3  }
0xc0: {  	[dreg:$0x1] =	wrdreg $0xFFFFFFFF  }
0xc1: {  	_ =	task.clear_ibuf [dreg:s6], $0x2FFFF;
	_ =	strace $0x9FFFFFFF  }
0xc2: {  	(tm) =	ssettm $0x7FFFFFFF  }
0xc3: {  	_ =	shalt  }
tec
execute0_lowered:
.L_overlay_start_1:
0x0: {  	(tag) =	ssettag $0x1  }
0x1: {  	s5 =	rddreg [dreg:$0x0];
	s1 =	srdreg.scid  }
0x2: {  	s0 =	stileid.u32;
	s2 =	rddreg [dreg:$0x1]  }
0x3: {  	s3 =	simm.s32 $0x0;
	s15 =	simm.s32 $0x2;
	s7 =	smul.u32 $0x4E80, s0  }
0x4: {  	s16 =	simm.s32 $0x4E80;
	s17 =	simm.s32 $0x80;
	s9 =	smul.u32 $0xA000, s0  }
0x5: {  	s18 =	simm.s32 $0x9D00;
	s6 =	sand.u32 $0x1, s1;
	s28 =	smul.u32 $0x28000, s0  }
0x6: {  	s19 =	simm.s32 $0x1;
	s1 =	rddreg [dreg:$0x2];
	s4 =	smul.u32 $0x4E800, s6  }
0x7: {  	[smem:$0x7FF] =	sst s3;
	s10 =	smul.u32 $0xA0000, s6;
	s6 =	ssub.s32 $0x2, s6  }
0x8: {  	_ =	strace $0x80000050;
	s30 =	sshrl.u32 s6, $0x1;
	s8 =	sadd.s32 s7, s4  }
0x9: {  	s4 =	sadd.s32 $0x35000, s5;
	s7 =	sshrl.u32 s7, $0x3;
	s29 =	sadd.s32 s9, s10  }
0xa: {  	s14 =	ssub.s32 s6, s30;
	s8 =	sshrl.u32 s8, $0x3;
	s12 =	sadd.s32 s7, s5  }
0xb: {  	s7 =	sshrl.u32 s29, $0x3;
	s11 =	sadd.s32 s8, s5;
	s8 =	sshrl.u32 s28, $0x2  }
0xc: {  	s13 =	sadd.s32 s7, s5;
	s5 =	sadd.s32 s9, s2;
	s31 =	sadd.s32 s8, s2  }
0xd: {  	s10 =	sadd.s32 $0x21600, s11;
	s11 =	sadd.s32 $0x17800, s12;
	s12 =	sadd.s32 $0x5D000, s13  }
0xe: {  	s13 =	smax.u32 s14, $0x1;
	s14 =	simm.s32 $0xBD00;
	s6 =	sadd.s32 $0x2000, s31  }
0xf: {  	v0 =	vimm.f32 $0.0e+00;
	s7 =	sadd.s32 $0x4000, s31;
	s8 =	sadd.s32 $0x6000, s31;
	s9 =	sadd.s32 $0x8000, s31  }
.LBB2_1:
0x10: {  	s21 =	simm.s32 $0x100;
	s20 =	simm.s32 $0x0  }
.LBB2_2:
0x11: {  	p0 =	sne.s32 s21, $0x7F00;
	[tilespmem:s20+$0xBD30] =	vst v0;
	s22 =	smov.u32 s21;
	s21 =	sadd.s32 $0x100, s21  }
.Ltmp0:
0x12: {  	[tilespmem:s20+$0xBD20] =	vst v0;
	(pc) =	sbr.rel @p0 .LBB2_2-.Ltmp0, $3  }
0x13: {  	[tilespmem:s20+$0xBD00] =	vst v0  }
0x14: {  	[tilespmem:s20+$0xBD10] =	vst v0;
	_ =	sdelay $0x1  }
0x15: {  	s20 =	sshra.s32 s22, $0x2  }
0x16: {  	[tilespmem:s20+$0xBD30] =	vst v0  }
0x17: {  	[tilespmem:s20+$0xBD20] =	vst v0  }
0x18: {  	[tilespmem:s20+$0xBD00] =	vst v0  }
0x19: {  	[tilespmem:s20+$0xBD10] =	vst v0  }
0x1a: {  	[spmem:s5] =	stream.linear.scatter [tilespmem:s14], [sflag:$0x2], $0x2000, $0x38;
	[tilespmem:$0x17D00] =	vst v63  }
0x1b: {  	_ =	swait.ge [sflag:s15], $0x2000  }
0x1c: {  	[sflag:s15] =	ssyncset.done $0x0  }
0x1d: {  	[sflag:s15] =	ssyncadd.s32 $0xFFFFE000  }
0x1e: {  	[spmem:s6] =	stream.linear.scatter [tilespmem:s14], [sflag:$0x2], $0x2000, $0x38;
	[tilespmem:$0x17D00] =	vst v63  }
0x1f: {  	_ =	swait.ge [sflag:s15], $0x2000  }
0x20: {  	[sflag:s15] =	ssyncset.done $0x0  }
0x21: {  	[sflag:s15] =	ssyncadd.s32 $0xFFFFE000  }
0x22: {  	[spmem:s7] =	stream.linear.scatter [tilespmem:s14], [sflag:$0x2], $0x2000, $0x38;
	[tilespmem:$0x17D00] =	vst v63  }
0x23: {  	_ =	swait.ge [sflag:s15], $0x2000  }
0x24: {  	[sflag:s15] =	ssyncset.done $0x0  }
0x25: {  	[sflag:s15] =	ssyncadd.s32 $0xFFFFE000  }
0x26: {  	[spmem:s8] =	stream.linear.scatter [tilespmem:s14], [sflag:$0x2], $0x2000, $0x38;
	[tilespmem:$0x17D00] =	vst v63  }
0x27: {  	_ =	swait.ge [sflag:s15], $0x2000  }
0x28: {  	[sflag:s15] =	ssyncset.done $0x0  }
0x29: {  	[sflag:s15] =	ssyncadd.s32 $0xFFFFE000  }
0x2a: {  	[spmem:s9] =	stream.linear.scatter [tilespmem:s14], [sflag:$0x2], $0x2000, $0x38;
	[tilespmem:$0x17D00] =	vst v63  }
0x2b: {  	_ =	swait.ge [sflag:s15], $0x2000  }
0x2c: {  	[sflag:s15] =	ssyncset.done $0x0  }
0x2d: {  	s29 =	simm.s32 $0x0;
	[sflag:s15] =	ssyncadd.s32 $0xFFFFE000  }
0x2e: {  	[tilespmem:s29], [sflag:$0x2] =	stream.linear.gather [hbm4b:s10+s29], $0x4E80, $0x38;
	[tilespmem:$0x17D00] =	vst v63  }
0x2f: {  	_ =	swait.ge [sflag:s15], $0x4E80  }
0x30: {  	[sflag:s15] =	ssyncset.done $0x0  }
0x31: {  	[sflag:s15] =	ssyncadd.s32 $0xFFFFB180  }
0x32: {  	[tilespmem:s16], [sflag:$0x2] =	stream.linear.gather [hbm4b:s11+s29], $0x4E80, $0x38;
	[tilespmem:$0x17D00] =	vst v63  }
0x33: {  	_ =	swait.ge [sflag:s15], $0x4E80  }
0x34: {  	[sflag:s15] =	ssyncset.done $0x0  }
0x35: {  	[sflag:s15] =	ssyncadd.s32 $0xFFFFB180  }
0x36: {  	s30 =	simm.s32 $0x0;
	[bflag:$0x0] =	sbarrier.arrive $0xFFFF  }
0x37: {  	[tilespmem:s18], [sflag:$0x1] =	stream.indirect.gather [hbm4b:s4+s17], $0x40, s30, s17, $0xb8;
	[tilespmem:$0x17D00] =	vst v63  }
0x38: {  	_ =	swait.ge [sflag:s19], $0x2000  }
0x39: {  	[sflag:s19] =	ssyncset.done $0x0  }
0x3a: {  	s31 =	simm.s32 $0x4E80;
	[sflag:s19] =	ssyncadd.s32 $0xFFFFE000  }
0x3b: {  	[spmem:s2] =	stream.indirect.scatter.add.f32 [tilespmem:s18], [sflag:$0x2], $0x40, s31, s17, $0xb8;
	[tilespmem:$0x17D00] =	vst v63  }
0x3c: {  	_ =	swait.ge [sflag:s15], $0x2000  }
0x3d: {  	s20 =	simm.s32 $0x200;
	s21 =	simm.s32 $0x400;
	[sflag:s15] =	ssyncset.done $0x0  }
.LBB2_4:
0x3e: {  	s22 =	sshra.s32 s20, $0x2  }
0x3f: {  	[sflag:s15] =	ssyncadd.s32 $0xFFFFE000;
	s20 =	smov.u32 s21;
	s23 =	sadd.s32 $0x200, s21  }
0x40: {  	[tilespmem:s18], [sflag:$0x1] =	stream.indirect.gather [hbm4b:s4+s17], $0x40, s22, s17, $0xb8;
	[tilespmem:$0x17D00] =	vst v63  }
0x41: {  	p0 =	sne.s32 s21, $0x13800;
	_ =	swait.ge [sflag:s19], $0x2000  }
.Ltmp1:
0x42: {  	[sflag:s19] =	ssyncset.done $0x0;
	(pc) =	sbr.rel @p0 .LBB2_4-.Ltmp1, $4  }
0x43: {  	s21 =	sadd.s32 $0x4E80, s22;
	[sflag:s19] =	ssyncadd.s32 $0xFFFFE000  }
0x44: {  	[spmem:s2] =	stream.indirect.scatter.add.f32 [tilespmem:s18], [sflag:$0x2], $0x40, s21, s17, $0xb8;
	[tilespmem:$0x17D00] =	vst v63  }
0x45: {  	_ =	swait.ge [sflag:s15], $0x2000  }
0x46: {  	s21 =	smov.u32 s23;
	[sflag:s15] =	ssyncset.done $0x0  }
0x47: {  	s20 =	sshra.s32 s20, $0x2;
	[sflag:s15] =	ssyncadd.s32 $0xFFFFE000  }
0x48: {  	[tilespmem:s18], [sflag:$0x1] =	stream.indirect.gather [hbm4b:s4+s17], $0x40, s20, s17, $0xb8;
	[tilespmem:$0x17D00] =	vst v63  }
0x49: {  	_ =	swait.ge [sflag:s19], $0x2000  }
0x4a: {  	[sflag:s19] =	ssyncset.done $0x0  }
0x4b: {  	s20 =	sadd.s32 $0x4E80, s20;
	[sflag:s19] =	ssyncadd.s32 $0xFFFFE000  }
0x4c: {  	[spmem:s2] =	stream.indirect.scatter.add.f32 [tilespmem:s18], [sflag:$0x2], $0x40, s20, s17, $0xb8;
	[tilespmem:$0x17D00] =	vst v63  }
0x4d: {  	_ =	swait.ge [sflag:s15], $0x2000  }
0x4e: {  	s31 =	sshll.u32 s0, $0x6;
	s3 =	sadd.s32 $0x1, s3;
	[sflag:s15] =	ssyncset.done $0x0  }
0x4f: {  	s21 =	sshrl.u32 s5, $0x3;
	p0 =	sne.s32 s3, s13;
	[sflag:s15] =	ssyncadd.s32 $0xFFFFE000  }
.Ltmp2:
0x50: {  	s20 =	sor.u32 $0x1C02, s31;
	[bflag:$0x0] =	sbarrier.arrive $0xFFFF;
	(pc) =	sbr.rel @p0 .LBB2_1-.Ltmp2, $4  }
0x51: {  	[hbm:s12], [sflag:s20] =	dma.local [spmem:s21], $0x1400  }
0x52: {  	_ =	swait.ge [sflag:s15], $0x1400  }
0x53: {  	[sflag:s15] =	ssyncset.done $0x0  }
0x54: {  	[sflag:s15] =	ssyncadd.s32 $0xFFFFEC00  }
0x55: {  	_ =	sfence.sel $0x180000  }
0x56: {  	[bflag:$0x0] =	sbarrier.arrive $0xFFFF  }
0x57: {  	p0 =	sne.s32 s0, $0x0;
	_ =	strace $0x90000050  }
0x58: {  	s0 =	sadd.s32 @!p0 $0x100000, s1;
	[bflag:$0x2] =	sbarrier.arrive $0xFFFF  }
0x59: {  	[sflag:s0] =	ssyncadd.tile.s32 @!p0 $0x1;
	_ =	shalt  }
.Lfunc_end2:
_tile_overlayer_lowered:
.L_overlay_start_2:
0x5a: {  	(tag) =	ssettag $0x2  }
0x5b: {  	s0 =	rddreg [dreg:$0x0];
	s2 =	stileid.u32  }
0x5c: {  	s1 =	rddreg [dreg:$0x1];
	p0 =	sne.s32 s2, $0x0  }
0x5d: {  	s3 =	rddreg [dreg:$0x2];
	[bflag:$0x3] =	sbarrier.arrive $0xFFFF;
	s2 =	simm.s32 @!p0 $0x1C02  }
0x5e: {  	[timem:s3], [sflag:s2] =	dma.local @!p0 [hbm:s0], s1  }
0x5f: {  	s0 =	simm.s32 @!p0 $0x2  }
0x60: {  	_ =	swait.ge @!p0 [sflag:s0], s1  }
0x61: {  	s1 =	ssub.s32 @!p0 $0x0, s1;
	[sflag:s0] =	ssyncset.done @!p0 $0x0  }
0x62: {  	[sflag:s0] =	ssyncadd.s32 @!p0 s1  }
0x63: {  	[bflag:$0x3] =	sbarrier.arrive $0xFFFF  }
0x64: {  	_ =	shalt  }

// kernel: kernel.26.cloned.1.call-start
scs
__scs_entry_jumppad:
0x0: {  	(pc) =	sbr.rel $0x88, $3  }
0x1: {  	(tag) =	ssettag $0x0;
	lr =	simm.s32 $0x1  }
0x2: {  	[smem:$0x3F8F] =	sst lr;
	_ =	strace $0xD0000000  }
0x3: {  	_ = 	snop  }
0x4: {  	_ = 	snop  }
0x5: {  	_ = 	snop  }
0x6: {  	_ = 	snop  }
0x7: {  	_ = 	snop  }
__scs_overlays_trampoline_lowered:
0x8: {  	[smem:$0x3F9E] =	sst s0  }
0x9: {  	[smem:$0x3F9F] =	sst s1  }
0xa: {  	[smem:$0x3FA0] =	sst s2  }
0xb: {  	[smem:$0x3FA1] =	sst s3  }
0xc: {  	[smem:$0x3FA2] =	sst s4  }
0xd: {  	[smem:$0x3FA3] =	sst s5  }
0xe: {  	[smem:$0x3FA4] =	sst s6  }
0xf: {  	[smem:$0x3FA5] =	sst s7  }
0x10: {  	[smem:$0x3FA6] =	sst s8  }
0x11: {  	[smem:$0x3FA7] =	sst s9;
	s0 =	simm.s32 @!p0 $0x0  }
0x12: {  	s1 =	sld [smem:$0x3F8D];
	s0 =	simm.s32 @p0 $0x1  }
0x13: {  	[smem:$0x3FA8] =	sst s0;
	s0 =	simm.s32 @!p1 $0x0  }
0x14: {  	s2 =	sld [smem:$0x3F8C];
	s0 =	simm.s32 @p1 $0x1  }
0x15: {  	[smem:$0x3FA9] =	sst s0;
	s0 =	simm.s32 @!p2 $0x0  }
0x16: {  	s3 =	sld [smem:$0x3FDB];
	s0 =	simm.s32 @p2 $0x1  }
0x17: {  	s4 =	simm.s32 $0x1BF5;
	[smem:$0x3FAB] =	sst s0  }
0x18: {  	s0 =	sld [smem:$0x3F8E];
	_ =	swait.ge [sflag:s4], $0x0  }
0x19: {  	s7 =	sld [smem:$0x3F8F]  }
0x1a: {  	s8 =	sadd.s32 $0xFFFFE003, lr  }
0x1b: {  	s9 =	sadd.s32 $0xFFFFFEF7, lr;
	s5 =	simm.s32 $0xFFFFFFFF;
	p2 =	slt.u32 s8, $0xFFFFF086  }
0x1c: {  	p1 =	slt.u32 s9, $0xF7A;
	s5 =	simm.s32 @!p2 $0x0  }
0x1d: {  	s5 =	simm.s32 @p1 $0x1;
	p0 =	seq.s32 s7, s2  }
0x1e: {  	s7 =	smul.u32 @!p0 $0xF7A, s2;
	p2 =	seq.s32 @!p0 s5, $0x0  }
0x1f: {  	s9 =	smul.u32 $0xF7A, s1;
	s8 =	simm.s32 @!p0 $0x1BF5;
	p2 =	por !p2, p0  }
0x20: {  	[sflag:s8] =	ssyncset.s32 @!p0 $0xFFFFF086;
	s6 =	sadd.s32 @!p0 s3, s7;
	s7 =	simm.s32 @!p0 $0x108  }
0x21: {  	s3 =	sadd.s32 s3, s9;
	s6 =	sadd.s32 @!p0 $0x88, s6;
	s7 =	simm.s32 @p2 $0x1082  }
0x22: {  	[simem:s7], [sflag:s8] =	dma.local @!p0 [hbm:s6], $0xF7A  }
0x23: {  	s9 =	sor.u32 $0xD0000000, s2;
	s6 =	simm.s32 $0x108;
	_ =	swait.ge @!p0 [sflag:s8], $0x0  }
0x24: {  	s3 =	sadd.s32 $0x88, s3;
	s6 =	simm.s32 @!p1 $0x1082;
	[sflag:s4] =	ssyncset.s32 $0xFFFFF086  }
0x25: {  	[simem:s6], [sflag:s4] =	dma.local [hbm:s3], $0xF7A  }
0x26: {  	[smem:$0x3F8F] =	sst s1;
	(tag) =	ssettag s2;
	_ =	strace s9  }
0x27: {  	s1 =	sld [smem:$0x3F9F]  }
0x28: {  	s2 =	sld [smem:$0x3FA0]  }
0x29: {  	s4 =	sld [smem:$0x3FA2]  }
0x2a: {  	p0 =	seq.s32 s5, $0x0;
	s5 =	sld [smem:$0x3FA3]  }
0x2b: {  	s6 =	sld [smem:$0x3FA4]  }
0x2c: {  	s7 =	sld [smem:$0x3FA5]  }
0x2d: {  	s3 =	simm.s32 $0x108;
	s8 =	sld [smem:$0x3FA6]  }
0x2e: {  	s3 =	simm.s32 @!p0 $0x1082;
	s9 =	sld [smem:$0x3FA7]  }
0x2f: {  	lr =	sadd.s32 s0, s3;
	s0 =	sld [smem:$0x3F9E]  }
0x30: {  	s3 =	sld [smem:$0x3FA1]  }
0x31: {  	[smem:$0x3FAA] =	sst s10  }
0x32: {  	s10 =	sld [smem:$0x3FA8];
	_ =	sdelay $0x3  }
0x33: {  	p0 =	seq.s32 s10, $0x1;
	s10 =	sld [smem:$0x3FAA];
	_ =	sdelay $0x3  }
0x34: {  	[smem:$0x3FAA] =	sst s10  }
0x35: {  	s10 =	sld [smem:$0x3FA9];
	_ =	sdelay $0x3  }
0x36: {  	p1 =	seq.s32 s10, $0x1;
	s10 =	sld [smem:$0x3FAA];
	_ =	sdelay $0x3  }
0x37: {  	[smem:$0x3FAA] =	sst s10  }
0x38: {  	s10 =	sld [smem:$0x3FAB]  }
0x39: {  	_ = 	snop;
	(pc) =	sbr.ind lr, $3  }
0x3a: {  	_ = 	snop  }
0x3b: {  	_ = 	snop  }
0x3c: {  	p2 =	seq.s32 s10, $0x1;
	s10 =	sld [smem:$0x3FAA]  }
0x3d: {  	_ =	shalt  }
0x3e: {  	_ =	shalt  }
0x3f: {  	_ =	shalt  }
0x40: {  	_ =	shalt  }
0x41: {  	_ =	shalt  }
0x42: {  	_ =	shalt  }
0x43: {  	_ =	shalt  }
0x44: {  	_ =	shalt  }
0x45: {  	_ =	shalt  }
0x46: {  	_ =	shalt  }
0x47: {  	_ =	shalt  }
0x48: {  	_ =	shalt  }
0x49: {  	_ =	shalt  }
0x4a: {  	_ =	shalt  }
0x4b: {  	_ =	shalt  }
0x4c: {  	_ =	shalt  }
0x4d: {  	_ =	shalt  }
0x4e: {  	_ =	shalt  }
0x4f: {  	_ =	shalt  }
0x50: {  	_ =	shalt  }
0x51: {  	_ =	shalt  }
0x52: {  	_ =	shalt  }
0x53: {  	_ =	shalt  }
0x54: {  	_ =	shalt  }
0x55: {  	_ =	shalt  }
0x56: {  	_ =	shalt  }
0x57: {  	_ =	shalt  }
0x58: {  	_ =	shalt  }
0x59: {  	_ =	shalt  }
0x5a: {  	_ =	shalt  }
0x5b: {  	_ =	shalt  }
0x5c: {  	_ =	shalt  }
0x5d: {  	_ =	shalt  }
0x5e: {  	_ =	shalt  }
0x5f: {  	_ =	shalt  }
0x60: {  	_ =	shalt  }
0x61: {  	_ =	shalt  }
0x62: {  	_ =	shalt  }
0x63: {  	_ =	shalt  }
0x64: {  	_ =	shalt  }
0x65: {  	_ =	shalt  }
0x66: {  	_ =	shalt  }
0x67: {  	_ =	shalt  }
0x68: {  	_ =	shalt  }
0x69: {  	_ =	shalt  }
0x6a: {  	_ =	shalt  }
0x6b: {  	_ =	shalt  }
0x6c: {  	_ =	shalt  }
0x6d: {  	_ =	shalt  }
0x6e: {  	_ =	shalt  }
0x6f: {  	_ =	shalt  }
0x70: {  	_ =	shalt  }
0x71: {  	_ =	shalt  }
0x72: {  	_ =	shalt  }
0x73: {  	_ =	shalt  }
0x74: {  	_ =	shalt  }
0x75: {  	_ =	shalt  }
0x76: {  	_ =	shalt  }
0x77: {  	_ =	shalt  }
0x78: {  	_ =	shalt  }
0x79: {  	_ =	shalt  }
0x7a: {  	_ =	shalt  }
0x7b: {  	_ =	shalt  }
0x7c: {  	_ =	shalt  }
0x7d: {  	_ =	shalt  }
0x7e: {  	_ =	shalt  }
0x7f: {  	_ =	shalt  }
0x80: {  	_ =	shalt  }
0x81: {  	_ =	shalt  }
0x82: {  	_ =	shalt  }
0x83: {  	_ =	shalt  }
0x84: {  	_ =	shalt  }
0x85: {  	_ =	shalt  }
0x86: {  	_ =	shalt  }
0x87: {  	_ =	shalt  }
.Lfunc_end0:
.L_simem_size_0:
called_computation.4_lowered:
.L_overlay_start_0:
0x88: {  	s2 =	sld [smem:$0x3FD9]  }
0x89: {  	s3 =	sld [smem:$0x3FFE];
	_ =	sdelay $0x1  }
0x8a: {  	s1 =	srdreg.scid  }
0x8b: {  	s0 =	sand.u32 $0x1, s1  }
0x8c: {  	s16 =	sshll.u32 s0, $0xA;
	s2 =	sadd.s32 s3, s2  }
0x8d: {  	s2 =	sadd.s32 s2, s16  }
0x8e: {  	[smem:$0x3FB6] =	sst s2  }
0x8f: {  	_ = 	snop  }
0x90: {  	(tm) =	ssettm $0x1  }
0x91: {  	s17 =	sld [smem:$0x3FFB];
	_ =	sdelay $0x3  }
0x92: {  	_ =	strace s17  }
0x93: {  	s2 =	sld [smem:$0x3FFC];
	_ =	sdelay $0x3  }
0x94: {  	_ =	strace s2  }
0x95: {  	s2 =	sld [smem:$0x3FFD];
	_ =	sdelay $0x3  }
0x96: {  	_ =	strace s2  }
0x97: {  	_ =	strace $0x8FFFFFFF  }
0x98: {  	s18 =	sld [smem:$0x3FDB];
	_ =	sdelay $0x1  }
0x99: {  	s19 =	simm.s32 $_scs_section_size  }
0x9a: {  	s4 =	simm.s32 $_size__tile_overlayer_lowered;
	s5 =	simm.s32 $_tile_overlayer_lowered  }
0x9b: {  	s22 =	simm.s32 $0x1BFF;
	s21 =	sshll.u32 s5, $0x1;
	s2 =	sadd.s32 s19, s18  }
0x9c: {  	s6 =	simm.s32 $0x0;
	s20 =	sshll.u32 s4, $0x1;
	s4 =	sadd.s32 s21, s2  }
0x9d: {  	[timem:s6], [sflag:s22] =	dma.local [hbm:s4], s20  }
0x9e: {  	_ =	swait.ge [sflag:s22], s20  }
0x9f: {  	s3 =	ssub.s32 $0x0, s20;
	[sflag:s22] =	ssyncset.done $0x0  }
0xa0: {  	[sflag:s22] =	ssyncadd.s32 s3;
	_ =	sdelay $0x1  }
0xa1: {  	s23 =	simm.s32 $0x1B8B  }
0xa2: {  	_ =	swait.ge [sflag:s23], $0x1  }
0xa3: {  	[sflag:s23] =	ssyncset.done $0x0  }
0xa4: {  	s25 =	simm.s32 $0x1B8E;
	s24 =	sld [smem:$0x3FFE];
	[sflag:s23] =	ssyncadd.s32 $0xFFFFFFFF  }
0xa5: {  	s26 =	simm.s32 $execute0_lowered;
	[smem:$0x3FD2] =	sst s25  }
0xa6: {  	s4 =	sshll.u32 s26, $0x1;
	_ =	strace $0x80000052;
	[dreg:$0x1] =	wrdreg $0xFFFFFFFF  }
0xa7: {  	s28 =	simm.s32 $_size_execute0_lowered;
	s2 =	sadd.s32 s2, s4;
	[dreg:$0x0] =	wrdreg $0x0  }
0xa8: {  	s4 =	sshll.u32 s28, $0x1;
	[dreg:$0x2] =	wrdreg s2  }
0xa9: {  	[dreg:$0x3] =	wrdreg s4  }
0xaa: {  	[dreg:$0x4] =	wrdreg $0xC0  }
0xab: {  	_ =	task [dreg:s6], $0x5FFFF  }
0xac: {  	[dreg:$0x1] =	wrdreg $0xFFFFFFFF  }
0xad: {  	[dreg:$0x0] =	wrdreg $0x60  }
0xae: {  	[dreg:$0x2] =	wrdreg s24  }
0xaf: {  	[dreg:$0x3] =	wrdreg $0xDD000  }
0xb0: {  	[dreg:$0x4] =	wrdreg $0x9  }
0xb1: {  	_ =	task.clear_ibuf [dreg:s6], $0x5FFFF;
	_ =	strace $0x90000052  }
0xb2: {  	s29 =	simm.s32 $0x9;
	_ =	strace $0x80000054  }
0xb3: {  	_ =	swait.ge [sflag:s29], $0x1  }
0xb4: {  	[sflag:s29] =	ssyncadd.s32 $0xFFFFFFFF  }
0xb5: {  	_ =	strace $0x90000054  }
0xb6: {  	_ =	sfence  }
0xb7: {  	s30 =	sld [smem:$0x0];
	_ =	sdelay $0x2  }
0xb8: {  	s31 =	sshll.u32 s1, $0xD;
	s1 =	sshrl.u32 s1, $0x2  }
0xb9: {  	s3 =	sand.u32 $0x4000, s31;
	s1 =	sadd.s32 s1, s30  }
0xba: {  	s0 =	sor.u32 s3, s0;
	s1 =	sshll.u32 s1, $0x11  }
0xbb: {  	s0 =	sor.u32 s1, s0  }
0xbc: {  	s0 =	sadd.s32 $0x8F2B, s0  }
0xbd: {  	[sflag:s0] =	ssyncadd.remote.s32 $0x1  }
0xbe: {  	_ =	sfence.sel $0xFFFF  }
0xbf: {  	[dreg:$0x0] =	wrdreg $0xFFFFFFFF;
	(pc) =	sbr.abs _section_cstart, $3  }
0xc0: {  	[dreg:$0x1] =	wrdreg $0xFFFFFFFF  }
0xc1: {  	_ =	task.clear_ibuf [dreg:s6], $0x2FFFF;
	_ =	strace $0x9FFFFFFF  }
0xc2: {  	(tm) =	ssettm $0x7FFFFFFF  }
0xc3: {  	_ =	shalt  }
tec
execute0_lowered:
.L_overlay_start_1:
0x0: {  	(tag) =	ssettag $0x1  }
0x1: {  	s5 =	rddreg [dreg:$0x0];
	s1 =	srdreg.scid  }
0x2: {  	s0 =	stileid.u32;
	s2 =	rddreg [dreg:$0x1]  }
0x3: {  	s3 =	simm.s32 $0x0;
	s15 =	simm.s32 $0x2;
	s7 =	smul.u32 $0x4E80, s0  }
0x4: {  	s16 =	simm.s32 $0x4E80;
	s17 =	simm.s32 $0x80;
	s9 =	smul.u32 $0xA000, s0  }
0x5: {  	s18 =	simm.s32 $0x9D00;
	s6 =	sand.u32 $0x1, s1;
	s28 =	smul.u32 $0x28000, s0  }
0x6: {  	s19 =	simm.s32 $0x1;
	s1 =	rddreg [dreg:$0x2];
	s4 =	smul.u32 $0x4E800, s6  }
0x7: {  	[smem:$0x7FF] =	sst s3;
	s10 =	smul.u32 $0xA0000, s6;
	s6 =	ssub.s32 $0x2, s6  }
0x8: {  	_ =	strace $0x80000053;
	s30 =	sshrl.u32 s6, $0x1;
	s8 =	sadd.s32 s7, s4  }
0x9: {  	s4 =	sadd.s32 $0x35000, s5;
	s7 =	sshrl.u32 s7, $0x3;
	s29 =	sadd.s32 s9, s10  }
0xa: {  	s14 =	ssub.s32 s6, s30;
	s8 =	sshrl.u32 s8, $0x3;
	s12 =	sadd.s32 s7, s5  }
0xb: {  	s7 =	sshrl.u32 s29, $0x3;
	s11 =	sadd.s32 s8, s5;
	s8 =	sshrl.u32 s28, $0x2  }
0xc: {  	s13 =	sadd.s32 s7, s5;
	s5 =	sadd.s32 s9, s2;
	s31 =	sadd.s32 s8, s2  }
0xd: {  	s10 =	sadd.s32 $0x21600, s11;
	s11 =	sadd.s32 $0x17800, s12;
	s12 =	sadd.s32 $0x5D000, s13  }
0xe: {  	s13 =	smax.u32 s14, $0x1;
	s14 =	simm.s32 $0xBD00;
	s6 =	sadd.s32 $0x2000, s31  }
0xf: {  	v0 =	vimm.f32 $0.0e+00;
	s7 =	sadd.s32 $0x4000, s31;
	s8 =	sadd.s32 $0x6000, s31;
	s9 =	sadd.s32 $0x8000, s31  }
.LBB2_1:
0x10: {  	s21 =	simm.s32 $0x100;
	s20 =	simm.s32 $0x0  }
.LBB2_2:
0x11: {  	p0 =	sne.s32 s21, $0x7F00;
	[tilespmem:s20+$0xBD30] =	vst v0;
	s22 =	smov.u32 s21;
	s21 =	sadd.s32 $0x100, s21  }
.Ltmp0:
0x12: {  	[tilespmem:s20+$0xBD20] =	vst v0;
	(pc) =	sbr.rel @p0 .LBB2_2-.Ltmp0, $3  }
0x13: {  	[tilespmem:s20+$0xBD00] =	vst v0  }
0x14: {  	[tilespmem:s20+$0xBD10] =	vst v0;
	_ =	sdelay $0x1  }
0x15: {  	s20 =	sshra.s32 s22, $0x2  }
0x16: {  	[tilespmem:s20+$0xBD30] =	vst v0  }
0x17: {  	[tilespmem:s20+$0xBD20] =	vst v0  }
0x18: {  	[tilespmem:s20+$0xBD00] =	vst v0  }
0x19: {  	[tilespmem:s20+$0xBD10] =	vst v0  }
0x1a: {  	[spmem:s5] =	stream.linear.scatter [tilespmem:s14], [sflag:$0x2], $0x2000, $0x38;
	[tilespmem:$0x17D00] =	vst v63  }
0x1b: {  	_ =	swait.ge [sflag:s15], $0x2000  }
0x1c: {  	[sflag:s15] =	ssyncset.done $0x0  }
0x1d: {  	[sflag:s15] =	ssyncadd.s32 $0xFFFFE000  }
0x1e: {  	[spmem:s6] =	stream.linear.scatter [tilespmem:s14], [sflag:$0x2], $0x2000, $0x38;
	[tilespmem:$0x17D00] =	vst v63  }
0x1f: {  	_ =	swait.ge [sflag:s15], $0x2000  }
0x20: {  	[sflag:s15] =	ssyncset.done $0x0  }
0x21: {  	[sflag:s15] =	ssyncadd.s32 $0xFFFFE000  }
0x22: {  	[spmem:s7] =	stream.linear.scatter [tilespmem:s14], [sflag:$0x2], $0x2000, $0x38;
	[tilespmem:$0x17D00] =	vst v63  }
0x23: {  	_ =	swait.ge [sflag:s15], $0x2000  }
0x24: {  	[sflag:s15] =	ssyncset.done $0x0  }
0x25: {  	[sflag:s15] =	ssyncadd.s32 $0xFFFFE000  }
0x26: {  	[spmem:s8] =	stream.linear.scatter [tilespmem:s14], [sflag:$0x2], $0x2000, $0x38;
	[tilespmem:$0x17D00] =	vst v63  }
0x27: {  	_ =	swait.ge [sflag:s15], $0x2000  }
0x28: {  	[sflag:s15] =	ssyncset.done $0x0  }
0x29: {  	[sflag:s15] =	ssyncadd.s32 $0xFFFFE000  }
0x2a: {  	[spmem:s9] =	stream.linear.scatter [tilespmem:s14], [sflag:$0x2], $0x2000, $0x38;
	[tilespmem:$0x17D00] =	vst v63  }
0x2b: {  	_ =	swait.ge [sflag:s15], $0x2000  }
0x2c: {  	[sflag:s15] =	ssyncset.done $0x0  }
0x2d: {  	s29 =	simm.s32 $0x0;
	[sflag:s15] =	ssyncadd.s32 $0xFFFFE000  }
0x2e: {  	[tilespmem:s29], [sflag:$0x2] =	stream.linear.gather [hbm4b:s10+s29], $0x4E80, $0x38;
	[tilespmem:$0x17D00] =	vst v63  }
0x2f: {  	_ =	swait.ge [sflag:s15], $0x4E80  }
0x30: {  	[sflag:s15] =	ssyncset.done $0x0  }
0x31: {  	[sflag:s15] =	ssyncadd.s32 $0xFFFFB180  }
0x32: {  	[tilespmem:s16], [sflag:$0x2] =	stream.linear.gather [hbm4b:s11+s29], $0x4E80, $0x38;
	[tilespmem:$0x17D00] =	vst v63  }
0x33: {  	_ =	swait.ge [sflag:s15], $0x4E80  }
0x34: {  	[sflag:s15] =	ssyncset.done $0x0  }
0x35: {  	[sflag:s15] =	ssyncadd.s32 $0xFFFFB180  }
0x36: {  	s30 =	simm.s32 $0x0;
	[bflag:$0x0] =	sbarrier.arrive $0xFFFF  }
0x37: {  	[tilespmem:s18], [sflag:$0x1] =	stream.indirect.gather [hbm4b:s4+s17], $0x40, s30, s17, $0xb8;
	[tilespmem:$0x17D00] =	vst v63  }
0x38: {  	_ =	swait.ge [sflag:s19], $0x2000  }
0x39: {  	[sflag:s19] =	ssyncset.done $0x0  }
0x3a: {  	s31 =	simm.s32 $0x4E80;
	[sflag:s19] =	ssyncadd.s32 $0xFFFFE000  }
0x3b: {  	[spmem:s2] =	stream.indirect.scatter.add.f32 [tilespmem:s18], [sflag:$0x2], $0x40, s31, s17, $0xb8;
	[tilespmem:$0x17D00] =	vst v63  }
0x3c: {  	_ =	swait.ge [sflag:s15], $0x2000  }
0x3d: {  	s20 =	simm.s32 $0x200;
	s21 =	simm.s32 $0x400;
	[sflag:s15] =	ssyncset.done $0x0  }
.LBB2_4:
0x3e: {  	s22 =	sshra.s32 s20, $0x2  }
0x3f: {  	[sflag:s15] =	ssyncadd.s32 $0xFFFFE000;
	s20 =	smov.u32 s21;
	s23 =	sadd.s32 $0x200, s21  }
0x40: {  	[tilespmem:s18], [sflag:$0x1] =	stream.indirect.gather [hbm4b:s4+s17], $0x40, s22, s17, $0xb8;
	[tilespmem:$0x17D00] =	vst v63  }
0x41: {  	p0 =	sne.s32 s21, $0x13800;
	_ =	swait.ge [sflag:s19], $0x2000  }
.Ltmp1:
0x42: {  	[sflag:s19] =	ssyncset.done $0x0;
	(pc) =	sbr.rel @p0 .LBB2_4-.Ltmp1, $4  }
0x43: {  	s21 =	sadd.s32 $0x4E80, s22;
	[sflag:s19] =	ssyncadd.s32 $0xFFFFE000  }
0x44: {  	[spmem:s2] =	stream.indirect.scatter.add.f32 [tilespmem:s18], [sflag:$0x2], $0x40, s21, s17, $0xb8;
	[tilespmem:$0x17D00] =	vst v63  }
0x45: {  	_ =	swait.ge [sflag:s15], $0x2000  }
0x46: {  	s21 =	smov.u32 s23;
	[sflag:s15] =	ssyncset.done $0x0  }
0x47: {  	s20 =	sshra.s32 s20, $0x2;
	[sflag:s15] =	ssyncadd.s32 $0xFFFFE000  }
0x48: {  	[tilespmem:s18], [sflag:$0x1] =	stream.indirect.gather [hbm4b:s4+s17], $0x40, s20, s17, $0xb8;
	[tilespmem:$0x17D00] =	vst v63  }
0x49: {  	_ =	swait.ge [sflag:s19], $0x2000  }
0x4a: {  	[sflag:s19] =	ssyncset.done $0x0  }
0x4b: {  	s20 =	sadd.s32 $0x4E80, s20;
	[sflag:s19] =	ssyncadd.s32 $0xFFFFE000  }
0x4c: {  	[spmem:s2] =	stream.indirect.scatter.add.f32 [tilespmem:s18], [sflag:$0x2], $0x40, s20, s17, $0xb8;
	[tilespmem:$0x17D00] =	vst v63  }
0x4d: {  	_ =	swait.ge [sflag:s15], $0x2000  }
0x4e: {  	s31 =	sshll.u32 s0, $0x6;
	s3 =	sadd.s32 $0x1, s3;
	[sflag:s15] =	ssyncset.done $0x0  }
0x4f: {  	s21 =	sshrl.u32 s5, $0x3;
	p0 =	sne.s32 s3, s13;
	[sflag:s15] =	ssyncadd.s32 $0xFFFFE000  }
.Ltmp2:
0x50: {  	s20 =	sor.u32 $0x1C02, s31;
	[bflag:$0x0] =	sbarrier.arrive $0xFFFF;
	(pc) =	sbr.rel @p0 .LBB2_1-.Ltmp2, $4  }
0x51: {  	[hbm:s12], [sflag:s20] =	dma.local [spmem:s21], $0x1400  }
0x52: {  	_ =	swait.ge [sflag:s15], $0x1400  }
0x53: {  	[sflag:s15] =	ssyncset.done $0x0  }
0x54: {  	[sflag:s15] =	ssyncadd.s32 $0xFFFFEC00  }
0x55: {  	_ =	sfence.sel $0x180000  }
0x56: {  	[bflag:$0x0] =	sbarrier.arrive $0xFFFF  }
0x57: {  	p0 =	sne.s32 s0, $0x0;
	_ =	strace $0x90000053  }
0x58: {  	s0 =	sadd.s32 @!p0 $0x100000, s1;
	[bflag:$0x2] =	sbarrier.arrive $0xFFFF  }
0x59: {  	[sflag:s0] =	ssyncadd.tile.s32 @!p0 $0x1;
	_ =	shalt  }
.Lfunc_end2:
_tile_overlayer_lowered:
.L_overlay_start_2:
0x5a: {  	(tag) =	ssettag $0x2  }
0x5b: {  	s0 =	rddreg [dreg:$0x0];
	s2 =	stileid.u32  }
0x5c: {  	s1 =	rddreg [dreg:$0x1];
	p0 =	sne.s32 s2, $0x0  }
0x5d: {  	s3 =	rddreg [dreg:$0x2];
	[bflag:$0x3] =	sbarrier.arrive $0xFFFF;
	s2 =	simm.s32 @!p0 $0x1C02  }
0x5e: {  	[timem:s3], [sflag:s2] =	dma.local @!p0 [hbm:s0], s1  }
0x5f: {  	s0 =	simm.s32 @!p0 $0x2  }
0x60: {  	_ =	swait.ge @!p0 [sflag:s0], s1  }
0x61: {  	s1 =	ssub.s32 @!p0 $0x0, s1;
	[sflag:s0] =	ssyncset.done @!p0 $0x0  }
0x62: {  	[sflag:s0] =	ssyncadd.s32 @!p0 s1  }
0x63: {  	[bflag:$0x3] =	sbarrier.arrive $0xFFFF  }
0x64: {  	_ =	shalt  }

// kernel: kernel.29.cloned.1.call-start
scs
__scs_entry_jumppad:
0x0: {  	(pc) =	sbr.rel $0x88, $3  }
0x1: {  	(tag) =	ssettag $0x0;
	lr =	simm.s32 $0x1  }
0x2: {  	[smem:$0x3F8F] =	sst lr;
	_ =	strace $0xD0000000  }
0x3: {  	_ = 	snop  }
0x4: {  	_ = 	snop  }
0x5: {  	_ = 	snop  }
0x6: {  	_ = 	snop  }
0x7: {  	_ = 	snop  }
__scs_overlays_trampoline_lowered:
0x8: {  	[smem:$0x3F9E] =	sst s0  }
0x9: {  	[smem:$0x3F9F] =	sst s1  }
0xa: {  	[smem:$0x3FA0] =	sst s2  }
0xb: {  	[smem:$0x3FA1] =	sst s3  }
0xc: {  	[smem:$0x3FA2] =	sst s4  }
0xd: {  	[smem:$0x3FA3] =	sst s5  }
0xe: {  	[smem:$0x3FA4] =	sst s6  }
0xf: {  	[smem:$0x3FA5] =	sst s7  }
0x10: {  	[smem:$0x3FA6] =	sst s8  }
0x11: {  	[smem:$0x3FA7] =	sst s9;
	s0 =	simm.s32 @!p0 $0x0  }
0x12: {  	s1 =	sld [smem:$0x3F8D];
	s0 =	simm.s32 @p0 $0x1  }
0x13: {  	[smem:$0x3FA8] =	sst s0;
	s0 =	simm.s32 @!p1 $0x0  }
0x14: {  	s2 =	sld [smem:$0x3F8C];
	s0 =	simm.s32 @p1 $0x1  }
0x15: {  	[smem:$0x3FA9] =	sst s0;
	s0 =	simm.s32 @!p2 $0x0  }
0x16: {  	s3 =	sld [smem:$0x3FDB];
	s0 =	simm.s32 @p2 $0x1  }
0x17: {  	s4 =	simm.s32 $0x1BF5;
	[smem:$0x3FAB] =	sst s0  }
0x18: {  	s0 =	sld [smem:$0x3F8E];
	_ =	swait.ge [sflag:s4], $0x0  }
0x19: {  	s7 =	sld [smem:$0x3F8F]  }
0x1a: {  	s8 =	sadd.s32 $0xFFFFE003, lr  }
0x1b: {  	s9 =	sadd.s32 $0xFFFFFEF7, lr;
	s5 =	simm.s32 $0xFFFFFFFF;
	p2 =	slt.u32 s8, $0xFFFFF086  }
0x1c: {  	p1 =	slt.u32 s9, $0xF7A;
	s5 =	simm.s32 @!p2 $0x0  }
0x1d: {  	s5 =	simm.s32 @p1 $0x1;
	p0 =	seq.s32 s7, s2  }
0x1e: {  	s7 =	smul.u32 @!p0 $0xF7A, s2;
	p2 =	seq.s32 @!p0 s5, $0x0  }
0x1f: {  	s9 =	smul.u32 $0xF7A, s1;
	s8 =	simm.s32 @!p0 $0x1BF5;
	p2 =	por !p2, p0  }
0x20: {  	[sflag:s8] =	ssyncset.s32 @!p0 $0xFFFFF086;
	s6 =	sadd.s32 @!p0 s3, s7;
	s7 =	simm.s32 @!p0 $0x108  }
0x21: {  	s3 =	sadd.s32 s3, s9;
	s6 =	sadd.s32 @!p0 $0x88, s6;
	s7 =	simm.s32 @p2 $0x1082  }
0x22: {  	[simem:s7], [sflag:s8] =	dma.local @!p0 [hbm:s6], $0xF7A  }
0x23: {  	s9 =	sor.u32 $0xD0000000, s2;
	s6 =	simm.s32 $0x108;
	_ =	swait.ge @!p0 [sflag:s8], $0x0  }
0x24: {  	s3 =	sadd.s32 $0x88, s3;
	s6 =	simm.s32 @!p1 $0x1082;
	[sflag:s4] =	ssyncset.s32 $0xFFFFF086  }
0x25: {  	[simem:s6], [sflag:s4] =	dma.local [hbm:s3], $0xF7A  }
0x26: {  	[smem:$0x3F8F] =	sst s1;
	(tag) =	ssettag s2;
	_ =	strace s9  }
0x27: {  	s1 =	sld [smem:$0x3F9F]  }
0x28: {  	s2 =	sld [smem:$0x3FA0]  }
0x29: {  	s4 =	sld [smem:$0x3FA2]  }
0x2a: {  	p0 =	seq.s32 s5, $0x0;
	s5 =	sld [smem:$0x3FA3]  }
0x2b: {  	s6 =	sld [smem:$0x3FA4]  }
0x2c: {  	s7 =	sld [smem:$0x3FA5]  }
0x2d: {  	s3 =	simm.s32 $0x108;
	s8 =	sld [smem:$0x3FA6]  }
0x2e: {  	s3 =	simm.s32 @!p0 $0x1082;
	s9 =	sld [smem:$0x3FA7]  }
0x2f: {  	lr =	sadd.s32 s0, s3;
	s0 =	sld [smem:$0x3F9E]  }
0x30: {  	s3 =	sld [smem:$0x3FA1]  }
0x31: {  	[smem:$0x3FAA] =	sst s10  }
0x32: {  	s10 =	sld [smem:$0x3FA8];
	_ =	sdelay $0x3  }
0x33: {  	p0 =	seq.s32 s10, $0x1;
	s10 =	sld [smem:$0x3FAA];
	_ =	sdelay $0x3  }
0x34: {  	[smem:$0x3FAA] =	sst s10  }
0x35: {  	s10 =	sld [smem:$0x3FA9];
	_ =	sdelay $0x3  }
0x36: {  	p1 =	seq.s32 s10, $0x1;
	s10 =	sld [smem:$0x3FAA];
	_ =	sdelay $0x3  }
0x37: {  	[smem:$0x3FAA] =	sst s10  }
0x38: {  	s10 =	sld [smem:$0x3FAB]  }
0x39: {  	_ = 	snop;
	(pc) =	sbr.ind lr, $3  }
0x3a: {  	_ = 	snop  }
0x3b: {  	_ = 	snop  }
0x3c: {  	p2 =	seq.s32 s10, $0x1;
	s10 =	sld [smem:$0x3FAA]  }
0x3d: {  	_ =	shalt  }
0x3e: {  	_ =	shalt  }
0x3f: {  	_ =	shalt  }
0x40: {  	_ =	shalt  }
0x41: {  	_ =	shalt  }
0x42: {  	_ =	shalt  }
0x43: {  	_ =	shalt  }
0x44: {  	_ =	shalt  }
0x45: {  	_ =	shalt  }
0x46: {  	_ =	shalt  }
0x47: {  	_ =	shalt  }
0x48: {  	_ =	shalt  }
0x49: {  	_ =	shalt  }
0x4a: {  	_ =	shalt  }
0x4b: {  	_ =	shalt  }
0x4c: {  	_ =	shalt  }
0x4d: {  	_ =	shalt  }
0x4e: {  	_ =	shalt  }
0x4f: {  	_ =	shalt  }
0x50: {  	_ =	shalt  }
0x51: {  	_ =	shalt  }
0x52: {  	_ =	shalt  }
0x53: {  	_ =	shalt  }
0x54: {  	_ =	shalt  }
0x55: {  	_ =	shalt  }
0x56: {  	_ =	shalt  }
0x57: {  	_ =	shalt  }
0x58: {  	_ =	shalt  }
0x59: {  	_ =	shalt  }
0x5a: {  	_ =	shalt  }
0x5b: {  	_ =	shalt  }
0x5c: {  	_ =	shalt  }
0x5d: {  	_ =	shalt  }
0x5e: {  	_ =	shalt  }
0x5f: {  	_ =	shalt  }
0x60: {  	_ =	shalt  }
0x61: {  	_ =	shalt  }
0x62: {  	_ =	shalt  }
0x63: {  	_ =	shalt  }
0x64: {  	_ =	shalt  }
0x65: {  	_ =	shalt  }
0x66: {  	_ =	shalt  }
0x67: {  	_ =	shalt  }
0x68: {  	_ =	shalt  }
0x69: {  	_ =	shalt  }
0x6a: {  	_ =	shalt  }
0x6b: {  	_ =	shalt  }
0x6c: {  	_ =	shalt  }
0x6d: {  	_ =	shalt  }
0x6e: {  	_ =	shalt  }
0x6f: {  	_ =	shalt  }
0x70: {  	_ =	shalt  }
0x71: {  	_ =	shalt  }
0x72: {  	_ =	shalt  }
0x73: {  	_ =	shalt  }
0x74: {  	_ =	shalt  }
0x75: {  	_ =	shalt  }
0x76: {  	_ =	shalt  }
0x77: {  	_ =	shalt  }
0x78: {  	_ =	shalt  }
0x79: {  	_ =	shalt  }
0x7a: {  	_ =	shalt  }
0x7b: {  	_ =	shalt  }
0x7c: {  	_ =	shalt  }
0x7d: {  	_ =	shalt  }
0x7e: {  	_ =	shalt  }
0x7f: {  	_ =	shalt  }
0x80: {  	_ =	shalt  }
0x81: {  	_ =	shalt  }
0x82: {  	_ =	shalt  }
0x83: {  	_ =	shalt  }
0x84: {  	_ =	shalt  }
0x85: {  	_ =	shalt  }
0x86: {  	_ =	shalt  }
0x87: {  	_ =	shalt  }
.Lfunc_end0:
.L_simem_size_0:
called_computation.5_lowered:
.L_overlay_start_0:
0x88: {  	s2 =	sld [smem:$0x3FD9]  }
0x89: {  	s3 =	sld [smem:$0x3FFE];
	_ =	sdelay $0x1  }
0x8a: {  	s1 =	srdreg.scid  }
0x8b: {  	s0 =	sand.u32 $0x1, s1  }
0x8c: {  	s14 =	sshll.u32 s0, $0xA;
	s2 =	sadd.s32 s3, s2  }
0x8d: {  	s2 =	sadd.s32 s2, s14  }
0x8e: {  	[smem:$0x3FB6] =	sst s2  }
0x8f: {  	_ = 	snop  }
0x90: {  	s2 =	sld [smem:$0x3FD0];
	_ =	sdelay $0x2  }
0x91: {  	s15 =	simm.s32 $0xA;
	s4 =	simm.s32 $0x10  }
0x92: {  	[smem:s4], [sflag:s15] =	dma.local [hbm:s2], $0x1  }
0x93: {  	_ =	swait.eq [sflag:s15], $0x1  }
0x94: {  	[sflag:s15] =	ssyncset.done $0x0  }
0x95: {  	[sflag:s15] =	ssyncadd.s32 $0xFFFFFFFF  }
0x96: {  	s16 =	sld [smem:$0x10];
	(tm) =	ssettm $0x1  }
0x97: {  	s17 =	sld [smem:$0x3FFB];
	_ =	sdelay $0x3  }
0x98: {  	_ =	strace s17  }
0x99: {  	s3 =	sld [smem:$0x3FFC];
	_ =	sdelay $0x3  }
0x9a: {  	_ =	strace s3  }
0x9b: {  	s3 =	sld [smem:$0x3FFD];
	_ =	sdelay $0x3  }
0x9c: {  	_ =	strace s3  }
0x9d: {  	_ =	strace $0x8FFFFFFF  }
0x9e: {  	s18 =	sld [smem:$0x3FDB];
	_ =	sdelay $0x1  }
0x9f: {  	s19 =	simm.s32 $_scs_section_size  }
0xa0: {  	s5 =	simm.s32 $_size__tile_overlayer_lowered;
	s6 =	simm.s32 $_tile_overlayer_lowered  }
0xa1: {  	s22 =	simm.s32 $0x1BFF;
	s21 =	sshll.u32 s6, $0x1;
	s3 =	sadd.s32 s19, s18  }
0xa2: {  	s7 =	simm.s32 $0x0;
	s20 =	sshll.u32 s5, $0x1;
	s5 =	sadd.s32 s21, s3  }
0xa3: {  	[timem:s7], [sflag:s22] =	dma.local [hbm:s5], s20  }
0xa4: {  	_ =	swait.ge [sflag:s22], s20  }
0xa5: {  	s4 =	ssub.s32 $0x0, s20;
	[sflag:s22] =	ssyncset.done $0x0  }
0xa6: {  	[sflag:s22] =	ssyncadd.s32 s4;
	_ =	sdelay $0x1  }
0xa7: {  	s23 =	simm.s32 $0x1B8B  }
0xa8: {  	_ =	swait.ge [sflag:s23], $0x1  }
0xa9: {  	[sflag:s23] =	ssyncset.done $0x0  }
0xaa: {  	s25 =	simm.s32 $0x1B8E;
	s24 =	sld [smem:$0x3FFE];
	[sflag:s23] =	ssyncadd.s32 $0xFFFFFFFF  }
0xab: {  	s26 =	simm.s32 $execute0_lowered;
	[smem:$0x3FD2] =	sst s25  }
0xac: {  	s5 =	sshll.u32 s26, $0x1;
	_ =	strace $0x80000055;
	[dreg:$0x1] =	wrdreg $0xFFFFFFFF  }
0xad: {  	s28 =	simm.s32 $_size_execute0_lowered;
	s3 =	sadd.s32 s3, s5;
	[dreg:$0x0] =	wrdreg $0x0  }
0xae: {  	s5 =	sshll.u32 s28, $0x1;
	[dreg:$0x2] =	wrdreg s3  }
0xaf: {  	[dreg:$0x3] =	wrdreg s5  }
0xb0: {  	[dreg:$0x4] =	wrdreg $0xC0  }
0xb1: {  	_ =	task [dreg:s7], $0x5FFFF  }
0xb2: {  	[dreg:$0x1] =	wrdreg $0xFFFFFFFF  }
0xb3: {  	[dreg:$0x0] =	wrdreg $0x60  }
0xb4: {  	[dreg:$0x2] =	wrdreg s24  }
0xb5: {  	[dreg:$0x3] =	wrdreg s16  }
0xb6: {  	[dreg:$0x4] =	wrdreg $0x9  }
0xb7: {  	_ =	task.clear_ibuf [dreg:s7], $0x5FFFF;
	_ =	strace $0x90000055  }
0xb8: {  	s29 =	simm.s32 $0x9;
	_ =	strace $0x80000057  }
0xb9: {  	_ =	swait.ge [sflag:s29], $0x1  }
0xba: {  	[sflag:s29] =	ssyncadd.s32 $0xFFFFFFFF  }
0xbb: {  	_ =	strace $0x90000057  }
0xbc: {  	_ =	sfence  }
0xbd: {  	s30 =	sld [smem:$0x0];
	_ =	sdelay $0x2  }
0xbe: {  	s31 =	sshll.u32 s1, $0xD;
	s1 =	sshrl.u32 s1, $0x2  }
0xbf: {  	s3 =	sand.u32 $0x4000, s31;
	s1 =	sadd.s32 s1, s30  }
0xc0: {  	s0 =	sor.u32 s3, s0;
	s1 =	sshll.u32 s1, $0x11  }
0xc1: {  	s0 =	sor.u32 s1, s0  }
0xc2: {  	s0 =	sadd.s32 $0x8F2B, s0  }
0xc3: {  	[sflag:s0] =	ssyncadd.remote.s32 $0x1  }
0xc4: {  	_ =	sfence.sel $0xFFFF  }
0xc5: {  	[dreg:$0x0] =	wrdreg $0xFFFFFFFF;
	(pc) =	sbr.abs _section_cstart, $3  }
0xc6: {  	[dreg:$0x1] =	wrdreg $0xFFFFFFFF  }
0xc7: {  	_ =	task.clear_ibuf [dreg:s7], $0x2FFFF;
	_ =	strace $0x9FFFFFFF  }
0xc8: {  	(tm) =	ssettm $0x7FFFFFFF  }
0xc9: {  	_ =	shalt  }
tec
execute0_lowered:
.L_overlay_start_1:
0x0: {  	(tag) =	ssettag $0x1  }
0x1: {  	s5 =	rddreg [dreg:$0x0]  }
0x2: {  	s6 =	rddreg [dreg:$0x1]  }
0x3: {  	s0 =	rddreg [dreg:$0x2]  }
0x4: {  	s3 =	srdreg.scid;
	s1 =	stileid.u32;
	s2 =	simm.s32 $0x0  }
0x5: {  	s12 =	simm.s32 $0x80;
	s13 =	simm.s32 $0x3100;
	s14 =	simm.s32 $0x7100  }
0x6: {  	s15 =	simm.s32 $0x1;
	s16 =	simm.s32 $0x2;
	s17 =	simm.s32 $0x0  }
0x7: {  	s7 =	sand.u32 $0x1, s3;
	s30 =	sshll.u32 s1, $0x1;
	[smem:$0x7FF] =	sst s2  }
0x8: {  	s4 =	sadd.s32 $0x31C00, s5;
	s9 =	smul.u32 $0x31000, s1;
	s3 =	sor.u32 s7, s30  }
0x9: {  	_ =	strace $0x80000056;
	s10 =	ssub.s32 $0x2, s7;
	s7 =	smul.u32 $0x18800, s7  }
0xa: {  	s8 =	smul.u32 $0x1880, s3;
	s9 =	sadd.s32 s9, s5;
	s31 =	sshrl.u32 s10, $0x1  }
0xb: {  	s3 =	sadd.s32 $0x9C00, s5;
	s10 =	ssub.s32 s10, s31;
	s9 =	sadd.s32 s7, s9  }
0xc: {  	s8 =	sshrl.u32 s8, $0x3;
	s7 =	smax.u32 s10, $0x1;
	s10 =	simm.s32 $0x3  }
0xd: {  	s11 =	sadd.s32 s8, s5;
	s5 =	sadd.s32 s6, s8;
	s8 =	sadd.s32 $0x369C00, s9  }
0xe: {  	s9 =	sadd.s32 $0x59C00, s9;
	s6 =	sadd.s32 $0x3A00, s11;
	s11 =	simm.s32 $0x1880  }
.LBB2_1:
0xf: {  	[tilespmem:s2], [sflag:$0x3] =	stream.linear.gather [hbm4b:s5+s2], $0x1880, $0x38;
	[tilespmem:$0xB100] =	vst v63  }
0x10: {  	_ =	swait.ge [sflag:s10], $0x1880  }
0x11: {  	[sflag:s10] =	ssyncset.done $0x0  }
0x12: {  	[sflag:s10] =	ssyncadd.s32 $0xFFFFE780  }
0x13: {  	[tilespmem:s11], [sflag:$0x3] =	stream.linear.gather [hbm4b:s6+s2], $0x1880, $0x38;
	[tilespmem:$0xB100] =	vst v63  }
0x14: {  	_ =	swait.ge [sflag:s10], $0x1880  }
0x15: {  	[sflag:s10] =	ssyncset.done $0x0  }
0x16: {  	s18 =	simm.s32 $0x0;
	[sflag:s10] =	ssyncadd.s32 $0xFFFFE780  }
0x17: {  	[tilespmem:s13], [sflag:$0x1] =	stream.indirect.gather [hbm4b:s3+s12], $0x80, s18, s12, $0xb8;
	[tilespmem:$0xB100] =	vst v63  }
0x18: {  	s31 =	simm.s32 $0x1880  }
0x19: {  	[tilespmem:s14], [sflag:$0x2] =	stream.indirect.gather [hbm4b:s4+s12], $0x80, s31, s12, $0xb8;
	[tilespmem:$0xB100] =	vst v63  }
0x1a: {  	_ =	swait.ge [sflag:s15], $0x4000  }
0x1b: {  	[sflag:s15] =	ssyncset.done $0x0  }
0x1c: {  	[sflag:s15] =	ssyncadd.s32 $0xFFFFC000  }
0x1d: {  	_ =	swait.ge [sflag:s16], $0x4000  }
0x1e: {  	[sflag:s16] =	ssyncset.done $0x0  }
0x1f: {  	[sflag:s16] =	ssyncadd.s32 $0xFFFFC000  }
0x20: {  	[hbm4b:s9+s2] =	stream.linear.scatter [tilespmem:s13], [sflag:$0x3], $0x4000, $0x38;
	[tilespmem:$0xB100] =	vst v63  }
0x21: {  	_ =	swait.ge [sflag:s10], $0x4000  }
0x22: {  	[sflag:s10] =	ssyncset.done $0x0  }
0x23: {  	[sflag:s10] =	ssyncadd.s32 $0xFFFFC000  }
0x24: {  	[hbm4b:s8+s2] =	stream.linear.scatter [tilespmem:s14], [sflag:$0x3], $0x4000, $0x38;
	[tilespmem:$0xB100] =	vst v63  }
0x25: {  	s20 =	simm.s32 $0x200;
	s21 =	simm.s32 $0x400;
	_ =	swait.ge [sflag:s10], $0x4000  }
0x26: {  	s19 =	sadd.s32 $0x800, s9;
	s18 =	sadd.s32 $0x800, s8;
	[sflag:s10] =	ssyncset.done $0x0  }
.LBB2_2:
0x27: {  	s22 =	sshra.s32 s20, $0x2  }
0x28: {  	[sflag:s10] =	ssyncadd.s32 $0xFFFFC000;
	s20 =	smov.u32 s21;
	s23 =	sadd.s32 $0x200, s21  }
0x29: {  	[tilespmem:s13], [sflag:$0x1] =	stream.indirect.gather [hbm4b:s3+s12], $0x80, s22, s12, $0xb8;
	[tilespmem:$0xB100] =	vst v63  }
0x2a: {  	p0 =	sne.s32 s21, $0x6000;
	s21 =	sadd.s32 $0x1880, s22  }
0x2b: {  	[tilespmem:s14], [sflag:$0x2] =	stream.indirect.gather [hbm4b:s4+s12], $0x80, s21, s12, $0xb8;
	[tilespmem:$0xB100] =	vst v63  }
0x2c: {  	_ =	swait.ge [sflag:s15], $0x4000  }
0x2d: {  	[sflag:s15] =	ssyncset.done $0x0  }
0x2e: {  	[sflag:s15] =	ssyncadd.s32 $0xFFFFC000  }
0x2f: {  	_ =	swait.ge [sflag:s16], $0x4000  }
0x30: {  	[sflag:s16] =	ssyncset.done $0x0  }
0x31: {  	[sflag:s16] =	ssyncadd.s32 $0xFFFFC000  }
0x32: {  	[hbm4b:s19+s2] =	stream.linear.scatter [tilespmem:s13], [sflag:$0x3], $0x4000, $0x38;
	[tilespmem:$0xB100] =	vst v63  }
0x33: {  	_ =	swait.ge [sflag:s10], $0x4000  }
.Ltmp0:
0x34: {  	[sflag:s10] =	ssyncset.done $0x0;
	(pc) =	sbr.rel @p0 .LBB2_2-.Ltmp0, $4  }
0x35: {  	[sflag:s10] =	ssyncadd.s32 $0xFFFFC000  }
0x36: {  	[hbm4b:s18+s2] =	stream.linear.scatter [tilespmem:s14], [sflag:$0x3], $0x4000, $0x38;
	[tilespmem:$0xB100] =	vst v63  }
0x37: {  	s21 =	smov.u32 s23;
	_ =	swait.ge [sflag:s10], $0x4000  }
0x38: {  	s19 =	sadd.s32 $0x800, s19;
	s18 =	sadd.s32 $0x800, s18;
	[sflag:s10] =	ssyncset.done $0x0  }
0x39: {  	s20 =	sshra.s32 s20, $0x2;
	[sflag:s10] =	ssyncadd.s32 $0xFFFFC000  }
0x3a: {  	[tilespmem:s13], [sflag:$0x1] =	stream.indirect.gather [hbm4b:s3+s12], $0x80, s20, s12, $0xb8;
	[tilespmem:$0xB100] =	vst v63  }
0x3b: {  	s20 =	sadd.s32 $0x1880, s20  }
0x3c: {  	[tilespmem:s14], [sflag:$0x2] =	stream.indirect.gather [hbm4b:s4+s12], $0x80, s20, s12, $0xb8;
	[tilespmem:$0xB100] =	vst v63  }
0x3d: {  	_ =	swait.ge [sflag:s15], $0x4000  }
0x3e: {  	[sflag:s15] =	ssyncset.done $0x0  }
0x3f: {  	[sflag:s15] =	ssyncadd.s32 $0xFFFFC000  }
0x40: {  	_ =	swait.ge [sflag:s16], $0x4000  }
0x41: {  	[sflag:s16] =	ssyncset.done $0x0  }
0x42: {  	[sflag:s16] =	ssyncadd.s32 $0xFFFFC000  }
0x43: {  	[hbm4b:s19+s2] =	stream.linear.scatter [tilespmem:s13], [sflag:$0x3], $0x4000, $0x38;
	[tilespmem:$0xB100] =	vst v63  }
0x44: {  	s17 =	sadd.s32 $0x1, s17;
	_ =	swait.ge [sflag:s10], $0x4000  }
0x45: {  	p0 =	sne.s32 s17, s7;
	[sflag:s10] =	ssyncset.done $0x0  }
.Ltmp1:
0x46: {  	[sflag:s10] =	ssyncadd.s32 $0xFFFFC000;
	(pc) =	sbr.rel @p0 .LBB2_1-.Ltmp1, $4  }
0x47: {  	[hbm4b:s18+s2] =	stream.linear.scatter [tilespmem:s14], [sflag:$0x3], $0x4000, $0x38;
	[tilespmem:$0xB100] =	vst v63  }
0x48: {  	_ =	swait.ge [sflag:s10], $0x4000  }
0x49: {  	[sflag:s10] =	ssyncset.done $0x0  }
0x4a: {  	[sflag:s10] =	ssyncadd.s32 $0xFFFFC000  }
0x4b: {  	_ =	sfence.sel $0x180000  }
0x4c: {  	[bflag:$0x0] =	sbarrier.arrive $0xFFFF  }
0x4d: {  	p0 =	sne.s32 s1, $0x0;
	_ =	strace $0x90000056  }
0x4e: {  	s0 =	sadd.s32 @!p0 $0x100000, s0;
	[bflag:$0x2] =	sbarrier.arrive $0xFFFF  }
0x4f: {  	[sflag:s0] =	ssyncadd.tile.s32 @!p0 $0x1;
	_ =	shalt  }
.Lfunc_end2:
_tile_overlayer_lowered:
.L_overlay_start_2:
0x50: {  	(tag) =	ssettag $0x2  }
0x51: {  	s0 =	rddreg [dreg:$0x0];
	s2 =	stileid.u32  }
0x52: {  	s1 =	rddreg [dreg:$0x1];
	p0 =	sne.s32 s2, $0x0  }
0x53: {  	s3 =	rddreg [dreg:$0x2];
	[bflag:$0x3] =	sbarrier.arrive $0xFFFF;
	s2 =	simm.s32 @!p0 $0x1C03  }
0x54: {  	[timem:s3], [sflag:s2] =	dma.local @!p0 [hbm:s0], s1  }
0x55: {  	s0 =	simm.s32 @!p0 $0x3  }
0x56: {  	_ =	swait.ge @!p0 [sflag:s0], s1  }
0x57: {  	s1 =	ssub.s32 @!p0 $0x0, s1;
	[sflag:s0] =	ssyncset.done @!p0 $0x0  }
0x58: {  	[sflag:s0] =	ssyncadd.s32 @!p0 s1  }
0x59: {  	[bflag:$0x3] =	sbarrier.arrive $0xFFFF  }
0x5a: {  	_ =	shalt  }

</sc_bundles>
